<compile_context>
chip_gen: v7x
topology: tpu7x:2x2x1
jax: 0.10.2.dev20260603
libtpu: 0.0.44.dev20260713+nightly
codegen_flags: <defaults>
</compile_context>

<pallas_src>
import functools

import jax
import jax.numpy as jnp
from jax import lax
from jax.experimental import pallas as pl
from jax.experimental.pallas import tpu as pltpu
from jax.experimental.pallas import tpu_sc as plsc

N = 2
C = 128
D = H = W = 48
DHW = D * H * W
P = 100000
L = 16
NC, NS = 2, 16
NW = NC * NS
CH = 32
NCHUNK = P // CH
ITERS = -(-NCHUNK // NW)


def _dim_terms(cv):
    g = 2.0 * cv / 47.0 - 1.0
    ip = ((g + 1.0) * 48.0 - 1.0) / 2.0
    i0 = (ip + 1.0).astype(jnp.int32) - 1
    f0 = i0.astype(jnp.float32)
    w1 = ip - f0
    w0 = (f0 + 1.0) - ip
    v0 = (i0 >= 0) & (i0 <= 47)
    v1 = (i0 >= -1) & (i0 <= 46)
    w0 = jnp.where(v0, w0, 0.0)
    w1 = jnp.where(v1, w1, 0.0)
    i0c = jnp.clip(i0, 0, 47)
    i1c = jnp.clip(i0 + 1, 0, 47)
    return i0c, i1c, w0, w1


def _sc_body(table, cx, cy, cz, out, xv, yv, zv, idx_v, w_v, rows_v, ostage, sem):
    wid = lax.axis_index("s") * NC + lax.axis_index("c")

    for b in range(N):
        @pl.loop(0, ITERS)
        def _chunk_loop(i):
            c = wid + NW * i

            @pl.when(c < NCHUNK)
            def _():
                base = c * CH
                pltpu.sync_copy(cx.at[b, pl.ds(base, CH)], xv)
                pltpu.sync_copy(cy.at[b, pl.ds(base, CH)], yv)
                pltpu.sync_copy(cz.at[b, pl.ds(base, CH)], zv)

                for g16 in range(CH // L):
                    sl = pl.ds(g16 * L, L)
                    x0, x1, wx0, wx1 = _dim_terms(xv[sl])
                    y0, y1, wy0, wy1 = _dim_terms(yv[sl])
                    z0, z1, wz0, wz1 = _dim_terms(zv[sl])
                    xs = (x0, x1)
                    ys = (y0, y1)
                    zs = (z0, z1)
                    wxs = (wx0, wx1)
                    wys = (wy0, wy1)
                    wzs = (wz0, wz1)
                    for k in range(8):
                        dz, dy, dx = (k >> 2) & 1, (k >> 1) & 1, k & 1
                        idx = (zs[dz] * H + ys[dy]) * W + xs[dx] + b * DHW
                        wgt = wzs[dz] * wys[dy] * wxs[dx]
                        sk = pl.ds(k * CH + g16 * L, L)
                        idx_v[sk] = idx
                        w_v[sk] = wgt

                cp0 = pltpu.async_copy(
                    table.at[idx_v.at[pl.ds(0, 128)]],
                    rows_v.at[pl.ds(0, 128)], sem)
                cp1 = pltpu.async_copy(
                    table.at[idx_v.at[pl.ds(128, 128)]],
                    rows_v.at[pl.ds(128, 128)], sem)
                cp0.wait()
                cp1.wait()

                @pl.loop(0, CH)
                def _point_loop(p):
                    accs = [jnp.zeros((L,), jnp.float32)] * (C // L)
                    for k in range(8):
                        q = k * CH + p
                        wv = w_v[pl.ds(q, L)]
                        wk = jnp.full((L,), wv[0], dtype=jnp.float32)
                        for g in range(C // L):
                            r = rows_v[q, pl.ds(g * L, L)]
                            accs[g] = accs[g] + wk * r
                    for g in range(C // L):
                        ostage[p, pl.ds(g * L, L)] = accs[g]

                pltpu.sync_copy(ostage, out.at[b, pl.ds(base, CH)])


@jax.jit
def _sc_interp(table, cx, cy, cz):
    mesh = plsc.VectorSubcoreMesh(
        core_axis_name="c", subcore_axis_name="s", num_cores=NC, num_subcores=NS
    )
    f = pl.kernel(
        _sc_body,
        out_type=jax.ShapeDtypeStruct((N, P, C), jnp.float32),
        mesh=mesh,
        scratch_types=[
            pltpu.VMEM((CH,), jnp.float32),
            pltpu.VMEM((CH,), jnp.float32),
            pltpu.VMEM((CH,), jnp.float32),
            pltpu.VMEM((8 * CH,), jnp.int32),
            pltpu.VMEM((8 * CH + L,), jnp.float32),
            pltpu.VMEM((8 * CH, C), jnp.float32),
            pltpu.VMEM((CH, C), jnp.float32),
            pltpu.SemaphoreType.DMA,
        ],
    )
    return f(table, cx, cy, cz)


def kernel(encoder_outputs, graph_coords):
    n, ch, d, h, w = encoder_outputs.shape
    table = (
        encoder_outputs.reshape(n, ch, d * h * w)
        .transpose(0, 2, 1)
        .reshape(n * d * h * w, ch)
    )
    coords = graph_coords.reshape(n, -1, 3)
    cx = coords[..., 0]
    cy = coords[..., 1]
    cz = coords[..., 2]
    out = _sc_interp(table, cx, cy, cz)
    return out.reshape(n, 1, 1, P, ch)

# --- scband reference (transcript-rebuilt; emitter-appended) ---
"""Pipeline reference for scband-imageto-graph-9560597201236 (READ-ONLY COPY).

The authoritative reference and input builder live on the scoring server;
editing this copy changes nothing except your own understanding.
"""

import jax, jax.numpy as jnp
import numpy as np


def _grid_sample_3d(inp, grid):
    # Faithful port of torch.nn.functional.grid_sample for 5-D input:
    # mode='bilinear' (trilinear), padding_mode='zeros', align_corners=False.
    # grid[..., 0] -> x (W axis), grid[..., 1] -> y (H axis), grid[..., 2] -> z (D axis).
    N, C, D, H, W = inp.shape
    out_sp = grid.shape[1:4]
    g = grid.reshape(N, -1, 3)
    ix = ((g[..., 0] + 1.0) * W - 1.0) / 2.0
    iy = ((g[..., 1] + 1.0) * H - 1.0) / 2.0
    iz = ((g[..., 2] + 1.0) * D - 1.0) / 2.0
    x0 = jnp.floor(ix); y0 = jnp.floor(iy); z0 = jnp.floor(iz)
    x1 = x0 + 1.0; y1 = y0 + 1.0; z1 = z0 + 1.0
    flat = inp.reshape(N, C, D * H * W)

    def corner(xc, yc, zc, w):
        valid = (xc >= 0) & (xc <= W - 1) & (yc >= 0) & (yc <= H - 1) & (zc >= 0) & (zc <= D - 1)
        xi = jnp.clip(xc, 0, W - 1).astype(jnp.int32)
        yi = jnp.clip(yc, 0, H - 1).astype(jnp.int32)
        zi = jnp.clip(zc, 0, D - 1).astype(jnp.int32)
        idx = (zi * H + yi) * W + xi  # [N, P]
        vals = jax.vmap(lambda f, i: jnp.take(f, i, axis=1))(flat, idx)  # [N, C, P]
        return vals * (w * valid.astype(inp.dtype))[:, None, :]

    out = corner(x0, y0, z0, (x1 - ix) * (y1 - iy) * (z1 - iz))
    out = out + corner(x1, y0, z0, (ix - x0) * (y1 - iy) * (z1 - iz))
    out = out + corner(x0, y1, z0, (x1 - ix) * (iy - y0) * (z1 - iz))
    out = out + corner(x1, y1, z0, (ix - x0) * (iy - y0) * (z1 - iz))
    out = out + corner(x0, y0, z1, (x1 - ix) * (y1 - iy) * (iz - z0))
    out = out + corner(x1, y0, z1, (ix - x0) * (y1 - iy) * (iz - z0))
    out = out + corner(x0, y1, z1, (x1 - ix) * (iy - y0) * (iz - z0))
    out = out + corner(x1, y1, z1, (ix - x0) * (iy - y0) * (iz - z0))
    return out.reshape(N, C, out_sp[0], out_sp[1], out_sp[2])


def setup_inputs(seed: int = 0) -> dict:
    key = jax.random.key(seed)
    k1, k2 = jax.random.split(key)
    encoder_outputs = jax.random.normal(k1, (2, 128, 48, 48, 48), dtype=jnp.float32)
    # voxel-space coordinates in [0, dim-1] for each of the 3 spatial dims (cubic volume, 48)
    graph_coords = jax.random.uniform(k2, (2, 1, 1, 100000, 3), dtype=jnp.float32) * 47.0
    return {"encoder_outputs": encoder_outputs, "graph_coords": graph_coords}


def reference(encoder_outputs, graph_coords):
    spatial = encoder_outputs.shape[2:]
    grid = jnp.stack([2.0 * graph_coords[..., i] / (d - 1) - 1.0 for i, d in enumerate(spatial)], axis=-1)
    projection = _grid_sample_3d(encoder_outputs, grid)
    return jnp.transpose(projection, (0, 2, 3, 4, 1))

if __name__ == "__main__":
    import jax
    _d = setup_inputs()
    print(jax.jit(kernel)(*tuple(_d.values())))

</pallas_src>

<mosaic_0001>
#map = affine_map<(d0, d1) -> (0, 0)>
#map1 = affine_map<(d0, d1) -> (0, 0, 0)>
module attributes {stable_mosaic.version = 14 : i64} {
  func.func @_sc_body(%arg0: i32, %arg1: i32, %arg2: memref<221184x128xf32, #tpu.memory_space<hbm>>, %arg3: memref<2x100000xf32, #tpu.memory_space<hbm>>, %arg4: memref<2x100000xf32, #tpu.memory_space<hbm>>, %arg5: memref<2x100000xf32, #tpu.memory_space<hbm>>, %arg6: memref<2x100000x128xf32, #tpu.memory_space<hbm>>, %arg7: memref<32xf32, #tpu.memory_space<vmem>>, %arg8: memref<32xf32, #tpu.memory_space<vmem>>, %arg9: memref<32xf32, #tpu.memory_space<vmem>>, %arg10: memref<256xi32, #tpu.memory_space<vmem>>, %arg11: memref<272xf32, #tpu.memory_space<vmem>>, %arg12: memref<256x128xf32, #tpu.memory_space<vmem>>, %arg13: memref<32x128xf32, #tpu.memory_space<vmem>>, %arg14: memref<!tpu.dma_semaphore, #tpu.memory_space<semaphore_mem>>) attributes {dimension_semantics = [#tpu.dimension_semantics<core_parallel>, #tpu.dimension_semantics<subcore_parallel>], iteration_bounds = array<i64: 2, 16>, scalar_prefetch = 0 : i64, scratch_operands = 8 : i64, tpu.core_type = #tpu.core_type<sc_vector_subcore>, window_params = [{transform_indices = #map}, {transform_indices = #map}, {transform_indices = #map}, {transform_indices = #map}, {transform_indices = #map1}]} {
    %mul3A = arith.constant 2 : i32
    %mul3A_0 = arith.muli %arg1, %mul3A : i32
    %add3A = arith.addi %mul3A_0, %arg0 : i32
    %scan3A = arith.constant 0 : i32
    %scan3A_1 = arith.constant 98 : i32
    %scan3A_2 = arith.addi %scan3A, %scan3A_1 : i32
    %scan3A_3 = arith.constant 1 : i32
    scf.for %scan3A_10 = %scan3A to %scan3A_2 step %scan3A_3  : i32 {
      %mul3A_11 = arith.constant 1 : i32
      %mul3A_12 = arith.muli %scan3A_10, %mul3A_11 : i32
      %add3A_13 = arith.constant 0 : i32
      %add3A_14 = arith.addi %add3A_13, %mul3A_12 : i32
      %mul3A_15 = arith.constant 32 : i32
      %mul3A_16 = arith.muli %mul3A_15, %add3A_14 : i32
      %add3A_17 = arith.addi %add3A, %mul3A_16 : i32
      %lt3A = arith.constant 3125 : i32
      %lt3A_18 = arith.cmpi slt, %add3A_17, %lt3A : i32
      %convert_element_type3A = arith.extui %lt3A_18 : i1 to i32
      %cond3A = arith.constant 0 : i32
      %cond3A_19 = arith.cmpi ne, %convert_element_type3A, %cond3A : i32
      scf.if %cond3A_19 {
        %mul3A_20 = arith.constant 32 : i32
        %mul3A_21 = arith.muli %add3A_17, %mul3A_20 : i32
        %run_scoped3A = arith.constant 0 : i32
        "tpu.region"() ({
          %run_scoped3A_816 = tpu.sem_alloc : memref<!tpu.dma_semaphore, #tpu.memory_space<semaphore_mem>>
          %dma_start3A_817 = tpu.memref_slice %arg3[%run_scoped3A, %mul3A_21] : memref<2x100000xf32, #tpu.memory_space<hbm>> -> memref<1x32xf32, #tpu.memory_space<hbm>>
          %dma_start3A_818 = tpu.memref_squeeze %dma_start3A_817 : memref<1x32xf32, #tpu.memory_space<hbm>> -> memref<32xf32, #tpu.memory_space<hbm>>
          %dma_start3A_819 = tpu.memref_slice %arg3[%run_scoped3A, %mul3A_21] : memref<2x100000xf32, #tpu.memory_space<hbm>> -> memref<1x32xf32, #tpu.memory_space<hbm>>
          %dma_start3A_820 = tpu.memref_squeeze %dma_start3A_819 : memref<1x32xf32, #tpu.memory_space<hbm>> -> memref<32xf32, #tpu.memory_space<hbm>>
          tpu.enqueue_dma source(%dma_start3A_820 : memref<32xf32, #tpu.memory_space<hbm>>) target(%arg7 : memref<32xf32, #tpu.memory_space<vmem>>) target_semaphore(%run_scoped3A_816 : memref<!tpu.dma_semaphore, #tpu.memory_space<semaphore_mem>>)
          %dma_wait3A_821 = tpu.memref_slice %arg3[%run_scoped3A, %mul3A_21] : memref<2x100000xf32, #tpu.memory_space<hbm>> -> memref<1x32xf32, #tpu.memory_space<hbm>>
          %dma_wait3A_822 = tpu.memref_squeeze %dma_wait3A_821 : memref<1x32xf32, #tpu.memory_space<hbm>> -> memref<32xf32, #tpu.memory_space<hbm>>
          %dma_wait3A_823 = tpu.memref_slice %arg3[%run_scoped3A, %mul3A_21] : memref<2x100000xf32, #tpu.memory_space<hbm>> -> memref<1x32xf32, #tpu.memory_space<hbm>>
          %dma_wait3A_824 = tpu.memref_squeeze %dma_wait3A_823 : memref<1x32xf32, #tpu.memory_space<hbm>> -> memref<32xf32, #tpu.memory_space<hbm>>
          tpu.wait_dma2 semaphore(%run_scoped3A_816 : memref<!tpu.dma_semaphore, #tpu.memory_space<semaphore_mem>>) src(%dma_wait3A_824 : memref<32xf32, #tpu.memory_space<hbm>>) dst(%arg7 : memref<32xf32, #tpu.memory_space<vmem>>)
          tpu.yield
        }) : () -> ()
        %run_scoped3A_22 = arith.constant 0 : i32
        "tpu.region"() ({
          %run_scoped3A_816 = tpu.sem_alloc : memref<!tpu.dma_semaphore, #tpu.memory_space<semaphore_mem>>
          %dma_start3A_817 = tpu.memref_slice %arg4[%run_scoped3A_22, %mul3A_21] : memref<2x100000xf32, #tpu.memory_space<hbm>> -> memref<1x32xf32, #tpu.memory_space<hbm>>
          %dma_start3A_818 = tpu.memref_squeeze %dma_start3A_817 : memref<1x32xf32, #tpu.memory_space<hbm>> -> memref<32xf32, #tpu.memory_space<hbm>>
          %dma_start3A_819 = tpu.memref_slice %arg4[%run_scoped3A_22, %mul3A_21] : memref<2x100000xf32, #tpu.memory_space<hbm>> -> memref<1x32xf32, #tpu.memory_space<hbm>>
          %dma_start3A_820 = tpu.memref_squeeze %dma_start3A_819 : memref<1x32xf32, #tpu.memory_space<hbm>> -> memref<32xf32, #tpu.memory_space<hbm>>
          tpu.enqueue_dma source(%dma_start3A_820 : memref<32xf32, #tpu.memory_space<hbm>>) target(%arg8 : memref<32xf32, #tpu.memory_space<vmem>>) target_semaphore(%run_scoped3A_816 : memref<!tpu.dma_semaphore, #tpu.memory_space<semaphore_mem>>)
          %dma_wait3A_821 = tpu.memref_slice %arg4[%run_scoped3A_22, %mul3A_21] : memref<2x100000xf32, #tpu.memory_space<hbm>> -> memref<1x32xf32, #tpu.memory_space<hbm>>
          %dma_wait3A_822 = tpu.memref_squeeze %dma_wait3A_821 : memref<1x32xf32, #tpu.memory_space<hbm>> -> memref<32xf32, #tpu.memory_space<hbm>>
          %dma_wait3A_823 = tpu.memref_slice %arg4[%run_scoped3A_22, %mul3A_21] : memref<2x100000xf32, #tpu.memory_space<hbm>> -> memref<1x32xf32, #tpu.memory_space<hbm>>
          %dma_wait3A_824 = tpu.memref_squeeze %dma_wait3A_823 : memref<1x32xf32, #tpu.memory_space<hbm>> -> memref<32xf32, #tpu.memory_space<hbm>>
          tpu.wait_dma2 semaphore(%run_scoped3A_816 : memref<!tpu.dma_semaphore, #tpu.memory_space<semaphore_mem>>) src(%dma_wait3A_824 : memref<32xf32, #tpu.memory_space<hbm>>) dst(%arg8 : memref<32xf32, #tpu.memory_space<vmem>>)
          tpu.yield
        }) : () -> ()
        %run_scoped3A_23 = arith.constant 0 : i32
        "tpu.region"() ({
          %run_scoped3A_816 = tpu.sem_alloc : memref<!tpu.dma_semaphore, #tpu.memory_space<semaphore_mem>>
          %dma_start3A_817 = tpu.memref_slice %arg5[%run_scoped3A_23, %mul3A_21] : memref<2x100000xf32, #tpu.memory_space<hbm>> -> memref<1x32xf32, #tpu.memory_space<hbm>>
          %dma_start3A_818 = tpu.memref_squeeze %dma_start3A_817 : memref<1x32xf32, #tpu.memory_space<hbm>> -> memref<32xf32, #tpu.memory_space<hbm>>
          %dma_start3A_819 = tpu.memref_slice %arg5[%run_scoped3A_23, %mul3A_21] : memref<2x100000xf32, #tpu.memory_space<hbm>> -> memref<1x32xf32, #tpu.memory_space<hbm>>
          %dma_start3A_820 = tpu.memref_squeeze %dma_start3A_819 : memref<1x32xf32, #tpu.memory_space<hbm>> -> memref<32xf32, #tpu.memory_space<hbm>>
          tpu.enqueue_dma source(%dma_start3A_820 : memref<32xf32, #tpu.memory_space<hbm>>) target(%arg9 : memref<32xf32, #tpu.memory_space<vmem>>) target_semaphore(%run_scoped3A_816 : memref<!tpu.dma_semaphore, #tpu.memory_space<semaphore_mem>>)
          %dma_wait3A_821 = tpu.memref_slice %arg5[%run_scoped3A_23, %mul3A_21] : memref<2x100000xf32, #tpu.memory_space<hbm>> -> memref<1x32xf32, #tpu.memory_space<hbm>>
          %dma_wait3A_822 = tpu.memref_squeeze %dma_wait3A_821 : memref<1x32xf32, #tpu.memory_space<hbm>> -> memref<32xf32, #tpu.memory_space<hbm>>
          %dma_wait3A_823 = tpu.memref_slice %arg5[%run_scoped3A_23, %mul3A_21] : memref<2x100000xf32, #tpu.memory_space<hbm>> -> memref<1x32xf32, #tpu.memory_space<hbm>>
          %dma_wait3A_824 = tpu.memref_squeeze %dma_wait3A_823 : memref<1x32xf32, #tpu.memory_space<hbm>> -> memref<32xf32, #tpu.memory_space<hbm>>
          tpu.wait_dma2 semaphore(%run_scoped3A_816 : memref<!tpu.dma_semaphore, #tpu.memory_space<semaphore_mem>>) src(%dma_wait3A_824 : memref<32xf32, #tpu.memory_space<hbm>>) dst(%arg9 : memref<32xf32, #tpu.memory_space<vmem>>)
          tpu.yield
        }) : () -> ()
        %get3A = arith.constant 0 : index
        %get3A_24 = tpu.vector_load %arg7[%get3A] {strides = array<i32>} : memref<32xf32, #tpu.memory_space<vmem>>, vector<16xf32>,
        %get3A_25 = vector.shape_cast %get3A_24 : vector<16xf32> to vector<16xf32>
        %mul3A_26 = arith.constant 2.000000e+00 : f32
        %mul3A_27 = vector.broadcast %mul3A_26 : f32 to vector<16xf32>
        %mul3A_28 = arith.mulf %mul3A_27, %get3A_25 : vector<16xf32>
        %div3A = arith.constant 4.700000e+01 : f32
        %div3A_29 = vector.broadcast %div3A : f32 to vector<16xf32>
        %div3A_30 = arith.divf %mul3A_28, %div3A_29 : vector<16xf32>
        %sub3A = arith.constant 1.000000e+00 : f32
        %sub3A_31 = vector.broadcast %sub3A : f32 to vector<16xf32>
        %sub3A_32 = arith.subf %div3A_30, %sub3A_31 : vector<16xf32>
        %add3A_33 = arith.constant 1.000000e+00 : f32
        %add3A_34 = vector.broadcast %add3A_33 : f32 to vector<16xf32>
        %add3A_35 = arith.addf %sub3A_32, %add3A_34 : vector<16xf32>
        %mul3A_36 = arith.constant 4.800000e+01 : f32
        %mul3A_37 = vector.broadcast %mul3A_36 : f32 to vector<16xf32>
        %mul3A_38 = arith.mulf %add3A_35, %mul3A_37 : vector<16xf32>
        %sub3A_39 = arith.constant 1.000000e+00 : f32
        %sub3A_40 = vector.broadcast %sub3A_39 : f32 to vector<16xf32>
        %sub3A_41 = arith.subf %mul3A_38, %sub3A_40 : vector<16xf32>
        %div3A_42 = arith.constant 2.000000e+00 : f32
        %div3A_43 = vector.broadcast %div3A_42 : f32 to vector<16xf32>
        %div3A_44 = arith.divf %sub3A_41, %div3A_43 : vector<16xf32>
        %add3A_45 = arith.constant 1.000000e+00 : f32
        %add3A_46 = vector.broadcast %add3A_45 : f32 to vector<16xf32>
        %add3A_47 = arith.addf %div3A_44, %add3A_46 : vector<16xf32>
        %convert_element_type3A_48 = arith.fptosi %add3A_47 : vector<16xf32> to vector<16xi32>
        %sub3A_49 = arith.constant 1 : i32
        %sub3A_50 = vector.broadcast %sub3A_49 : i32 to vector<16xi32>
        %sub3A_51 = arith.subi %convert_element_type3A_48, %sub3A_50 : vector<16xi32>
        %convert_element_type3A_52 = arith.sitofp %sub3A_51 : vector<16xi32> to vector<16xf32>
        %sub3A_53 = arith.subf %div3A_44, %convert_element_type3A_52 : vector<16xf32>
        %add3A_54 = arith.constant 1.000000e+00 : f32
        %add3A_55 = vector.broadcast %add3A_54 : f32 to vector<16xf32>
        %add3A_56 = arith.addf %convert_element_type3A_52, %add3A_55 : vector<16xf32>
        %sub3A_57 = arith.subf %add3A_56, %div3A_44 : vector<16xf32>
        %ge3A = arith.constant 0 : i32
        %ge3A_58 = vector.broadcast %ge3A : i32 to vector<16xi32>
        %ge3A_59 = arith.cmpi sge, %sub3A_51, %ge3A_58 : vector<16xi32>
        %le3A = arith.constant 47 : i32
        %le3A_60 = vector.broadcast %le3A : i32 to vector<16xi32>
        %le3A_61 = arith.cmpi sle, %sub3A_51, %le3A_60 : vector<16xi32>
        %and3A = arith.andi %ge3A_59, %le3A_61 : vector<16xi1>
        %ge3A_62 = arith.constant -1 : i32
        %ge3A_63 = vector.broadcast %ge3A_62 : i32 to vector<16xi32>
        %ge3A_64 = arith.cmpi sge, %sub3A_51, %ge3A_63 : vector<16xi32>
        %le3A_65 = arith.constant 46 : i32
        %le3A_66 = vector.broadcast %le3A_65 : i32 to vector<16xi32>
        %le3A_67 = arith.cmpi sle, %sub3A_51, %le3A_66 : vector<16xi32>
        %and3A_68 = arith.andi %ge3A_64, %le3A_67 : vector<16xi1>
        %jit3A = arith.constant 0.000000e+00 : f32
        %broadcast_in_dim3A = vector.broadcast %jit3A : f32 to vector<16xf32>
        %select_n3A = arith.select %and3A, %sub3A_57, %broadcast_in_dim3A : vector<16xi1>, vector<16xf32>
        %jit3A_69 = arith.constant 0.000000e+00 : f32
        %broadcast_in_dim3A_70 = vector.broadcast %jit3A_69 : f32 to vector<16xf32>
        %select_n3A_71 = arith.select %and3A_68, %sub3A_53, %broadcast_in_dim3A_70 : vector<16xi1>, vector<16xf32>
        %jit3A_72 = arith.constant 0 : i32
        %jit3A_73 = arith.constant 47 : i32
        %max3A = vector.broadcast %jit3A_72 : i32 to vector<16xi32>
        %max3A_74 = arith.maxsi %max3A, %sub3A_51 : vector<16xi32>
        %min3A = vector.broadcast %jit3A_73 : i32 to vector<16xi32>
        %min3A_75 = arith.minsi %min3A, %max3A_74 : vector<16xi32>
        %add3A_76 = arith.constant 1 : i32
        %add3A_77 = vector.broadcast %add3A_76 : i32 to vector<16xi32>
        %add3A_78 = arith.addi %sub3A_51, %add3A_77 : vector<16xi32>
        %jit3A_79 = arith.constant 0 : i32
        %jit3A_80 = arith.constant 47 : i32
        %max3A_81 = vector.broadcast %jit3A_79 : i32 to vector<16xi32>
        %max3A_82 = arith.maxsi %max3A_81, %add3A_78 : vector<16xi32>
        %min3A_83 = vector.broadcast %jit3A_80 : i32 to vector<16xi32>
        %min3A_84 = arith.minsi %min3A_83, %max3A_82 : vector<16xi32>
        %get3A_85 = arith.constant 0 : index
        %get3A_86 = tpu.vector_load %arg8[%get3A_85] {strides = array<i32>} : memref<32xf32, #tpu.memory_space<vmem>>, vector<16xf32>,
        %get3A_87 = vector.shape_cast %get3A_86 : vector<16xf32> to vector<16xf32>
        %mul3A_88 = arith.constant 2.000000e+00 : f32
        %mul3A_89 = vector.broadcast %mul3A_88 : f32 to vector<16xf32>
        %mul3A_90 = arith.mulf %mul3A_89, %get3A_87 : vector<16xf32>
        %div3A_91 = arith.constant 4.700000e+01 : f32
        %div3A_92 = vector.broadcast %div3A_91 : f32 to vector<16xf32>
        %div3A_93 = arith.divf %mul3A_90, %div3A_92 : vector<16xf32>
        %sub3A_94 = arith.constant 1.000000e+00 : f32
        %sub3A_95 = vector.broadcast %sub3A_94 : f32 to vector<16xf32>
        %sub3A_96 = arith.subf %div3A_93, %sub3A_95 : vector<16xf32>
        %add3A_97 = arith.constant 1.000000e+00 : f32
        %add3A_98 = vector.broadcast %add3A_97 : f32 to vector<16xf32>
        %add3A_99 = arith.addf %sub3A_96, %add3A_98 : vector<16xf32>
        %mul3A_100 = arith.constant 4.800000e+01 : f32
        %mul3A_101 = vector.broadcast %mul3A_100 : f32 to vector<16xf32>
        %mul3A_102 = arith.mulf %add3A_99, %mul3A_101 : vector<16xf32>
        %sub3A_103 = arith.constant 1.000000e+00 : f32
        %sub3A_104 = vector.broadcast %sub3A_103 : f32 to vector<16xf32>
        %sub3A_105 = arith.subf %mul3A_102, %sub3A_104 : vector<16xf32>
        %div3A_106 = arith.constant 2.000000e+00 : f32
        %div3A_107 = vector.broadcast %div3A_106 : f32 to vector<16xf32>
        %div3A_108 = arith.divf %sub3A_105, %div3A_107 : vector<16xf32>
        %add3A_109 = arith.constant 1.000000e+00 : f32
        %add3A_110 = vector.broadcast %add3A_109 : f32 to vector<16xf32>
        %add3A_111 = arith.addf %div3A_108, %add3A_110 : vector<16xf32>
        %convert_element_type3A_112 = arith.fptosi %add3A_111 : vector<16xf32> to vector<16xi32>
        %sub3A_113 = arith.constant 1 : i32
        %sub3A_114 = vector.broadcast %sub3A_113 : i32 to vector<16xi32>
        %sub3A_115 = arith.subi %convert_element_type3A_112, %sub3A_114 : vector<16xi32>
        %convert_element_type3A_116 = arith.sitofp %sub3A_115 : vector<16xi32> to vector<16xf32>
        %sub3A_117 = arith.subf %div3A_108, %convert_element_type3A_116 : vector<16xf32>
        %add3A_118 = arith.constant 1.000000e+00 : f32
        %add3A_119 = vector.broadcast %add3A_118 : f32 to vector<16xf32>
        %add3A_120 = arith.addf %convert_element_type3A_116, %add3A_119 : vector<16xf32>
        %sub3A_121 = arith.subf %add3A_120, %div3A_108 : vector<16xf32>
        %ge3A_122 = arith.constant 0 : i32
        %ge3A_123 = vector.broadcast %ge3A_122 : i32 to vector<16xi32>
        %ge3A_124 = arith.cmpi sge, %sub3A_115, %ge3A_123 : vector<16xi32>
        %le3A_125 = arith.constant 47 : i32
        %le3A_126 = vector.broadcast %le3A_125 : i32 to vector<16xi32>
        %le3A_127 = arith.cmpi sle, %sub3A_115, %le3A_126 : vector<16xi32>
        %and3A_128 = arith.andi %ge3A_124, %le3A_127 : vector<16xi1>
        %ge3A_129 = arith.constant -1 : i32
        %ge3A_130 = vector.broadcast %ge3A_129 : i32 to vector<16xi32>
        %ge3A_131 = arith.cmpi sge, %sub3A_115, %ge3A_130 : vector<16xi32>
        %le3A_132 = arith.constant 46 : i32
        %le3A_133 = vector.broadcast %le3A_132 : i32 to vector<16xi32>
        %le3A_134 = arith.cmpi sle, %sub3A_115, %le3A_133 : vector<16xi32>
        %and3A_135 = arith.andi %ge3A_131, %le3A_134 : vector<16xi1>
        %jit3A_136 = arith.constant 0.000000e+00 : f32
        %broadcast_in_dim3A_137 = vector.broadcast %jit3A_136 : f32 to vector<16xf32>
        %select_n3A_138 = arith.select %and3A_128, %sub3A_121, %broadcast_in_dim3A_137 : vector<16xi1>, vector<16xf32>
        %jit3A_139 = arith.constant 0.000000e+00 : f32
        %broadcast_in_dim3A_140 = vector.broadcast %jit3A_139 : f32 to vector<16xf32>
        %select_n3A_141 = arith.select %and3A_135, %sub3A_117, %broadcast_in_dim3A_140 : vector<16xi1>, vector<16xf32>
        %jit3A_142 = arith.constant 0 : i32
        %jit3A_143 = arith.constant 47 : i32
        %max3A_144 = vector.broadcast %jit3A_142 : i32 to vector<16xi32>
        %max3A_145 = arith.maxsi %max3A_144, %sub3A_115 : vector<16xi32>
        %min3A_146 = vector.broadcast %jit3A_143 : i32 to vector<16xi32>
        %min3A_147 = arith.minsi %min3A_146, %max3A_145 : vector<16xi32>
        %add3A_148 = arith.constant 1 : i32
        %add3A_149 = vector.broadcast %add3A_148 : i32 to vector<16xi32>
        %add3A_150 = arith.addi %sub3A_115, %add3A_149 : vector<16xi32>
        %jit3A_151 = arith.constant 0 : i32
        %jit3A_152 = arith.constant 47 : i32
        %max3A_153 = vector.broadcast %jit3A_151 : i32 to vector<16xi32>
        %max3A_154 = arith.maxsi %max3A_153, %add3A_150 : vector<16xi32>
        %min3A_155 = vector.broadcast %jit3A_152 : i32 to vector<16xi32>
        %min3A_156 = arith.minsi %min3A_155, %max3A_154 : vector<16xi32>
        %get3A_157 = arith.constant 0 : index
        %get3A_158 = tpu.vector_load %arg9[%get3A_157] {strides = array<i32>} : memref<32xf32, #tpu.memory_space<vmem>>, vector<16xf32>,
        %get3A_159 = vector.shape_cast %get3A_158 : vector<16xf32> to vector<16xf32>
        %mul3A_160 = arith.constant 2.000000e+00 : f32
        %mul3A_161 = vector.broadcast %mul3A_160 : f32 to vector<16xf32>
        %mul3A_162 = arith.mulf %mul3A_161, %get3A_159 : vector<16xf32>
        %div3A_163 = arith.constant 4.700000e+01 : f32
        %div3A_164 = vector.broadcast %div3A_163 : f32 to vector<16xf32>
        %div3A_165 = arith.divf %mul3A_162, %div3A_164 : vector<16xf32>
        %sub3A_166 = arith.constant 1.000000e+00 : f32
        %sub3A_167 = vector.broadcast %sub3A_166 : f32 to vector<16xf32>
        %sub3A_168 = arith.subf %div3A_165, %sub3A_167 : vector<16xf32>
        %add3A_169 = arith.constant 1.000000e+00 : f32
        %add3A_170 = vector.broadcast %add3A_169 : f32 to vector<16xf32>
        %add3A_171 = arith.addf %sub3A_168, %add3A_170 : vector<16xf32>
        %mul3A_172 = arith.constant 4.800000e+01 : f32
        %mul3A_173 = vector.broadcast %mul3A_172 : f32 to vector<16xf32>
        %mul3A_174 = arith.mulf %add3A_171, %mul3A_173 : vector<16xf32>
        %sub3A_175 = arith.constant 1.000000e+00 : f32
        %sub3A_176 = vector.broadcast %sub3A_175 : f32 to vector<16xf32>
        %sub3A_177 = arith.subf %mul3A_174, %sub3A_176 : vector<16xf32>
        %div3A_178 = arith.constant 2.000000e+00 : f32
        %div3A_179 = vector.broadcast %div3A_178 : f32 to vector<16xf32>
        %div3A_180 = arith.divf %sub3A_177, %div3A_179 : vector<16xf32>
        %add3A_181 = arith.constant 1.000000e+00 : f32
        %add3A_182 = vector.broadcast %add3A_181 : f32 to vector<16xf32>
        %add3A_183 = arith.addf %div3A_180, %add3A_182 : vector<16xf32>
        %convert_element_type3A_184 = arith.fptosi %add3A_183 : vector<16xf32> to vector<16xi32>
        %sub3A_185 = arith.constant 1 : i32
        %sub3A_186 = vector.broadcast %sub3A_185 : i32 to vector<16xi32>
        %sub3A_187 = arith.subi %convert_element_type3A_184, %sub3A_186 : vector<16xi32>
        %convert_element_type3A_188 = arith.sitofp %sub3A_187 : vector<16xi32> to vector<16xf32>
        %sub3A_189 = arith.subf %div3A_180, %convert_element_type3A_188 : vector<16xf32>
        %add3A_190 = arith.constant 1.000000e+00 : f32
        %add3A_191 = vector.broadcast %add3A_190 : f32 to vector<16xf32>
        %add3A_192 = arith.addf %convert_element_type3A_188, %add3A_191 : vector<16xf32>
        %sub3A_193 = arith.subf %add3A_192, %div3A_180 : vector<16xf32>
        %ge3A_194 = arith.constant 0 : i32
        %ge3A_195 = vector.broadcast %ge3A_194 : i32 to vector<16xi32>
        %ge3A_196 = arith.cmpi sge, %sub3A_187, %ge3A_195 : vector<16xi32>
        %le3A_197 = arith.constant 47 : i32
        %le3A_198 = vector.broadcast %le3A_197 : i32 to vector<16xi32>
        %le3A_199 = arith.cmpi sle, %sub3A_187, %le3A_198 : vector<16xi32>
        %and3A_200 = arith.andi %ge3A_196, %le3A_199 : vector<16xi1>
        %ge3A_201 = arith.constant -1 : i32
        %ge3A_202 = vector.broadcast %ge3A_201 : i32 to vector<16xi32>
        %ge3A_203 = arith.cmpi sge, %sub3A_187, %ge3A_202 : vector<16xi32>
        %le3A_204 = arith.constant 46 : i32
        %le3A_205 = vector.broadcast %le3A_204 : i32 to vector<16xi32>
        %le3A_206 = arith.cmpi sle, %sub3A_187, %le3A_205 : vector<16xi32>
        %and3A_207 = arith.andi %ge3A_203, %le3A_206 : vector<16xi1>
        %jit3A_208 = arith.constant 0.000000e+00 : f32
        %broadcast_in_dim3A_209 = vector.broadcast %jit3A_208 : f32 to vector<16xf32>
        %select_n3A_210 = arith.select %and3A_200, %sub3A_193, %broadcast_in_dim3A_209 : vector<16xi1>, vector<16xf32>
        %jit3A_211 = arith.constant 0.000000e+00 : f32
        %broadcast_in_dim3A_212 = vector.broadcast %jit3A_211 : f32 to vector<16xf32>
        %select_n3A_213 = arith.select %and3A_207, %sub3A_189, %broadcast_in_dim3A_212 : vector<16xi1>, vector<16xf32>
        %jit3A_214 = arith.constant 0 : i32
        %jit3A_215 = arith.constant 47 : i32
        %max3A_216 = vector.broadcast %jit3A_214 : i32 to vector<16xi32>
        %max3A_217 = arith.maxsi %max3A_216, %sub3A_187 : vector<16xi32>
        %min3A_218 = vector.broadcast %jit3A_215 : i32 to vector<16xi32>
        %min3A_219 = arith.minsi %min3A_218, %max3A_217 : vector<16xi32>
        %add3A_220 = arith.constant 1 : i32
        %add3A_221 = vector.broadcast %add3A_220 : i32 to vector<16xi32>
        %add3A_222 = arith.addi %sub3A_187, %add3A_221 : vector<16xi32>
        %jit3A_223 = arith.constant 0 : i32
        %jit3A_224 = arith.constant 47 : i32
        %max3A_225 = vector.broadcast %jit3A_223 : i32 to vector<16xi32>
        %max3A_226 = arith.maxsi %max3A_225, %add3A_222 : vector<16xi32>
        %min3A_227 = vector.broadcast %jit3A_224 : i32 to vector<16xi32>
        %min3A_228 = arith.minsi %min3A_227, %max3A_226 : vector<16xi32>
        %mul3A_229 = arith.constant 48 : i32
        %mul3A_230 = vector.broadcast %mul3A_229 : i32 to vector<16xi32>
        %mul3A_231 = arith.muli %min3A_219, %mul3A_230 : vector<16xi32>
        %add3A_232 = arith.addi %mul3A_231, %min3A_147 : vector<16xi32>
        %mul3A_233 = arith.constant 48 : i32
        %mul3A_234 = vector.broadcast %mul3A_233 : i32 to vector<16xi32>
        %mul3A_235 = arith.muli %add3A_232, %mul3A_234 : vector<16xi32>
        %add3A_236 = arith.addi %mul3A_235, %min3A_75 : vector<16xi32>
        %add3A_237 = arith.constant 0 : i32
        %add3A_238 = vector.broadcast %add3A_237 : i32 to vector<16xi32>
        %add3A_239 = arith.addi %add3A_236, %add3A_238 : vector<16xi32>
        %mul3A_240 = arith.mulf %select_n3A_210, %select_n3A_138 : vector<16xf32>
        %mul3A_241 = arith.mulf %mul3A_240, %select_n3A : vector<16xf32>
        %swap3A = arith.constant 0 : index
        %swap3A_242 = tpu.vector_load %arg10[%swap3A] {strides = array<i32>} : memref<256xi32, #tpu.memory_space<vmem>>, vector<16xi32>,
        %swap3A_243 = vector.shape_cast %swap3A_242 : vector<16xi32> to vector<16xi32>
        %swap3A_244 = vector.shape_cast %add3A_239 : vector<16xi32> to vector<16xi32>
        tpu.vector_store %arg10[%swap3A], %swap3A_244 {strides = array<i32>} : memref<256xi32, #tpu.memory_space<vmem>>, vector<16xi32>,
        %swap3A_245 = arith.constant 0 : index
        %swap3A_246 = tpu.vector_load %arg11[%swap3A_245] {strides = array<i32>} : memref<272xf32, #tpu.memory_space<vmem>>, vector<16xf32>,
        %swap3A_247 = vector.shape_cast %swap3A_246 : vector<16xf32> to vector<16xf32>
        %swap3A_248 = vector.shape_cast %mul3A_241 : vector<16xf32> to vector<16xf32>
        tpu.vector_store %arg11[%swap3A_245], %swap3A_248 {strides = array<i32>} : memref<272xf32, #tpu.memory_space<vmem>>, vector<16xf32>,
        %mul3A_249 = arith.constant 48 : i32
        %mul3A_250 = vector.broadcast %mul3A_249 : i32 to vector<16xi32>
        %mul3A_251 = arith.muli %min3A_219, %mul3A_250 : vector<16xi32>
        %add3A_252 = arith.addi %mul3A_251, %min3A_147 : vector<16xi32>
        %mul3A_253 = arith.constant 48 : i32
        %mul3A_254 = vector.broadcast %mul3A_253 : i32 to vector<16xi32>
        %mul3A_255 = arith.muli %add3A_252, %mul3A_254 : vector<16xi32>
        %add3A_256 = arith.addi %mul3A_255, %min3A_84 : vector<16xi32>
        %add3A_257 = arith.constant 0 : i32
        %add3A_258 = vector.broadcast %add3A_257 : i32 to vector<16xi32>
        %add3A_259 = arith.addi %add3A_256, %add3A_258 : vector<16xi32>
        %mul3A_260 = arith.mulf %select_n3A_210, %select_n3A_138 : vector<16xf32>
        %mul3A_261 = arith.mulf %mul3A_260, %select_n3A_71 : vector<16xf32>
        %swap3A_262 = arith.constant 32 : index
        %swap3A_263 = tpu.vector_load %arg10[%swap3A_262] {strides = array<i32>} : memref<256xi32, #tpu.memory_space<vmem>>, vector<16xi32>,
        %swap3A_264 = vector.shape_cast %swap3A_263 : vector<16xi32> to vector<16xi32>
        %swap3A_265 = vector.shape_cast %add3A_259 : vector<16xi32> to vector<16xi32>
        tpu.vector_store %arg10[%swap3A_262], %swap3A_265 {strides = array<i32>} : memref<256xi32, #tpu.memory_space<vmem>>, vector<16xi32>,
        %swap3A_266 = arith.constant 32 : index
        %swap3A_267 = tpu.vector_load %arg11[%swap3A_266] {strides = array<i32>} : memref<272xf32, #tpu.memory_space<vmem>>, vector<16xf32>,
        %swap3A_268 = vector.shape_cast %swap3A_267 : vector<16xf32> to vector<16xf32>
        %swap3A_269 = vector.shape_cast %mul3A_261 : vector<16xf32> to vector<16xf32>
        tpu.vector_store %arg11[%swap3A_266], %swap3A_269 {strides = array<i32>} : memref<272xf32, #tpu.memory_space<vmem>>, vector<16xf32>,
        %mul3A_270 = arith.constant 48 : i32
        %mul3A_271 = vector.broadcast %mul3A_270 : i32 to vector<16xi32>
        %mul3A_272 = arith.muli %min3A_219, %mul3A_271 : vector<16xi32>
        %add3A_273 = arith.addi %mul3A_272, %min3A_156 : vector<16xi32>
        %mul3A_274 = arith.constant 48 : i32
        %mul3A_275 = vector.broadcast %mul3A_274 : i32 to vector<16xi32>
        %mul3A_276 = arith.muli %add3A_273, %mul3A_275 : vector<16xi32>
        %add3A_277 = arith.addi %mul3A_276, %min3A_75 : vector<16xi32>
        %add3A_278 = arith.constant 0 : i32
        %add3A_279 = vector.broadcast %add3A_278 : i32 to vector<16xi32>
        %add3A_280 = arith.addi %add3A_277, %add3A_279 : vector<16xi32>
        %mul3A_281 = arith.mulf %select_n3A_210, %select_n3A_141 : vector<16xf32>
        %mul3A_282 = arith.mulf %mul3A_281, %select_n3A : vector<16xf32>
        %swap3A_283 = arith.constant 64 : index
        %swap3A_284 = tpu.vector_load %arg10[%swap3A_283] {strides = array<i32>} : memref<256xi32, #tpu.memory_space<vmem>>, vector<16xi32>,
        %swap3A_285 = vector.shape_cast %swap3A_284 : vector<16xi32> to vector<16xi32>
        %swap3A_286 = vector.shape_cast %add3A_280 : vector<16xi32> to vector<16xi32>
        tpu.vector_store %arg10[%swap3A_283], %swap3A_286 {strides = array<i32>} : memref<256xi32, #tpu.memory_space<vmem>>, vector<16xi32>,
        %swap3A_287 = arith.constant 64 : index
        %swap3A_288 = tpu.vector_load %arg11[%swap3A_287] {strides = array<i32>} : memref<272xf32, #tpu.memory_space<vmem>>, vector<16xf32>,
        %swap3A_289 = vector.shape_cast %swap3A_288 : vector<16xf32> to vector<16xf32>
        %swap3A_290 = vector.shape_cast %mul3A_282 : vector<16xf32> to vector<16xf32>
        tpu.vector_store %arg11[%swap3A_287], %swap3A_290 {strides = array<i32>} : memref<272xf32, #tpu.memory_space<vmem>>, vector<16xf32>,
        %mul3A_291 = arith.constant 48 : i32
        %mul3A_292 = vector.broadcast %mul3A_291 : i32 to vector<16xi32>
        %mul3A_293 = arith.muli %min3A_219, %mul3A_292 : vector<16xi32>
        %add3A_294 = arith.addi %mul3A_293, %min3A_156 : vector<16xi32>
        %mul3A_295 = arith.constant 48 : i32
        %mul3A_296 = vector.broadcast %mul3A_295 : i32 to vector<16xi32>
        %mul3A_297 = arith.muli %add3A_294, %mul3A_296 : vector<16xi32>
        %add3A_298 = arith.addi %mul3A_297, %min3A_84 : vector<16xi32>
        %add3A_299 = arith.constant 0 : i32
        %add3A_300 = vector.broadcast %add3A_299 : i32 to vector<16xi32>
        %add3A_301 = arith.addi %add3A_298, %add3A_300 : vector<16xi32>
        %mul3A_302 = arith.mulf %select_n3A_210, %select_n3A_141 : vector<16xf32>
        %mul3A_303 = arith.mulf %mul3A_302, %select_n3A_71 : vector<16xf32>
        %swap3A_304 = arith.constant 96 : index
        %swap3A_305 = tpu.vector_load %arg10[%swap3A_304] {strides = array<i32>} : memref<256xi32, #tpu.memory_space<vmem>>, vector<16xi32>,
        %swap3A_306 = vector.shape_cast %swap3A_305 : vector<16xi32> to vector<16xi32>
        %swap3A_307 = vector.shape_cast %add3A_301 : vector<16xi32> to vector<16xi32>
        tpu.vector_store %arg10[%swap3A_304], %swap3A_307 {strides = array<i32>} : memref<256xi32, #tpu.memory_space<vmem>>, vector<16xi32>,
        %swap3A_308 = arith.constant 96 : index
        %swap3A_309 = tpu.vector_load %arg11[%swap3A_308] {strides = array<i32>} : memref<272xf32, #tpu.memory_space<vmem>>, vector<16xf32>,
        %swap3A_310 = vector.shape_cast %swap3A_309 : vector<16xf32> to vector<16xf32>
        %swap3A_311 = vector.shape_cast %mul3A_303 : vector<16xf32> to vector<16xf32>
        tpu.vector_store %arg11[%swap3A_308], %swap3A_311 {strides = array<i32>} : memref<272xf32, #tpu.memory_space<vmem>>, vector<16xf32>,
        %mul3A_312 = arith.constant 48 : i32
        %mul3A_313 = vector.broadcast %mul3A_312 : i32 to vector<16xi32>
        %mul3A_314 = arith.muli %min3A_228, %mul3A_313 : vector<16xi32>
        %add3A_315 = arith.addi %mul3A_314, %min3A_147 : vector<16xi32>
        %mul3A_316 = arith.constant 48 : i32
        %mul3A_317 = vector.broadcast %mul3A_316 : i32 to vector<16xi32>
        %mul3A_318 = arith.muli %add3A_315, %mul3A_317 : vector<16xi32>
        %add3A_319 = arith.addi %mul3A_318, %min3A_75 : vector<16xi32>
        %add3A_320 = arith.constant 0 : i32
        %add3A_321 = vector.broadcast %add3A_320 : i32 to vector<16xi32>
        %add3A_322 = arith.addi %add3A_319, %add3A_321 : vector<16xi32>
        %mul3A_323 = arith.mulf %select_n3A_213, %select_n3A_138 : vector<16xf32>
        %mul3A_324 = arith.mulf %mul3A_323, %select_n3A : vector<16xf32>
        %swap3A_325 = arith.constant 128 : index
        %swap3A_326 = tpu.vector_load %arg10[%swap3A_325] {strides = array<i32>} : memref<256xi32, #tpu.memory_space<vmem>>, vector<16xi32>,
        %swap3A_327 = vector.shape_cast %swap3A_326 : vector<16xi32> to vector<16xi32>
        %swap3A_328 = vector.shape_cast %add3A_322 : vector<16xi32> to vector<16xi32>
        tpu.vector_store %arg10[%swap3A_325], %swap3A_328 {strides = array<i32>} : memref<256xi32, #tpu.memory_space<vmem>>, vector<16xi32>,
        %swap3A_329 = arith.constant 128 : index
        %swap3A_330 = tpu.vector_load %arg11[%swap3A_329] {strides = array<i32>} : memref<272xf32, #tpu.memory_space<vmem>>, vector<16xf32>,
        %swap3A_331 = vector.shape_cast %swap3A_330 : vector<16xf32> to vector<16xf32>
        %swap3A_332 = vector.shape_cast %mul3A_324 : vector<16xf32> to vector<16xf32>
        tpu.vector_store %arg11[%swap3A_329], %swap3A_332 {strides = array<i32>} : memref<272xf32, #tpu.memory_space<vmem>>, vector<16xf32>,
        %mul3A_333 = arith.constant 48 : i32
        %mul3A_334 = vector.broadcast %mul3A_333 : i32 to vector<16xi32>
        %mul3A_335 = arith.muli %min3A_228, %mul3A_334 : vector<16xi32>
        %add3A_336 = arith.addi %mul3A_335, %min3A_147 : vector<16xi32>
        %mul3A_337 = arith.constant 48 : i32
        %mul3A_338 = vector.broadcast %mul3A_337 : i32 to vector<16xi32>
        %mul3A_339 = arith.muli %add3A_336, %mul3A_338 : vector<16xi32>
        %add3A_340 = arith.addi %mul3A_339, %min3A_84 : vector<16xi32>
        %add3A_341 = arith.constant 0 : i32
        %add3A_342 = vector.broadcast %add3A_341 : i32 to vector<16xi32>
        %add3A_343 = arith.addi %add3A_340, %add3A_342 : vector<16xi32>
        %mul3A_344 = arith.mulf %select_n3A_213, %select_n3A_138 : vector<16xf32>
        %mul3A_345 = arith.mulf %mul3A_344, %select_n3A_71 : vector<16xf32>
        %swap3A_346 = arith.constant 160 : index
        %swap3A_347 = tpu.vector_load %arg10[%swap3A_346] {strides = array<i32>} : memref<256xi32, #tpu.memory_space<vmem>>, vector<16xi32>,
        %swap3A_348 = vector.shape_cast %swap3A_347 : vector<16xi32> to vector<16xi32>
        %swap3A_349 = vector.shape_cast %add3A_343 : vector<16xi32> to vector<16xi32>
        tpu.vector_store %arg10[%swap3A_346], %swap3A_349 {strides = array<i32>} : memref<256xi32, #tpu.memory_space<vmem>>, vector<16xi32>,
        %swap3A_350 = arith.constant 160 : index
        %swap3A_351 = tpu.vector_load %arg11[%swap3A_350] {strides = array<i32>} : memref<272xf32, #tpu.memory_space<vmem>>, vector<16xf32>,
        %swap3A_352 = vector.shape_cast %swap3A_351 : vector<16xf32> to vector<16xf32>
        %swap3A_353 = vector.shape_cast %mul3A_345 : vector<16xf32> to vector<16xf32>
        tpu.vector_store %arg11[%swap3A_350], %swap3A_353 {strides = array<i32>} : memref<272xf32, #tpu.memory_space<vmem>>, vector<16xf32>,
        %mul3A_354 = arith.constant 48 : i32
        %mul3A_355 = vector.broadcast %mul3A_354 : i32 to vector<16xi32>
        %mul3A_356 = arith.muli %min3A_228, %mul3A_355 : vector<16xi32>
        %add3A_357 = arith.addi %mul3A_356, %min3A_156 : vector<16xi32>
        %mul3A_358 = arith.constant 48 : i32
        %mul3A_359 = vector.broadcast %mul3A_358 : i32 to vector<16xi32>
        %mul3A_360 = arith.muli %add3A_357, %mul3A_359 : vector<16xi32>
        %add3A_361 = arith.addi %mul3A_360, %min3A_75 : vector<16xi32>
        %add3A_362 = arith.constant 0 : i32
        %add3A_363 = vector.broadcast %add3A_362 : i32 to vector<16xi32>
        %add3A_364 = arith.addi %add3A_361, %add3A_363 : vector<16xi32>
        %mul3A_365 = arith.mulf %select_n3A_213, %select_n3A_141 : vector<16xf32>
        %mul3A_366 = arith.mulf %mul3A_365, %select_n3A : vector<16xf32>
        %swap3A_367 = arith.constant 192 : index
        %swap3A_368 = tpu.vector_load %arg10[%swap3A_367] {strides = array<i32>} : memref<256xi32, #tpu.memory_space<vmem>>, vector<16xi32>,
        %swap3A_369 = vector.shape_cast %swap3A_368 : vector<16xi32> to vector<16xi32>
        %swap3A_370 = vector.shape_cast %add3A_364 : vector<16xi32> to vector<16xi32>
        tpu.vector_store %arg10[%swap3A_367], %swap3A_370 {strides = array<i32>} : memref<256xi32, #tpu.memory_space<vmem>>, vector<16xi32>,
        %swap3A_371 = arith.constant 192 : index
        %swap3A_372 = tpu.vector_load %arg11[%swap3A_371] {strides = array<i32>} : memref<272xf32, #tpu.memory_space<vmem>>, vector<16xf32>,
        %swap3A_373 = vector.shape_cast %swap3A_372 : vector<16xf32> to vector<16xf32>
        %swap3A_374 = vector.shape_cast %mul3A_366 : vector<16xf32> to vector<16xf32>
        tpu.vector_store %arg11[%swap3A_371], %swap3A_374 {strides = array<i32>} : memref<272xf32, #tpu.memory_space<vmem>>, vector<16xf32>,
        %mul3A_375 = arith.constant 48 : i32
        %mul3A_376 = vector.broadcast %mul3A_375 : i32 to vector<16xi32>
        %mul3A_377 = arith.muli %min3A_228, %mul3A_376 : vector<16xi32>
        %add3A_378 = arith.addi %mul3A_377, %min3A_156 : vector<16xi32>
        %mul3A_379 = arith.constant 48 : i32
        %mul3A_380 = vector.broadcast %mul3A_379 : i32 to vector<16xi32>
        %mul3A_381 = arith.muli %add3A_378, %mul3A_380 : vector<16xi32>
        %add3A_382 = arith.addi %mul3A_381, %min3A_84 : vector<16xi32>
        %add3A_383 = arith.constant 0 : i32
        %add3A_384 = vector.broadcast %add3A_383 : i32 to vector<16xi32>
        %add3A_385 = arith.addi %add3A_382, %add3A_384 : vector<16xi32>
        %mul3A_386 = arith.mulf %select_n3A_213, %select_n3A_141 : vector<16xf32>
        %mul3A_387 = arith.mulf %mul3A_386, %select_n3A_71 : vector<16xf32>
        %swap3A_388 = arith.constant 224 : index
        %swap3A_389 = tpu.vector_load %arg10[%swap3A_388] {strides = array<i32>} : memref<256xi32, #tpu.memory_space<vmem>>, vector<16xi32>,
        %swap3A_390 = vector.shape_cast %swap3A_389 : vector<16xi32> to vector<16xi32>
        %swap3A_391 = vector.shape_cast %add3A_385 : vector<16xi32> to vector<16xi32>
        tpu.vector_store %arg10[%swap3A_388], %swap3A_391 {strides = array<i32>} : memref<256xi32, #tpu.memory_space<vmem>>, vector<16xi32>,
        %swap3A_392 = arith.constant 224 : index
        %swap3A_393 = tpu.vector_load %arg11[%swap3A_392] {strides = array<i32>} : memref<272xf32, #tpu.memory_space<vmem>>, vector<16xf32>,
        %swap3A_394 = vector.shape_cast %swap3A_393 : vector<16xf32> to vector<16xf32>
        %swap3A_395 = vector.shape_cast %mul3A_387 : vector<16xf32> to vector<16xf32>
        tpu.vector_store %arg11[%swap3A_392], %swap3A_395 {strides = array<i32>} : memref<272xf32, #tpu.memory_space<vmem>>, vector<16xf32>,
        %get3A_396 = arith.constant 16 : index
        %get3A_397 = tpu.vector_load %arg7[%get3A_396] {strides = array<i32>} : memref<32xf32, #tpu.memory_space<vmem>>, vector<16xf32>,
        %get3A_398 = vector.shape_cast %get3A_397 : vector<16xf32> to vector<16xf32>
        %mul3A_399 = arith.constant 2.000000e+00 : f32
        %mul3A_400 = vector.broadcast %mul3A_399 : f32 to vector<16xf32>
        %mul3A_401 = arith.mulf %mul3A_400, %get3A_398 : vector<16xf32>
        %div3A_402 = arith.constant 4.700000e+01 : f32
        %div3A_403 = vector.broadcast %div3A_402 : f32 to vector<16xf32>
        %div3A_404 = arith.divf %mul3A_401, %div3A_403 : vector<16xf32>
        %sub3A_405 = arith.constant 1.000000e+00 : f32
        %sub3A_406 = vector.broadcast %sub3A_405 : f32 to vector<16xf32>
        %sub3A_407 = arith.subf %div3A_404, %sub3A_406 : vector<16xf32>
        %add3A_408 = arith.constant 1.000000e+00 : f32
        %add3A_409 = vector.broadcast %add3A_408 : f32 to vector<16xf32>
        %add3A_410 = arith.addf %sub3A_407, %add3A_409 : vector<16xf32>
        %mul3A_411 = arith.constant 4.800000e+01 : f32
        %mul3A_412 = vector.broadcast %mul3A_411 : f32 to vector<16xf32>
        %mul3A_413 = arith.mulf %add3A_410, %mul3A_412 : vector<16xf32>
        %sub3A_414 = arith.constant 1.000000e+00 : f32
        %sub3A_415 = vector.broadcast %sub3A_414 : f32 to vector<16xf32>
        %sub3A_416 = arith.subf %mul3A_413, %sub3A_415 : vector<16xf32>
        %div3A_417 = arith.constant 2.000000e+00 : f32
        %div3A_418 = vector.broadcast %div3A_417 : f32 to vector<16xf32>
        %div3A_419 = arith.divf %sub3A_416, %div3A_418 : vector<16xf32>
        %add3A_420 = arith.constant 1.000000e+00 : f32
        %add3A_421 = vector.broadcast %add3A_420 : f32 to vector<16xf32>
        %add3A_422 = arith.addf %div3A_419, %add3A_421 : vector<16xf32>
        %convert_element_type3A_423 = arith.fptosi %add3A_422 : vector<16xf32> to vector<16xi32>
        %sub3A_424 = arith.constant 1 : i32
        %sub3A_425 = vector.broadcast %sub3A_424 : i32 to vector<16xi32>
        %sub3A_426 = arith.subi %convert_element_type3A_423, %sub3A_425 : vector<16xi32>
        %convert_element_type3A_427 = arith.sitofp %sub3A_426 : vector<16xi32> to vector<16xf32>
        %sub3A_428 = arith.subf %div3A_419, %convert_element_type3A_427 : vector<16xf32>
        %add3A_429 = arith.constant 1.000000e+00 : f32
        %add3A_430 = vector.broadcast %add3A_429 : f32 to vector<16xf32>
        %add3A_431 = arith.addf %convert_element_type3A_427, %add3A_430 : vector<16xf32>
        %sub3A_432 = arith.subf %add3A_431, %div3A_419 : vector<16xf32>
        %ge3A_433 = arith.constant 0 : i32
        %ge3A_434 = vector.broadcast %ge3A_433 : i32 to vector<16xi32>
        %ge3A_435 = arith.cmpi sge, %sub3A_426, %ge3A_434 : vector<16xi32>
        %le3A_436 = arith.constant 47 : i32
        %le3A_437 = vector.broadcast %le3A_436 : i32 to vector<16xi32>
        %le3A_438 = arith.cmpi sle, %sub3A_426, %le3A_437 : vector<16xi32>
        %and3A_439 = arith.andi %ge3A_435, %le3A_438 : vector<16xi1>
        %ge3A_440 = arith.constant -1 : i32
        %ge3A_441 = vector.broadcast %ge3A_440 : i32 to vector<16xi32>
        %ge3A_442 = arith.cmpi sge, %sub3A_426, %ge3A_441 : vector<16xi32>
        %le3A_443 = arith.constant 46 : i32
        %le3A_444 = vector.broadcast %le3A_443 : i32 to vector<16xi32>
        %le3A_445 = arith.cmpi sle, %sub3A_426, %le3A_444 : vector<16xi32>
        %and3A_446 = arith.andi %ge3A_442, %le3A_445 : vector<16xi1>
        %jit3A_447 = arith.constant 0.000000e+00 : f32
        %broadcast_in_dim3A_448 = vector.broadcast %jit3A_447 : f32 to vector<16xf32>
        %select_n3A_449 = arith.select %and3A_439, %sub3A_432, %broadcast_in_dim3A_448 : vector<16xi1>, vector<16xf32>
        %jit3A_450 = arith.constant 0.000000e+00 : f32
        %broadcast_in_dim3A_451 = vector.broadcast %jit3A_450 : f32 to vector<16xf32>
        %select_n3A_452 = arith.select %and3A_446, %sub3A_428, %broadcast_in_dim3A_451 : vector<16xi1>, vector<16xf32>
        %jit3A_453 = arith.constant 0 : i32
        %jit3A_454 = arith.constant 47 : i32
        %max3A_455 = vector.broadcast %jit3A_453 : i32 to vector<16xi32>
        %max3A_456 = arith.maxsi %max3A_455, %sub3A_426 : vector<16xi32>
        %min3A_457 = vector.broadcast %jit3A_454 : i32 to vector<16xi32>
        %min3A_458 = arith.minsi %min3A_457, %max3A_456 : vector<16xi32>
        %add3A_459 = arith.constant 1 : i32
        %add3A_460 = vector.broadcast %add3A_459 : i32 to vector<16xi32>
        %add3A_461 = arith.addi %sub3A_426, %add3A_460 : vector<16xi32>
        %jit3A_462 = arith.constant 0 : i32
        %jit3A_463 = arith.constant 47 : i32
        %max3A_464 = vector.broadcast %jit3A_462 : i32 to vector<16xi32>
        %max3A_465 = arith.maxsi %max3A_464, %add3A_461 : vector<16xi32>
        %min3A_466 = vector.broadcast %jit3A_463 : i32 to vector<16xi32>
        %min3A_467 = arith.minsi %min3A_466, %max3A_465 : vector<16xi32>
        %get3A_468 = arith.constant 16 : index
        %get3A_469 = tpu.vector_load %arg8[%get3A_468] {strides = array<i32>} : memref<32xf32, #tpu.memory_space<vmem>>, vector<16xf32>,
        %get3A_470 = vector.shape_cast %get3A_469 : vector<16xf32> to vector<16xf32>
        %mul3A_471 = arith.constant 2.000000e+00 : f32
        %mul3A_472 = vector.broadcast %mul3A_471 : f32 to vector<16xf32>
        %mul3A_473 = arith.mulf %mul3A_472, %get3A_470 : vector<16xf32>
        %div3A_474 = arith.constant 4.700000e+01 : f32
        %div3A_475 = vector.broadcast %div3A_474 : f32 to vector<16xf32>
        %div3A_476 = arith.divf %mul3A_473, %div3A_475 : vector<16xf32>
        %sub3A_477 = arith.constant 1.000000e+00 : f32
        %sub3A_478 = vector.broadcast %sub3A_477 : f32 to vector<16xf32>
        %sub3A_479 = arith.subf %div3A_476, %sub3A_478 : vector<16xf32>
        %add3A_480 = arith.constant 1.000000e+00 : f32
        %add3A_481 = vector.broadcast %add3A_480 : f32 to vector<16xf32>
        %add3A_482 = arith.addf %sub3A_479, %add3A_481 : vector<16xf32>
        %mul3A_483 = arith.constant 4.800000e+01 : f32
        %mul3A_484 = vector.broadcast %mul3A_483 : f32 to vector<16xf32>
        %mul3A_485 = arith.mulf %add3A_482, %mul3A_484 : vector<16xf32>
        %sub3A_486 = arith.constant 1.000000e+00 : f32
        %sub3A_487 = vector.broadcast %sub3A_486 : f32 to vector<16xf32>
        %sub3A_488 = arith.subf %mul3A_485, %sub3A_487 : vector<16xf32>
        %div3A_489 = arith.constant 2.000000e+00 : f32
        %div3A_490 = vector.broadcast %div3A_489 : f32 to vector<16xf32>
        %div3A_491 = arith.divf %sub3A_488, %div3A_490 : vector<16xf32>
        %add3A_492 = arith.constant 1.000000e+00 : f32
        %add3A_493 = vector.broadcast %add3A_492 : f32 to vector<16xf32>
        %add3A_494 = arith.addf %div3A_491, %add3A_493 : vector<16xf32>
        %convert_element_type3A_495 = arith.fptosi %add3A_494 : vector<16xf32> to vector<16xi32>
        %sub3A_496 = arith.constant 1 : i32
        %sub3A_497 = vector.broadcast %sub3A_496 : i32 to vector<16xi32>
        %sub3A_498 = arith.subi %convert_element_type3A_495, %sub3A_497 : vector<16xi32>
        %convert_element_type3A_499 = arith.sitofp %sub3A_498 : vector<16xi32> to vector<16xf32>
        %sub3A_500 = arith.subf %div3A_491, %convert_element_type3A_499 : vector<16xf32>
        %add3A_501 = arith.constant 1.000000e+00 : f32
        %add3A_502 = vector.broadcast %add3A_501 : f32 to vector<16xf32>
        %add3A_503 = arith.addf %convert_element_type3A_499, %add3A_502 : vector<16xf32>
        %sub3A_504 = arith.subf %add3A_503, %div3A_491 : vector<16xf32>
        %ge3A_505 = arith.constant 0 : i32
        %ge3A_506 = vector.broadcast %ge3A_505 : i32 to vector<16xi32>
        %ge3A_507 = arith.cmpi sge, %sub3A_498, %ge3A_506 : vector<16xi32>
        %le3A_508 = arith.constant 47 : i32
        %le3A_509 = vector.broadcast %le3A_508 : i32 to vector<16xi32>
        %le3A_510 = arith.cmpi sle, %sub3A_498, %le3A_509 : vector<16xi32>
        %and3A_511 = arith.andi %ge3A_507, %le3A_510 : vector<16xi1>
        %ge3A_512 = arith.constant -1 : i32
        %ge3A_513 = vector.broadcast %ge3A_512 : i32 to vector<16xi32>
        %ge3A_514 = arith.cmpi sge, %sub3A_498, %ge3A_513 : vector<16xi32>
        %le3A_515 = arith.constant 46 : i32
        %le3A_516 = vector.broadcast %le3A_515 : i32 to vector<16xi32>
        %le3A_517 = arith.cmpi sle, %sub3A_498, %le3A_516 : vector<16xi32>
        %and3A_518 = arith.andi %ge3A_514, %le3A_517 : vector<16xi1>
        %jit3A_519 = arith.constant 0.000000e+00 : f32
        %broadcast_in_dim3A_520 = vector.broadcast %jit3A_519 : f32 to vector<16xf32>
        %select_n3A_521 = arith.select %and3A_511, %sub3A_504, %broadcast_in_dim3A_520 : vector<16xi1>, vector<16xf32>
        %jit3A_522 = arith.constant 0.000000e+00 : f32
        %broadcast_in_dim3A_523 = vector.broadcast %jit3A_522 : f32 to vector<16xf32>
        %select_n3A_524 = arith.select %and3A_518, %sub3A_500, %broadcast_in_dim3A_523 : vector<16xi1>, vector<16xf32>
        %jit3A_525 = arith.constant 0 : i32
        %jit3A_526 = arith.constant 47 : i32
        %max3A_527 = vector.broadcast %jit3A_525 : i32 to vector<16xi32>
        %max3A_528 = arith.maxsi %max3A_527, %sub3A_498 : vector<16xi32>
        %min3A_529 = vector.broadcast %jit3A_526 : i32 to vector<16xi32>
        %min3A_530 = arith.minsi %min3A_529, %max3A_528 : vector<16xi32>
        %add3A_531 = arith.constant 1 : i32
        %add3A_532 = vector.broadcast %add3A_531 : i32 to vector<16xi32>
        %add3A_533 = arith.addi %sub3A_498, %add3A_532 : vector<16xi32>
        %jit3A_534 = arith.constant 0 : i32
        %jit3A_535 = arith.constant 47 : i32
        %max3A_536 = vector.broadcast %jit3A_534 : i32 to vector<16xi32>
        %max3A_537 = arith.maxsi %max3A_536, %add3A_533 : vector<16xi32>
        %min3A_538 = vector.broadcast %jit3A_535 : i32 to vector<16xi32>
        %min3A_539 = arith.minsi %min3A_538, %max3A_537 : vector<16xi32>
        %get3A_540 = arith.constant 16 : index
        %get3A_541 = tpu.vector_load %arg9[%get3A_540] {strides = array<i32>} : memref<32xf32, #tpu.memory_space<vmem>>, vector<16xf32>,
        %get3A_542 = vector.shape_cast %get3A_541 : vector<16xf32> to vector<16xf32>
        %mul3A_543 = arith.constant 2.000000e+00 : f32
        %mul3A_544 = vector.broadcast %mul3A_543 : f32 to vector<16xf32>
        %mul3A_545 = arith.mulf %mul3A_544, %get3A_542 : vector<16xf32>
        %div3A_546 = arith.constant 4.700000e+01 : f32
        %div3A_547 = vector.broadcast %div3A_546 : f32 to vector<16xf32>
        %div3A_548 = arith.divf %mul3A_545, %div3A_547 : vector<16xf32>
        %sub3A_549 = arith.constant 1.000000e+00 : f32
        %sub3A_550 = vector.broadcast %sub3A_549 : f32 to vector<16xf32>
        %sub3A_551 = arith.subf %div3A_548, %sub3A_550 : vector<16xf32>
        %add3A_552 = arith.constant 1.000000e+00 : f32
        %add3A_553 = vector.broadcast %add3A_552 : f32 to vector<16xf32>
        %add3A_554 = arith.addf %sub3A_551, %add3A_553 : vector<16xf32>
        %mul3A_555 = arith.constant 4.800000e+01 : f32
        %mul3A_556 = vector.broadcast %mul3A_555 : f32 to vector<16xf32>
        %mul3A_557 = arith.mulf %add3A_554, %mul3A_556 : vector<16xf32>
        %sub3A_558 = arith.constant 1.000000e+00 : f32
        %sub3A_559 = vector.broadcast %sub3A_558 : f32 to vector<16xf32>
        %sub3A_560 = arith.subf %mul3A_557, %sub3A_559 : vector<16xf32>
        %div3A_561 = arith.constant 2.000000e+00 : f32
        %div3A_562 = vector.broadcast %div3A_561 : f32 to vector<16xf32>
        %div3A_563 = arith.divf %sub3A_560, %div3A_562 : vector<16xf32>
        %add3A_564 = arith.constant 1.000000e+00 : f32
        %add3A_565 = vector.broadcast %add3A_564 : f32 to vector<16xf32>
        %add3A_566 = arith.addf %div3A_563, %add3A_565 : vector<16xf32>
        %convert_element_type3A_567 = arith.fptosi %add3A_566 : vector<16xf32> to vector<16xi32>
        %sub3A_568 = arith.constant 1 : i32
        %sub3A_569 = vector.broadcast %sub3A_568 : i32 to vector<16xi32>
        %sub3A_570 = arith.subi %convert_element_type3A_567, %sub3A_569 : vector<16xi32>
        %convert_element_type3A_571 = arith.sitofp %sub3A_570 : vector<16xi32> to vector<16xf32>
        %sub3A_572 = arith.subf %div3A_563, %convert_element_type3A_571 : vector<16xf32>
        %add3A_573 = arith.constant 1.000000e+00 : f32
        %add3A_574 = vector.broadcast %add3A_573 : f32 to vector<16xf32>
        %add3A_575 = arith.addf %convert_element_type3A_571, %add3A_574 : vector<16xf32>
        %sub3A_576 = arith.subf %add3A_575, %div3A_563 : vector<16xf32>
        %ge3A_577 = arith.constant 0 : i32
        %ge3A_578 = vector.broadcast %ge3A_577 : i32 to vector<16xi32>
        %ge3A_579 = arith.cmpi sge, %sub3A_570, %ge3A_578 : vector<16xi32>
        %le3A_580 = arith.constant 47 : i32
        %le3A_581 = vector.broadcast %le3A_580 : i32 to vector<16xi32>
        %le3A_582 = arith.cmpi sle, %sub3A_570, %le3A_581 : vector<16xi32>
        %and3A_583 = arith.andi %ge3A_579, %le3A_582 : vector<16xi1>
        %ge3A_584 = arith.constant -1 : i32
        %ge3A_585 = vector.broadcast %ge3A_584 : i32 to vector<16xi32>
        %ge3A_586 = arith.cmpi sge, %sub3A_570, %ge3A_585 : vector<16xi32>
        %le3A_587 = arith.constant 46 : i32
        %le3A_588 = vector.broadcast %le3A_587 : i32 to vector<16xi32>
        %le3A_589 = arith.cmpi sle, %sub3A_570, %le3A_588 : vector<16xi32>
        %and3A_590 = arith.andi %ge3A_586, %le3A_589 : vector<16xi1>
        %jit3A_591 = arith.constant 0.000000e+00 : f32
        %broadcast_in_dim3A_592 = vector.broadcast %jit3A_591 : f32 to vector<16xf32>
        %select_n3A_593 = arith.select %and3A_583, %sub3A_576, %broadcast_in_dim3A_592 : vector<16xi1>, vector<16xf32>
        %jit3A_594 = arith.constant 0.000000e+00 : f32
        %broadcast_in_dim3A_595 = vector.broadcast %jit3A_594 : f32 to vector<16xf32>
        %select_n3A_596 = arith.select %and3A_590, %sub3A_572, %broadcast_in_dim3A_595 : vector<16xi1>, vector<16xf32>
        %jit3A_597 = arith.constant 0 : i32
        %jit3A_598 = arith.constant 47 : i32
        %max3A_599 = vector.broadcast %jit3A_597 : i32 to vector<16xi32>
        %max3A_600 = arith.maxsi %max3A_599, %sub3A_570 : vector<16xi32>
        %min3A_601 = vector.broadcast %jit3A_598 : i32 to vector<16xi32>
        %min3A_602 = arith.minsi %min3A_601, %max3A_600 : vector<16xi32>
        %add3A_603 = arith.constant 1 : i32
        %add3A_604 = vector.broadcast %add3A_603 : i32 to vector<16xi32>
        %add3A_605 = arith.addi %sub3A_570, %add3A_604 : vector<16xi32>
        %jit3A_606 = arith.constant 0 : i32
        %jit3A_607 = arith.constant 47 : i32
        %max3A_608 = vector.broadcast %jit3A_606 : i32 to vector<16xi32>
        %max3A_609 = arith.maxsi %max3A_608, %add3A_605 : vector<16xi32>
        %min3A_610 = vector.broadcast %jit3A_607 : i32 to vector<16xi32>
        %min3A_611 = arith.minsi %min3A_610, %max3A_609 : vector<16xi32>
        %mul3A_612 = arith.constant 48 : i32
        %mul3A_613 = vector.broadcast %mul3A_612 : i32 to vector<16xi32>
        %mul3A_614 = arith.muli %min3A_602, %mul3A_613 : vector<16xi32>
        %add3A_615 = arith.addi %mul3A_614, %min3A_530 : vector<16xi32>
        %mul3A_616 = arith.constant 48 : i32
        %mul3A_617 = vector.broadcast %mul3A_616 : i32 to vector<16xi32>
        %mul3A_618 = arith.muli %add3A_615, %mul3A_617 : vector<16xi32>
        %add3A_619 = arith.addi %mul3A_618, %min3A_458 : vector<16xi32>
        %add3A_620 = arith.constant 0 : i32
        %add3A_621 = vector.broadcast %add3A_620 : i32 to vector<16xi32>
        %add3A_622 = arith.addi %add3A_619, %add3A_621 : vector<16xi32>
        %mul3A_623 = arith.mulf %select_n3A_593, %select_n3A_521 : vector<16xf32>
        %mul3A_624 = arith.mulf %mul3A_623, %select_n3A_449 : vector<16xf32>
        %swap3A_625 = arith.constant 16 : index
        %swap3A_626 = tpu.vector_load %arg10[%swap3A_625] {strides = array<i32>} : memref<256xi32, #tpu.memory_space<vmem>>, vector<16xi32>,
        %swap3A_627 = vector.shape_cast %swap3A_626 : vector<16xi32> to vector<16xi32>
        %swap3A_628 = vector.shape_cast %add3A_622 : vector<16xi32> to vector<16xi32>
        tpu.vector_store %arg10[%swap3A_625], %swap3A_628 {strides = array<i32>} : memref<256xi32, #tpu.memory_space<vmem>>, vector<16xi32>,
        %swap3A_629 = arith.constant 16 : index
        %swap3A_630 = tpu.vector_load %arg11[%swap3A_629] {strides = array<i32>} : memref<272xf32, #tpu.memory_space<vmem>>, vector<16xf32>,
        %swap3A_631 = vector.shape_cast %swap3A_630 : vector<16xf32> to vector<16xf32>
        %swap3A_632 = vector.shape_cast %mul3A_624 : vector<16xf32> to vector<16xf32>
        tpu.vector_store %arg11[%swap3A_629], %swap3A_632 {strides = array<i32>} : memref<272xf32, #tpu.memory_space<vmem>>, vector<16xf32>,
        %mul3A_633 = arith.constant 48 : i32
        %mul3A_634 = vector.broadcast %mul3A_633 : i32 to vector<16xi32>
        %mul3A_635 = arith.muli %min3A_602, %mul3A_634 : vector<16xi32>
        %add3A_636 = arith.addi %mul3A_635, %min3A_530 : vector<16xi32>
        %mul3A_637 = arith.constant 48 : i32
        %mul3A_638 = vector.broadcast %mul3A_637 : i32 to vector<16xi32>
        %mul3A_639 = arith.muli %add3A_636, %mul3A_638 : vector<16xi32>
        %add3A_640 = arith.addi %mul3A_639, %min3A_467 : vector<16xi32>
        %add3A_641 = arith.constant 0 : i32
        %add3A_642 = vector.broadcast %add3A_641 : i32 to vector<16xi32>
        %add3A_643 = arith.addi %add3A_640, %add3A_642 : vector<16xi32>
        %mul3A_644 = arith.mulf %select_n3A_593, %select_n3A_521 : vector<16xf32>
        %mul3A_645 = arith.mulf %mul3A_644, %select_n3A_452 : vector<16xf32>
        %swap3A_646 = arith.constant 48 : index
        %swap3A_647 = tpu.vector_load %arg10[%swap3A_646] {strides = array<i32>} : memref<256xi32, #tpu.memory_space<vmem>>, vector<16xi32>,
        %swap3A_648 = vector.shape_cast %swap3A_647 : vector<16xi32> to vector<16xi32>
        %swap3A_649 = vector.shape_cast %add3A_643 : vector<16xi32> to vector<16xi32>
        tpu.vector_store %arg10[%swap3A_646], %swap3A_649 {strides = array<i32>} : memref<256xi32, #tpu.memory_space<vmem>>, vector<16xi32>,
        %swap3A_650 = arith.constant 48 : index
        %swap3A_651 = tpu.vector_load %arg11[%swap3A_650] {strides = array<i32>} : memref<272xf32, #tpu.memory_space<vmem>>, vector<16xf32>,
        %swap3A_652 = vector.shape_cast %swap3A_651 : vector<16xf32> to vector<16xf32>
        %swap3A_653 = vector.shape_cast %mul3A_645 : vector<16xf32> to vector<16xf32>
        tpu.vector_store %arg11[%swap3A_650], %swap3A_653 {strides = array<i32>} : memref<272xf32, #tpu.memory_space<vmem>>, vector<16xf32>,
        %mul3A_654 = arith.constant 48 : i32
        %mul3A_655 = vector.broadcast %mul3A_654 : i32 to vector<16xi32>
        %mul3A_656 = arith.muli %min3A_602, %mul3A_655 : vector<16xi32>
        %add3A_657 = arith.addi %mul3A_656, %min3A_539 : vector<16xi32>
        %mul3A_658 = arith.constant 48 : i32
        %mul3A_659 = vector.broadcast %mul3A_658 : i32 to vector<16xi32>
        %mul3A_660 = arith.muli %add3A_657, %mul3A_659 : vector<16xi32>
        %add3A_661 = arith.addi %mul3A_660, %min3A_458 : vector<16xi32>
        %add3A_662 = arith.constant 0 : i32
        %add3A_663 = vector.broadcast %add3A_662 : i32 to vector<16xi32>
        %add3A_664 = arith.addi %add3A_661, %add3A_663 : vector<16xi32>
        %mul3A_665 = arith.mulf %select_n3A_593, %select_n3A_524 : vector<16xf32>
        %mul3A_666 = arith.mulf %mul3A_665, %select_n3A_449 : vector<16xf32>
        %swap3A_667 = arith.constant 80 : index
        %swap3A_668 = tpu.vector_load %arg10[%swap3A_667] {strides = array<i32>} : memref<256xi32, #tpu.memory_space<vmem>>, vector<16xi32>,
        %swap3A_669 = vector.shape_cast %swap3A_668 : vector<16xi32> to vector<16xi32>
        %swap3A_670 = vector.shape_cast %add3A_664 : vector<16xi32> to vector<16xi32>
        tpu.vector_store %arg10[%swap3A_667], %swap3A_670 {strides = array<i32>} : memref<256xi32, #tpu.memory_space<vmem>>, vector<16xi32>,
        %swap3A_671 = arith.constant 80 : index
        %swap3A_672 = tpu.vector_load %arg11[%swap3A_671] {strides = array<i32>} : memref<272xf32, #tpu.memory_space<vmem>>, vector<16xf32>,
        %swap3A_673 = vector.shape_cast %swap3A_672 : vector<16xf32> to vector<16xf32>
        %swap3A_674 = vector.shape_cast %mul3A_666 : vector<16xf32> to vector<16xf32>
        tpu.vector_store %arg11[%swap3A_671], %swap3A_674 {strides = array<i32>} : memref<272xf32, #tpu.memory_space<vmem>>, vector<16xf32>,
        %mul3A_675 = arith.constant 48 : i32
        %mul3A_676 = vector.broadcast %mul3A_675 : i32 to vector<16xi32>
        %mul3A_677 = arith.muli %min3A_602, %mul3A_676 : vector<16xi32>
        %add3A_678 = arith.addi %mul3A_677, %min3A_539 : vector<16xi32>
        %mul3A_679 = arith.constant 48 : i32
        %mul3A_680 = vector.broadcast %mul3A_679 : i32 to vector<16xi32>
        %mul3A_681 = arith.muli %add3A_678, %mul3A_680 : vector<16xi32>
        %add3A_682 = arith.addi %mul3A_681, %min3A_467 : vector<16xi32>
        %add3A_683 = arith.constant 0 : i32
        %add3A_684 = vector.broadcast %add3A_683 : i32 to vector<16xi32>
        %add3A_685 = arith.addi %add3A_682, %add3A_684 : vector<16xi32>
        %mul3A_686 = arith.mulf %select_n3A_593, %select_n3A_524 : vector<16xf32>
        %mul3A_687 = arith.mulf %mul3A_686, %select_n3A_452 : vector<16xf32>
        %swap3A_688 = arith.constant 112 : index
        %swap3A_689 = tpu.vector_load %arg10[%swap3A_688] {strides = array<i32>} : memref<256xi32, #tpu.memory_space<vmem>>, vector<16xi32>,
        %swap3A_690 = vector.shape_cast %swap3A_689 : vector<16xi32> to vector<16xi32>
        %swap3A_691 = vector.shape_cast %add3A_685 : vector<16xi32> to vector<16xi32>
        tpu.vector_store %arg10[%swap3A_688], %swap3A_691 {strides = array<i32>} : memref<256xi32, #tpu.memory_space<vmem>>, vector<16xi32>,
        %swap3A_692 = arith.constant 112 : index
        %swap3A_693 = tpu.vector_load %arg11[%swap3A_692] {strides = array<i32>} : memref<272xf32, #tpu.memory_space<vmem>>, vector<16xf32>,
        %swap3A_694 = vector.shape_cast %swap3A_693 : vector<16xf32> to vector<16xf32>
        %swap3A_695 = vector.shape_cast %mul3A_687 : vector<16xf32> to vector<16xf32>
        tpu.vector_store %arg11[%swap3A_692], %swap3A_695 {strides = array<i32>} : memref<272xf32, #tpu.memory_space<vmem>>, vector<16xf32>,
        %mul3A_696 = arith.constant 48 : i32
        %mul3A_697 = vector.broadcast %mul3A_696 : i32 to vector<16xi32>
        %mul3A_698 = arith.muli %min3A_611, %mul3A_697 : vector<16xi32>
        %add3A_699 = arith.addi %mul3A_698, %min3A_530 : vector<16xi32>
        %mul3A_700 = arith.constant 48 : i32
        %mul3A_701 = vector.broadcast %mul3A_700 : i32 to vector<16xi32>
        %mul3A_702 = arith.muli %add3A_699, %mul3A_701 : vector<16xi32>
        %add3A_703 = arith.addi %mul3A_702, %min3A_458 : vector<16xi32>
        %add3A_704 = arith.constant 0 : i32
        %add3A_705 = vector.broadcast %add3A_704 : i32 to vector<16xi32>
        %add3A_706 = arith.addi %add3A_703, %add3A_705 : vector<16xi32>
        %mul3A_707 = arith.mulf %select_n3A_596, %select_n3A_521 : vector<16xf32>
        %mul3A_708 = arith.mulf %mul3A_707, %select_n3A_449 : vector<16xf32>
        %swap3A_709 = arith.constant 144 : index
        %swap3A_710 = tpu.vector_load %arg10[%swap3A_709] {strides = array<i32>} : memref<256xi32, #tpu.memory_space<vmem>>, vector<16xi32>,
        %swap3A_711 = vector.shape_cast %swap3A_710 : vector<16xi32> to vector<16xi32>
        %swap3A_712 = vector.shape_cast %add3A_706 : vector<16xi32> to vector<16xi32>
        tpu.vector_store %arg10[%swap3A_709], %swap3A_712 {strides = array<i32>} : memref<256xi32, #tpu.memory_space<vmem>>, vector<16xi32>,
        %swap3A_713 = arith.constant 144 : index
        %swap3A_714 = tpu.vector_load %arg11[%swap3A_713] {strides = array<i32>} : memref<272xf32, #tpu.memory_space<vmem>>, vector<16xf32>,
        %swap3A_715 = vector.shape_cast %swap3A_714 : vector<16xf32> to vector<16xf32>
        %swap3A_716 = vector.shape_cast %mul3A_708 : vector<16xf32> to vector<16xf32>
        tpu.vector_store %arg11[%swap3A_713], %swap3A_716 {strides = array<i32>} : memref<272xf32, #tpu.memory_space<vmem>>, vector<16xf32>,
        %mul3A_717 = arith.constant 48 : i32
        %mul3A_718 = vector.broadcast %mul3A_717 : i32 to vector<16xi32>
        %mul3A_719 = arith.muli %min3A_611, %mul3A_718 : vector<16xi32>
        %add3A_720 = arith.addi %mul3A_719, %min3A_530 : vector<16xi32>
        %mul3A_721 = arith.constant 48 : i32
        %mul3A_722 = vector.broadcast %mul3A_721 : i32 to vector<16xi32>
        %mul3A_723 = arith.muli %add3A_720, %mul3A_722 : vector<16xi32>
        %add3A_724 = arith.addi %mul3A_723, %min3A_467 : vector<16xi32>
        %add3A_725 = arith.constant 0 : i32
        %add3A_726 = vector.broadcast %add3A_725 : i32 to vector<16xi32>
        %add3A_727 = arith.addi %add3A_724, %add3A_726 : vector<16xi32>
        %mul3A_728 = arith.mulf %select_n3A_596, %select_n3A_521 : vector<16xf32>
        %mul3A_729 = arith.mulf %mul3A_728, %select_n3A_452 : vector<16xf32>
        %swap3A_730 = arith.constant 176 : index
        %swap3A_731 = tpu.vector_load %arg10[%swap3A_730] {strides = array<i32>} : memref<256xi32, #tpu.memory_space<vmem>>, vector<16xi32>,
        %swap3A_732 = vector.shape_cast %swap3A_731 : vector<16xi32> to vector<16xi32>
        %swap3A_733 = vector.shape_cast %add3A_727 : vector<16xi32> to vector<16xi32>
        tpu.vector_store %arg10[%swap3A_730], %swap3A_733 {strides = array<i32>} : memref<256xi32, #tpu.memory_space<vmem>>, vector<16xi32>,
        %swap3A_734 = arith.constant 176 : index
        %swap3A_735 = tpu.vector_load %arg11[%swap3A_734] {strides = array<i32>} : memref<272xf32, #tpu.memory_space<vmem>>, vector<16xf32>,
        %swap3A_736 = vector.shape_cast %swap3A_735 : vector<16xf32> to vector<16xf32>
        %swap3A_737 = vector.shape_cast %mul3A_729 : vector<16xf32> to vector<16xf32>
        tpu.vector_store %arg11[%swap3A_734], %swap3A_737 {strides = array<i32>} : memref<272xf32, #tpu.memory_space<vmem>>, vector<16xf32>,
        %mul3A_738 = arith.constant 48 : i32
        %mul3A_739 = vector.broadcast %mul3A_738 : i32 to vector<16xi32>
        %mul3A_740 = arith.muli %min3A_611, %mul3A_739 : vector<16xi32>
        %add3A_741 = arith.addi %mul3A_740, %min3A_539 : vector<16xi32>
        %mul3A_742 = arith.constant 48 : i32
        %mul3A_743 = vector.broadcast %mul3A_742 : i32 to vector<16xi32>
        %mul3A_744 = arith.muli %add3A_741, %mul3A_743 : vector<16xi32>
        %add3A_745 = arith.addi %mul3A_744, %min3A_458 : vector<16xi32>
        %add3A_746 = arith.constant 0 : i32
        %add3A_747 = vector.broadcast %add3A_746 : i32 to vector<16xi32>
        %add3A_748 = arith.addi %add3A_745, %add3A_747 : vector<16xi32>
        %mul3A_749 = arith.mulf %select_n3A_596, %select_n3A_524 : vector<16xf32>
        %mul3A_750 = arith.mulf %mul3A_749, %select_n3A_449 : vector<16xf32>
        %swap3A_751 = arith.constant 208 : index
        %swap3A_752 = tpu.vector_load %arg10[%swap3A_751] {strides = array<i32>} : memref<256xi32, #tpu.memory_space<vmem>>, vector<16xi32>,
        %swap3A_753 = vector.shape_cast %swap3A_752 : vector<16xi32> to vector<16xi32>
        %swap3A_754 = vector.shape_cast %add3A_748 : vector<16xi32> to vector<16xi32>
        tpu.vector_store %arg10[%swap3A_751], %swap3A_754 {strides = array<i32>} : memref<256xi32, #tpu.memory_space<vmem>>, vector<16xi32>,
        %swap3A_755 = arith.constant 208 : index
        %swap3A_756 = tpu.vector_load %arg11[%swap3A_755] {strides = array<i32>} : memref<272xf32, #tpu.memory_space<vmem>>, vector<16xf32>,
        %swap3A_757 = vector.shape_cast %swap3A_756 : vector<16xf32> to vector<16xf32>
        %swap3A_758 = vector.shape_cast %mul3A_750 : vector<16xf32> to vector<16xf32>
        tpu.vector_store %arg11[%swap3A_755], %swap3A_758 {strides = array<i32>} : memref<272xf32, #tpu.memory_space<vmem>>, vector<16xf32>,
        %mul3A_759 = arith.constant 48 : i32
        %mul3A_760 = vector.broadcast %mul3A_759 : i32 to vector<16xi32>
        %mul3A_761 = arith.muli %min3A_611, %mul3A_760 : vector<16xi32>
        %add3A_762 = arith.addi %mul3A_761, %min3A_539 : vector<16xi32>
        %mul3A_763 = arith.constant 48 : i32
        %mul3A_764 = vector.broadcast %mul3A_763 : i32 to vector<16xi32>
        %mul3A_765 = arith.muli %add3A_762, %mul3A_764 : vector<16xi32>
        %add3A_766 = arith.addi %mul3A_765, %min3A_467 : vector<16xi32>
        %add3A_767 = arith.constant 0 : i32
        %add3A_768 = vector.broadcast %add3A_767 : i32 to vector<16xi32>
        %add3A_769 = arith.addi %add3A_766, %add3A_768 : vector<16xi32>
        %mul3A_770 = arith.mulf %select_n3A_596, %select_n3A_524 : vector<16xf32>
        %mul3A_771 = arith.mulf %mul3A_770, %select_n3A_452 : vector<16xf32>
        %swap3A_772 = arith.constant 240 : index
        %swap3A_773 = tpu.vector_load %arg10[%swap3A_772] {strides = array<i32>} : memref<256xi32, #tpu.memory_space<vmem>>, vector<16xi32>,
        %swap3A_774 = vector.shape_cast %swap3A_773 : vector<16xi32> to vector<16xi32>
        %swap3A_775 = vector.shape_cast %add3A_769 : vector<16xi32> to vector<16xi32>
        tpu.vector_store %arg10[%swap3A_772], %swap3A_775 {strides = array<i32>} : memref<256xi32, #tpu.memory_space<vmem>>, vector<16xi32>,
        %swap3A_776 = arith.constant 240 : index
        %swap3A_777 = tpu.vector_load %arg11[%swap3A_776] {strides = array<i32>} : memref<272xf32, #tpu.memory_space<vmem>>, vector<16xf32>,
        %swap3A_778 = vector.shape_cast %swap3A_777 : vector<16xf32> to vector<16xf32>
        %swap3A_779 = vector.shape_cast %mul3A_771 : vector<16xf32> to vector<16xf32>
        tpu.vector_store %arg11[%swap3A_776], %swap3A_779 {strides = array<i32>} : memref<272xf32, #tpu.memory_space<vmem>>, vector<16xf32>,
        %dma_start3A = arith.constant 0 : i32
        %dma_start3A_780 = arith.constant 0 : i32
        %dma_start3A_781 = tpu.memref_slice %arg12[%dma_start3A, %dma_start3A_780] : memref<256x128xf32, #tpu.memory_space<vmem>> -> memref<128x128xf32, #tpu.memory_space<vmem>>
        %dma_start3A_782 = arith.constant 0 : i32
        %dma_start3A_783 = tpu.memref_slice %arg10[%dma_start3A_782] : memref<256xi32, #tpu.memory_space<vmem>> -> memref<128xi32, #tpu.memory_space<vmem>>
        %dma_start3A_784 = arith.constant 0 : i32
        %dma_start3A_785 = arith.constant 0 : i32
        %dma_start3A_786 = tpu.memref_slice %arg2[%dma_start3A_784, %dma_start3A_785] : memref<221184x128xf32, #tpu.memory_space<hbm>> -> memref<221184x128xf32, #tpu.memory_space<hbm>>
        tpu.enqueue_indirect_dma source(%dma_start3A_786 : memref<221184x128xf32, #tpu.memory_space<hbm>>) target(%dma_start3A_781 : memref<128x128xf32, #tpu.memory_space<vmem>>) offsets(%dma_start3A_783 : memref<128xi32, #tpu.memory_space<vmem>>) semaphore(%arg14 : memref<!tpu.dma_semaphore, #tpu.memory_space<semaphore_mem>>)
        %dma_start3A_787 = arith.constant 128 : i32
        %dma_start3A_788 = arith.constant 0 : i32
        %dma_start3A_789 = tpu.memref_slice %arg12[%dma_start3A_787, %dma_start3A_788] : memref<256x128xf32, #tpu.memory_space<vmem>> -> memref<128x128xf32, #tpu.memory_space<vmem>>
        %dma_start3A_790 = arith.constant 128 : i32
        %dma_start3A_791 = tpu.memref_slice %arg10[%dma_start3A_790] : memref<256xi32, #tpu.memory_space<vmem>> -> memref<128xi32, #tpu.memory_space<vmem>>
        %dma_start3A_792 = arith.constant 0 : i32
        %dma_start3A_793 = arith.constant 0 : i32
        %dma_start3A_794 = tpu.memref_slice %arg2[%dma_start3A_792, %dma_start3A_793] : memref<221184x128xf32, #tpu.memory_space<hbm>> -> memref<221184x128xf32, #tpu.memory_space<hbm>>
        tpu.enqueue_indirect_dma source(%dma_start3A_794 : memref<221184x128xf32, #tpu.memory_space<hbm>>) target(%dma_start3A_789 : memref<128x128xf32, #tpu.memory_space<vmem>>) offsets(%dma_start3A_791 : memref<128xi32, #tpu.memory_space<vmem>>) semaphore(%arg14 : memref<!tpu.dma_semaphore, #tpu.memory_space<semaphore_mem>>)
        %dma_wait3A = arith.constant 0 : i32
        %dma_wait3A_795 = arith.constant 0 : i32
        %dma_wait3A_796 = tpu.memref_slice %arg12[%dma_wait3A, %dma_wait3A_795] : memref<256x128xf32, #tpu.memory_space<vmem>> -> memref<128x128xf32, #tpu.memory_space<vmem>>
        %dma_wait3A_797 = arith.constant 0 : i32
        %dma_wait3A_798 = tpu.memref_slice %arg10[%dma_wait3A_797] : memref<256xi32, #tpu.memory_space<vmem>> -> memref<128xi32, #tpu.memory_space<vmem>>
        %dma_wait3A_799 = arith.constant 0 : i32
        %dma_wait3A_800 = arith.constant 0 : i32
        %dma_wait3A_801 = tpu.memref_slice %arg2[%dma_wait3A_799, %dma_wait3A_800] : memref<221184x128xf32, #tpu.memory_space<hbm>> -> memref<221184x128xf32, #tpu.memory_space<hbm>>
        tpu.wait_indirect_dma semaphore(%arg14 : memref<!tpu.dma_semaphore, #tpu.memory_space<semaphore_mem>>) src(%dma_wait3A_801 : memref<221184x128xf32, #tpu.memory_space<hbm>>) dst(%dma_wait3A_796 : memref<128x128xf32, #tpu.memory_space<vmem>>)
        %dma_wait3A_802 = arith.constant 128 : i32
        %dma_wait3A_803 = arith.constant 0 : i32
        %dma_wait3A_804 = tpu.memref_slice %arg12[%dma_wait3A_802, %dma_wait3A_803] : memref<256x128xf32, #tpu.memory_space<vmem>> -> memref<128x128xf32, #tpu.memory_space<vmem>>
        %dma_wait3A_805 = arith.constant 128 : i32
        %dma_wait3A_806 = tpu.memref_slice %arg10[%dma_wait3A_805] : memref<256xi32, #tpu.memory_space<vmem>> -> memref<128xi32, #tpu.memory_space<vmem>>
        %dma_wait3A_807 = arith.constant 0 : i32
        %dma_wait3A_808 = arith.constant 0 : i32
        %dma_wait3A_809 = tpu.memref_slice %arg2[%dma_wait3A_807, %dma_wait3A_808] : memref<221184x128xf32, #tpu.memory_space<hbm>> -> memref<221184x128xf32, #tpu.memory_space<hbm>>
        tpu.wait_indirect_dma semaphore(%arg14 : memref<!tpu.dma_semaphore, #tpu.memory_space<semaphore_mem>>) src(%dma_wait3A_809 : memref<221184x128xf32, #tpu.memory_space<hbm>>) dst(%dma_wait3A_804 : memref<128x128xf32, #tpu.memory_space<vmem>>)
        %scan3A_810 = arith.constant 0 : i32
        %scan3A_811 = arith.constant 32 : i32
        %scan3A_812 = arith.addi %scan3A_810, %scan3A_811 : i32
        %scan3A_813 = arith.constant 1 : i32
        scf.for %scan3A_816 = %scan3A_810 to %scan3A_812 step %scan3A_813  : i32 {
          %mul3A_817 = arith.constant 1 : i32
          %mul3A_818 = arith.muli %scan3A_816, %mul3A_817 : i32
          %add3A_819 = arith.constant 0 : i32
          %add3A_820 = arith.addi %add3A_819, %mul3A_818 : i32
          %broadcast_in_dim3A_821 = arith.constant 0.000000e+00 : f32
          %broadcast_in_dim3A_822 = vector.broadcast %broadcast_in_dim3A_821 : f32 to vector<16xf32>
          %add3A_823 = arith.constant 0 : i32
          %add3A_824 = arith.addi %add3A_823, %add3A_820 : i32
          %get3A_825 = arith.index_cast %add3A_824 : i32 to index
          %get3A_826 = tpu.vector_load %arg11[%get3A_825] {strides = array<i32>} : memref<272xf32, #tpu.memory_space<vmem>>, vector<16xf32>,
          %get3A_827 = vector.shape_cast %get3A_826 : vector<16xf32> to vector<16xf32>
          %slice3A = vector.extract_strided_slice %get3A_827 {offsets = [0], sizes = [1], strides = [1]} : vector<16xf32> to vector<1xf32>
          %squeeze3A = vector.extract %slice3A[0] : f32 from vector<1xf32>
          %broadcast_in_dim3A_828 = vector.broadcast %squeeze3A : f32 to vector<16xf32>
          %get3A_829 = arith.index_cast %add3A_824 : i32 to index
          %get3A_830 = arith.constant 0 : index
          %get3A_831 = tpu.vector_load %arg12[%get3A_829, %get3A_830] {strides = array<i32>} : memref<256x128xf32, #tpu.memory_space<vmem>>, vector<1x16xf32>,
          %get3A_832 = vector.shape_cast %get3A_831 : vector<1x16xf32> to vector<16xf32>
          %mul3A_833 = arith.mulf %broadcast_in_dim3A_828, %get3A_832 : vector<16xf32>
          %add3A_834 = arith.addf %broadcast_in_dim3A_822, %mul3A_833 : vector<16xf32>
          %get3A_835 = arith.index_cast %add3A_824 : i32 to index
          %get3A_836 = arith.constant 16 : index
          %get3A_837 = tpu.vector_load %arg12[%get3A_835, %get3A_836] {strides = array<i32>} : memref<256x128xf32, #tpu.memory_space<vmem>>, vector<1x16xf32>,
          %get3A_838 = vector.shape_cast %get3A_837 : vector<1x16xf32> to vector<16xf32>
          %mul3A_839 = arith.mulf %broadcast_in_dim3A_828, %get3A_838 : vector<16xf32>
          %add3A_840 = arith.addf %broadcast_in_dim3A_822, %mul3A_839 : vector<16xf32>
          %get3A_841 = arith.index_cast %add3A_824 : i32 to index
          %get3A_842 = arith.constant 32 : index
          %get3A_843 = tpu.vector_load %arg12[%get3A_841, %get3A_842] {strides = array<i32>} : memref<256x128xf32, #tpu.memory_space<vmem>>, vector<1x16xf32>,
          %get3A_844 = vector.shape_cast %get3A_843 : vector<1x16xf32> to vector<16xf32>
          %mul3A_845 = arith.mulf %broadcast_in_dim3A_828, %get3A_844 : vector<16xf32>
          %add3A_846 = arith.addf %broadcast_in_dim3A_822, %mul3A_845 : vector<16xf32>
          %get3A_847 = arith.index_cast %add3A_824 : i32 to index
          %get3A_848 = arith.constant 48 : index
          %get3A_849 = tpu.vector_load %arg12[%get3A_847, %get3A_848] {strides = array<i32>} : memref<256x128xf32, #tpu.memory_space<vmem>>, vector<1x16xf32>,
          %get3A_850 = vector.shape_cast %get3A_849 : vector<1x16xf32> to vector<16xf32>
          %mul3A_851 = arith.mulf %broadcast_in_dim3A_828, %get3A_850 : vector<16xf32>
          %add3A_852 = arith.addf %broadcast_in_dim3A_822, %mul3A_851 : vector<16xf32>
          %get3A_853 = arith.index_cast %add3A_824 : i32 to index
          %get3A_854 = arith.constant 64 : index
          %get3A_855 = tpu.vector_load %arg12[%get3A_853, %get3A_854] {strides = array<i32>} : memref<256x128xf32, #tpu.memory_space<vmem>>, vector<1x16xf32>,
          %get3A_856 = vector.shape_cast %get3A_855 : vector<1x16xf32> to vector<16xf32>
          %mul3A_857 = arith.mulf %broadcast_in_dim3A_828, %get3A_856 : vector<16xf32>
          %add3A_858 = arith.addf %broadcast_in_dim3A_822, %mul3A_857 : vector<16xf32>
          %get3A_859 = arith.index_cast %add3A_824 : i32 to index
          %get3A_860 = arith.constant 80 : index
          %get3A_861 = tpu.vector_load %arg12[%get3A_859, %get3A_860] {strides = array<i32>} : memref<256x128xf32, #tpu.memory_space<vmem>>, vector<1x16xf32>,
          %get3A_862 = vector.shape_cast %get3A_861 : vector<1x16xf32> to vector<16xf32>
          %mul3A_863 = arith.mulf %broadcast_in_dim3A_828, %get3A_862 : vector<16xf32>
          %add3A_864 = arith.addf %broadcast_in_dim3A_822, %mul3A_863 : vector<16xf32>
          %get3A_865 = arith.index_cast %add3A_824 : i32 to index
          %get3A_866 = arith.constant 96 : index
          %get3A_867 = tpu.vector_load %arg12[%get3A_865, %get3A_866] {strides = array<i32>} : memref<256x128xf32, #tpu.memory_space<vmem>>, vector<1x16xf32>,
          %get3A_868 = vector.shape_cast %get3A_867 : vector<1x16xf32> to vector<16xf32>
          %mul3A_869 = arith.mulf %broadcast_in_dim3A_828, %get3A_868 : vector<16xf32>
          %add3A_870 = arith.addf %broadcast_in_dim3A_822, %mul3A_869 : vector<16xf32>
          %get3A_871 = arith.index_cast %add3A_824 : i32 to index
          %get3A_872 = arith.constant 112 : index
          %get3A_873 = tpu.vector_load %arg12[%get3A_871, %get3A_872] {strides = array<i32>} : memref<256x128xf32, #tpu.memory_space<vmem>>, vector<1x16xf32>,
          %get3A_874 = vector.shape_cast %get3A_873 : vector<1x16xf32> to vector<16xf32>
          %mul3A_875 = arith.mulf %broadcast_in_dim3A_828, %get3A_874 : vector<16xf32>
          %add3A_876 = arith.addf %broadcast_in_dim3A_822, %mul3A_875 : vector<16xf32>
          %add3A_877 = arith.constant 32 : i32
          %add3A_878 = arith.addi %add3A_877, %add3A_820 : i32
          %get3A_879 = arith.index_cast %add3A_878 : i32 to index
          %get3A_880 = tpu.vector_load %arg11[%get3A_879] {strides = array<i32>} : memref<272xf32, #tpu.memory_space<vmem>>, vector<16xf32>,
          %get3A_881 = vector.shape_cast %get3A_880 : vector<16xf32> to vector<16xf32>
          %slice3A_882 = vector.extract_strided_slice %get3A_881 {offsets = [0], sizes = [1], strides = [1]} : vector<16xf32> to vector<1xf32>
          %squeeze3A_883 = vector.extract %slice3A_882[0] : f32 from vector<1xf32>
          %broadcast_in_dim3A_884 = vector.broadcast %squeeze3A_883 : f32 to vector<16xf32>
          %get3A_885 = arith.index_cast %add3A_878 : i32 to index
          %get3A_886 = arith.constant 0 : index
          %get3A_887 = tpu.vector_load %arg12[%get3A_885, %get3A_886] {strides = array<i32>} : memref<256x128xf32, #tpu.memory_space<vmem>>, vector<1x16xf32>,
          %get3A_888 = vector.shape_cast %get3A_887 : vector<1x16xf32> to vector<16xf32>
          %mul3A_889 = arith.mulf %broadcast_in_dim3A_884, %get3A_888 : vector<16xf32>
          %add3A_890 = arith.addf %add3A_834, %mul3A_889 : vector<16xf32>
          %get3A_891 = arith.index_cast %add3A_878 : i32 to index
          %get3A_892 = arith.constant 16 : index
          %get3A_893 = tpu.vector_load %arg12[%get3A_891, %get3A_892] {strides = array<i32>} : memref<256x128xf32, #tpu.memory_space<vmem>>, vector<1x16xf32>,
          %get3A_894 = vector.shape_cast %get3A_893 : vector<1x16xf32> to vector<16xf32>
          %mul3A_895 = arith.mulf %broadcast_in_dim3A_884, %get3A_894 : vector<16xf32>
          %add3A_896 = arith.addf %add3A_840, %mul3A_895 : vector<16xf32>
          %get3A_897 = arith.index_cast %add3A_878 : i32 to index
          %get3A_898 = arith.constant 32 : index
          %get3A_899 = tpu.vector_load %arg12[%get3A_897, %get3A_898] {strides = array<i32>} : memref<256x128xf32, #tpu.memory_space<vmem>>, vector<1x16xf32>,
          %get3A_900 = vector.shape_cast %get3A_899 : vector<1x16xf32> to vector<16xf32>
          %mul3A_901 = arith.mulf %broadcast_in_dim3A_884, %get3A_900 : vector<16xf32>
          %add3A_902 = arith.addf %add3A_846, %mul3A_901 : vector<16xf32>
          %get3A_903 = arith.index_cast %add3A_878 : i32 to index
          %get3A_904 = arith.constant 48 : index
          %get3A_905 = tpu.vector_load %arg12[%get3A_903, %get3A_904] {strides = array<i32>} : memref<256x128xf32, #tpu.memory_space<vmem>>, vector<1x16xf32>,
          %get3A_906 = vector.shape_cast %get3A_905 : vector<1x16xf32> to vector<16xf32>
          %mul3A_907 = arith.mulf %broadcast_in_dim3A_884, %get3A_906 : vector<16xf32>
          %add3A_908 = arith.addf %add3A_852, %mul3A_907 : vector<16xf32>
          %get3A_909 = arith.index_cast %add3A_878 : i32 to index
          %get3A_910 = arith.constant 64 : index
          %get3A_911 = tpu.vector_load %arg12[%get3A_909, %get3A_910] {strides = array<i32>} : memref<256x128xf32, #tpu.memory_space<vmem>>, vector<1x16xf32>,
          %get3A_912 = vector.shape_cast %get3A_911 : vector<1x16xf32> to vector<16xf32>
          %mul3A_913 = arith.mulf %broadcast_in_dim3A_884, %get3A_912 : vector<16xf32>
          %add3A_914 = arith.addf %add3A_858, %mul3A_913 : vector<16xf32>
          %get3A_915 = arith.index_cast %add3A_878 : i32 to index
          %get3A_916 = arith.constant 80 : index
          %get3A_917 = tpu.vector_load %arg12[%get3A_915, %get3A_916] {strides = array<i32>} : memref<256x128xf32, #tpu.memory_space<vmem>>, vector<1x16xf32>,
          %get3A_918 = vector.shape_cast %get3A_917 : vector<1x16xf32> to vector<16xf32>
          %mul3A_919 = arith.mulf %broadcast_in_dim3A_884, %get3A_918 : vector<16xf32>
          %add3A_920 = arith.addf %add3A_864, %mul3A_919 : vector<16xf32>
          %get3A_921 = arith.index_cast %add3A_878 : i32 to index
          %get3A_922 = arith.constant 96 : index
          %get3A_923 = tpu.vector_load %arg12[%get3A_921, %get3A_922] {strides = array<i32>} : memref<256x128xf32, #tpu.memory_space<vmem>>, vector<1x16xf32>,
          %get3A_924 = vector.shape_cast %get3A_923 : vector<1x16xf32> to vector<16xf32>
          %mul3A_925 = arith.mulf %broadcast_in_dim3A_884, %get3A_924 : vector<16xf32>
          %add3A_926 = arith.addf %add3A_870, %mul3A_925 : vector<16xf32>
          %get3A_927 = arith.index_cast %add3A_878 : i32 to index
          %get3A_928 = arith.constant 112 : index
          %get3A_929 = tpu.vector_load %arg12[%get3A_927, %get3A_928] {strides = array<i32>} : memref<256x128xf32, #tpu.memory_space<vmem>>, vector<1x16xf32>,
          %get3A_930 = vector.shape_cast %get3A_929 : vector<1x16xf32> to vector<16xf32>
          %mul3A_931 = arith.mulf %broadcast_in_dim3A_884, %get3A_930 : vector<16xf32>
          %add3A_932 = arith.addf %add3A_876, %mul3A_931 : vector<16xf32>
          %add3A_933 = arith.constant 64 : i32
          %add3A_934 = arith.addi %add3A_933, %add3A_820 : i32
          %get3A_935 = arith.index_cast %add3A_934 : i32 to index
          %get3A_936 = tpu.vector_load %arg11[%get3A_935] {strides = array<i32>} : memref<272xf32, #tpu.memory_space<vmem>>, vector<16xf32>,
          %get3A_937 = vector.shape_cast %get3A_936 : vector<16xf32> to vector<16xf32>
          %slice3A_938 = vector.extract_strided_slice %get3A_937 {offsets = [0], sizes = [1], strides = [1]} : vector<16xf32> to vector<1xf32>
          %squeeze3A_939 = vector.extract %slice3A_938[0] : f32 from vector<1xf32>
          %broadcast_in_dim3A_940 = vector.broadcast %squeeze3A_939 : f32 to vector<16xf32>
          %get3A_941 = arith.index_cast %add3A_934 : i32 to index
          %get3A_942 = arith.constant 0 : index
          %get3A_943 = tpu.vector_load %arg12[%get3A_941, %get3A_942] {strides = array<i32>} : memref<256x128xf32, #tpu.memory_space<vmem>>, vector<1x16xf32>,
          %get3A_944 = vector.shape_cast %get3A_943 : vector<1x16xf32> to vector<16xf32>
          %mul3A_945 = arith.mulf %broadcast_in_dim3A_940, %get3A_944 : vector<16xf32>
          %add3A_946 = arith.addf %add3A_890, %mul3A_945 : vector<16xf32>
          %get3A_947 = arith.index_cast %add3A_934 : i32 to index
          %get3A_948 = arith.constant 16 : index
          %get3A_949 = tpu.vector_load %arg12[%get3A_947, %get3A_948] {strides = array<i32>} : memref<256x128xf32, #tpu.memory_space<vmem>>, vector<1x16xf32>,
          %get3A_950 = vector.shape_cast %get3A_949 : vector<1x16xf32> to vector<16xf32>
          %mul3A_951 = arith.mulf %broadcast_in_dim3A_940, %get3A_950 : vector<16xf32>
          %add3A_952 = arith.addf %add3A_896, %mul3A_951 : vector<16xf32>
          %get3A_953 = arith.index_cast %add3A_934 : i32 to index
          %get3A_954 = arith.constant 32 : index
          %get3A_955 = tpu.vector_load %arg12[%get3A_953, %get3A_954] {strides = array<i32>} : memref<256x128xf32, #tpu.memory_space<vmem>>, vector<1x16xf32>,
          %get3A_956 = vector.shape_cast %get3A_955 : vector<1x16xf32> to vector<16xf32>
          %mul3A_957 = arith.mulf %broadcast_in_dim3A_940, %get3A_956 : vector<16xf32>
          %add3A_958 = arith.addf %add3A_902, %mul3A_957 : vector<16xf32>
          %get3A_959 = arith.index_cast %add3A_934 : i32 to index
          %get3A_960 = arith.constant 48 : index
          %get3A_961 = tpu.vector_load %arg12[%get3A_959, %get3A_960] {strides = array<i32>} : memref<256x128xf32, #tpu.memory_space<vmem>>, vector<1x16xf32>,
          %get3A_962 = vector.shape_cast %get3A_961 : vector<1x16xf32> to vector<16xf32>
          %mul3A_963 = arith.mulf %broadcast_in_dim3A_940, %get3A_962 : vector<16xf32>
          %add3A_964 = arith.addf %add3A_908, %mul3A_963 : vector<16xf32>
          %get3A_965 = arith.index_cast %add3A_934 : i32 to index
          %get3A_966 = arith.constant 64 : index
          %get3A_967 = tpu.vector_load %arg12[%get3A_965, %get3A_966] {strides = array<i32>} : memref<256x128xf32, #tpu.memory_space<vmem>>, vector<1x16xf32>,
          %get3A_968 = vector.shape_cast %get3A_967 : vector<1x16xf32> to vector<16xf32>
          %mul3A_969 = arith.mulf %broadcast_in_dim3A_940, %get3A_968 : vector<16xf32>
          %add3A_970 = arith.addf %add3A_914, %mul3A_969 : vector<16xf32>
          %get3A_971 = arith.index_cast %add3A_934 : i32 to index
          %get3A_972 = arith.constant 80 : index
          %get3A_973 = tpu.vector_load %arg12[%get3A_971, %get3A_972] {strides = array<i32>} : memref<256x128xf32, #tpu.memory_space<vmem>>, vector<1x16xf32>,
          %get3A_974 = vector.shape_cast %get3A_973 : vector<1x16xf32> to vector<16xf32>
          %mul3A_975 = arith.mulf %broadcast_in_dim3A_940, %get3A_974 : vector<16xf32>
          %add3A_976 = arith.addf %add3A_920, %mul3A_975 : vector<16xf32>
          %get3A_977 = arith.index_cast %add3A_934 : i32 to index
          %get3A_978 = arith.constant 96 : index
          %get3A_979 = tpu.vector_load %arg12[%get3A_977, %get3A_978] {strides = array<i32>} : memref<256x128xf32, #tpu.memory_space<vmem>>, vector<1x16xf32>,
          %get3A_980 = vector.shape_cast %get3A_979 : vector<1x16xf32> to vector<16xf32>
          %mul3A_981 = arith.mulf %broadcast_in_dim3A_940, %get3A_980 : vector<16xf32>
          %add3A_982 = arith.addf %add3A_926, %mul3A_981 : vector<16xf32>
          %get3A_983 = arith.index_cast %add3A_934 : i32 to index
          %get3A_984 = arith.constant 112 : index
          %get3A_985 = tpu.vector_load %arg12[%get3A_983, %get3A_984] {strides = array<i32>} : memref<256x128xf32, #tpu.memory_space<vmem>>, vector<1x16xf32>,
          %get3A_986 = vector.shape_cast %get3A_985 : vector<1x16xf32> to vector<16xf32>
          %mul3A_987 = arith.mulf %broadcast_in_dim3A_940, %get3A_986 : vector<16xf32>
          %add3A_988 = arith.addf %add3A_932, %mul3A_987 : vector<16xf32>
          %add3A_989 = arith.constant 96 : i32
          %add3A_990 = arith.addi %add3A_989, %add3A_820 : i32
          %get3A_991 = arith.index_cast %add3A_990 : i32 to index
          %get3A_992 = tpu.vector_load %arg11[%get3A_991] {strides = array<i32>} : memref<272xf32, #tpu.memory_space<vmem>>, vector<16xf32>,
          %get3A_993 = vector.shape_cast %get3A_992 : vector<16xf32> to vector<16xf32>
          %slice3A_994 = vector.extract_strided_slice %get3A_993 {offsets = [0], sizes = [1], strides = [1]} : vector<16xf32> to vector<1xf32>
          %squeeze3A_995 = vector.extract %slice3A_994[0] : f32 from vector<1xf32>
          %broadcast_in_dim3A_996 = vector.broadcast %squeeze3A_995 : f32 to vector<16xf32>
          %get3A_997 = arith.index_cast %add3A_990 : i32 to index
          %get3A_998 = arith.constant 0 : index
          %get3A_999 = tpu.vector_load %arg12[%get3A_997, %get3A_998] {strides = array<i32>} : memref<256x128xf32, #tpu.memory_space<vmem>>, vector<1x16xf32>,
          %get3A_1000 = vector.shape_cast %get3A_999 : vector<1x16xf32> to vector<16xf32>
          %mul3A_1001 = arith.mulf %broadcast_in_dim3A_996, %get3A_1000 : vector<16xf32>
          %add3A_1002 = arith.addf %add3A_946, %mul3A_1001 : vector<16xf32>
          %get3A_1003 = arith.index_cast %add3A_990 : i32 to index
          %get3A_1004 = arith.constant 16 : index
          %get3A_1005 = tpu.vector_load %arg12[%get3A_1003, %get3A_1004] {strides = array<i32>} : memref<256x128xf32, #tpu.memory_space<vmem>>, vector<1x16xf32>,
          %get3A_1006 = vector.shape_cast %get3A_1005 : vector<1x16xf32> to vector<16xf32>
          %mul3A_1007 = arith.mulf %broadcast_in_dim3A_996, %get3A_1006 : vector<16xf32>
          %add3A_1008 = arith.addf %add3A_952, %mul3A_1007 : vector<16xf32>
          %get3A_1009 = arith.index_cast %add3A_990 : i32 to index
          %get3A_1010 = arith.constant 32 : index
          %get3A_1011 = tpu.vector_load %arg12[%get3A_1009, %get3A_1010] {strides = array<i32>} : memref<256x128xf32, #tpu.memory_space<vmem>>, vector<1x16xf32>,
          %get3A_1012 = vector.shape_cast %get3A_1011 : vector<1x16xf32> to vector<16xf32>
          %mul3A_1013 = arith.mulf %broadcast_in_dim3A_996, %get3A_1012 : vector<16xf32>
          %add3A_1014 = arith.addf %add3A_958, %mul3A_1013 : vector<16xf32>
          %get3A_1015 = arith.index_cast %add3A_990 : i32 to index
          %get3A_1016 = arith.constant 48 : index
          %get3A_1017 = tpu.vector_load %arg12[%get3A_1015, %get3A_1016] {strides = array<i32>} : memref<256x128xf32, #tpu.memory_space<vmem>>, vector<1x16xf32>,
          %get3A_1018 = vector.shape_cast %get3A_1017 : vector<1x16xf32> to vector<16xf32>
          %mul3A_1019 = arith.mulf %broadcast_in_dim3A_996, %get3A_1018 : vector<16xf32>
          %add3A_1020 = arith.addf %add3A_964, %mul3A_1019 : vector<16xf32>
          %get3A_1021 = arith.index_cast %add3A_990 : i32 to index
          %get3A_1022 = arith.constant 64 : index
          %get3A_1023 = tpu.vector_load %arg12[%get3A_1021, %get3A_1022] {strides = array<i32>} : memref<256x128xf32, #tpu.memory_space<vmem>>, vector<1x16xf32>,
          %get3A_1024 = vector.shape_cast %get3A_1023 : vector<1x16xf32> to vector<16xf32>
          %mul3A_1025 = arith.mulf %broadcast_in_dim3A_996, %get3A_1024 : vector<16xf32>
          %add3A_1026 = arith.addf %add3A_970, %mul3A_1025 : vector<16xf32>
          %get3A_1027 = arith.index_cast %add3A_990 : i32 to index
          %get3A_1028 = arith.constant 80 : index
          %get3A_1029 = tpu.vector_load %arg12[%get3A_1027, %get3A_1028] {strides = array<i32>} : memref<256x128xf32, #tpu.memory_space<vmem>>, vector<1x16xf32>,
          %get3A_1030 = vector.shape_cast %get3A_1029 : vector<1x16xf32> to vector<16xf32>
          %mul3A_1031 = arith.mulf %broadcast_in_dim3A_996, %get3A_1030 : vector<16xf32>
          %add3A_1032 = arith.addf %add3A_976, %mul3A_1031 : vector<16xf32>
          %get3A_1033 = arith.index_cast %add3A_990 : i32 to index
          %get3A_1034 = arith.constant 96 : index
          %get3A_1035 = tpu.vector_load %arg12[%get3A_1033, %get3A_1034] {strides = array<i32>} : memref<256x128xf32, #tpu.memory_space<vmem>>, vector<1x16xf32>,
          %get3A_1036 = vector.shape_cast %get3A_1035 : vector<1x16xf32> to vector<16xf32>
          %mul3A_1037 = arith.mulf %broadcast_in_dim3A_996, %get3A_1036 : vector<16xf32>
          %add3A_1038 = arith.addf %add3A_982, %mul3A_1037 : vector<16xf32>
          %get3A_1039 = arith.index_cast %add3A_990 : i32 to index
          %get3A_1040 = arith.constant 112 : index
          %get3A_1041 = tpu.vector_load %arg12[%get3A_1039, %get3A_1040] {strides = array<i32>} : memref<256x128xf32, #tpu.memory_space<vmem>>, vector<1x16xf32>,
          %get3A_1042 = vector.shape_cast %get3A_1041 : vector<1x16xf32> to vector<16xf32>
          %mul3A_1043 = arith.mulf %broadcast_in_dim3A_996, %get3A_1042 : vector<16xf32>
          %add3A_1044 = arith.addf %add3A_988, %mul3A_1043 : vector<16xf32>
          %add3A_1045 = arith.constant 128 : i32
          %add3A_1046 = arith.addi %add3A_1045, %add3A_820 : i32
          %get3A_1047 = arith.index_cast %add3A_1046 : i32 to index
          %get3A_1048 = tpu.vector_load %arg11[%get3A_1047] {strides = array<i32>} : memref<272xf32, #tpu.memory_space<vmem>>, vector<16xf32>,
          %get3A_1049 = vector.shape_cast %get3A_1048 : vector<16xf32> to vector<16xf32>
          %slice3A_1050 = vector.extract_strided_slice %get3A_1049 {offsets = [0], sizes = [1], strides = [1]} : vector<16xf32> to vector<1xf32>
          %squeeze3A_1051 = vector.extract %slice3A_1050[0] : f32 from vector<1xf32>
          %broadcast_in_dim3A_1052 = vector.broadcast %squeeze3A_1051 : f32 to vector<16xf32>
          %get3A_1053 = arith.index_cast %add3A_1046 : i32 to index
          %get3A_1054 = arith.constant 0 : index
          %get3A_1055 = tpu.vector_load %arg12[%get3A_1053, %get3A_1054] {strides = array<i32>} : memref<256x128xf32, #tpu.memory_space<vmem>>, vector<1x16xf32>,
          %get3A_1056 = vector.shape_cast %get3A_1055 : vector<1x16xf32> to vector<16xf32>
          %mul3A_1057 = arith.mulf %broadcast_in_dim3A_1052, %get3A_1056 : vector<16xf32>
          %add3A_1058 = arith.addf %add3A_1002, %mul3A_1057 : vector<16xf32>
          %get3A_1059 = arith.index_cast %add3A_1046 : i32 to index
          %get3A_1060 = arith.constant 16 : index
          %get3A_1061 = tpu.vector_load %arg12[%get3A_1059, %get3A_1060] {strides = array<i32>} : memref<256x128xf32, #tpu.memory_space<vmem>>, vector<1x16xf32>,
          %get3A_1062 = vector.shape_cast %get3A_1061 : vector<1x16xf32> to vector<16xf32>
          %mul3A_1063 = arith.mulf %broadcast_in_dim3A_1052, %get3A_1062 : vector<16xf32>
          %add3A_1064 = arith.addf %add3A_1008, %mul3A_1063 : vector<16xf32>
          %get3A_1065 = arith.index_cast %add3A_1046 : i32 to index
          %get3A_1066 = arith.constant 32 : index
          %get3A_1067 = tpu.vector_load %arg12[%get3A_1065, %get3A_1066] {strides = array<i32>} : memref<256x128xf32, #tpu.memory_space<vmem>>, vector<1x16xf32>,
          %get3A_1068 = vector.shape_cast %get3A_1067 : vector<1x16xf32> to vector<16xf32>
          %mul3A_1069 = arith.mulf %broadcast_in_dim3A_1052, %get3A_1068 : vector<16xf32>
          %add3A_1070 = arith.addf %add3A_1014, %mul3A_1069 : vector<16xf32>
          %get3A_1071 = arith.index_cast %add3A_1046 : i32 to index
          %get3A_1072 = arith.constant 48 : index
          %get3A_1073 = tpu.vector_load %arg12[%get3A_1071, %get3A_1072] {strides = array<i32>} : memref<256x128xf32, #tpu.memory_space<vmem>>, vector<1x16xf32>,
          %get3A_1074 = vector.shape_cast %get3A_1073 : vector<1x16xf32> to vector<16xf32>
          %mul3A_1075 = arith.mulf %broadcast_in_dim3A_1052, %get3A_1074 : vector<16xf32>
          %add3A_1076 = arith.addf %add3A_1020, %mul3A_1075 : vector<16xf32>
          %get3A_1077 = arith.index_cast %add3A_1046 : i32 to index
          %get3A_1078 = arith.constant 64 : index
          %get3A_1079 = tpu.vector_load %arg12[%get3A_1077, %get3A_1078] {strides = array<i32>} : memref<256x128xf32, #tpu.memory_space<vmem>>, vector<1x16xf32>,
          %get3A_1080 = vector.shape_cast %get3A_1079 : vector<1x16xf32> to vector<16xf32>
          %mul3A_1081 = arith.mulf %broadcast_in_dim3A_1052, %get3A_1080 : vector<16xf32>
          %add3A_1082 = arith.addf %add3A_1026, %mul3A_1081 : vector<16xf32>
          %get3A_1083 = arith.index_cast %add3A_1046 : i32 to index
          %get3A_1084 = arith.constant 80 : index
          %get3A_1085 = tpu.vector_load %arg12[%get3A_1083, %get3A_1084] {strides = array<i32>} : memref<256x128xf32, #tpu.memory_space<vmem>>, vector<1x16xf32>,
          %get3A_1086 = vector.shape_cast %get3A_1085 : vector<1x16xf32> to vector<16xf32>
          %mul3A_1087 = arith.mulf %broadcast_in_dim3A_1052, %get3A_1086 : vector<16xf32>
          %add3A_1088 = arith.addf %add3A_1032, %mul3A_1087 : vector<16xf32>
          %get3A_1089 = arith.index_cast %add3A_1046 : i32 to index
          %get3A_1090 = arith.constant 96 : index
          %get3A_1091 = tpu.vector_load %arg12[%get3A_1089, %get3A_1090] {strides = array<i32>} : memref<256x128xf32, #tpu.memory_space<vmem>>, vector<1x16xf32>,
          %get3A_1092 = vector.shape_cast %get3A_1091 : vector<1x16xf32> to vector<16xf32>
          %mul3A_1093 = arith.mulf %broadcast_in_dim3A_1052, %get3A_1092 : vector<16xf32>
          %add3A_1094 = arith.addf %add3A_1038, %mul3A_1093 : vector<16xf32>
          %get3A_1095 = arith.index_cast %add3A_1046 : i32 to index
          %get3A_1096 = arith.constant 112 : index
          %get3A_1097 = tpu.vector_load %arg12[%get3A_1095, %get3A_1096] {strides = array<i32>} : memref<256x128xf32, #tpu.memory_space<vmem>>, vector<1x16xf32>,
          %get3A_1098 = vector.shape_cast %get3A_1097 : vector<1x16xf32> to vector<16xf32>
          %mul3A_1099 = arith.mulf %broadcast_in_dim3A_1052, %get3A_1098 : vector<16xf32>
          %add3A_1100 = arith.addf %add3A_1044, %mul3A_1099 : vector<16xf32>
          %add3A_1101 = arith.constant 160 : i32
          %add3A_1102 = arith.addi %add3A_1101, %add3A_820 : i32
          %get3A_1103 = arith.index_cast %add3A_1102 : i32 to index
          %get3A_1104 = tpu.vector_load %arg11[%get3A_1103] {strides = array<i32>} : memref<272xf32, #tpu.memory_space<vmem>>, vector<16xf32>,
          %get3A_1105 = vector.shape_cast %get3A_1104 : vector<16xf32> to vector<16xf32>
          %slice3A_1106 = vector.extract_strided_slice %get3A_1105 {offsets = [0], sizes = [1], strides = [1]} : vector<16xf32> to vector<1xf32>
          %squeeze3A_1107 = vector.extract %slice3A_1106[0] : f32 from vector<1xf32>
          %broadcast_in_dim3A_1108 = vector.broadcast %squeeze3A_1107 : f32 to vector<16xf32>
          %get3A_1109 = arith.index_cast %add3A_1102 : i32 to index
          %get3A_1110 = arith.constant 0 : index
          %get3A_1111 = tpu.vector_load %arg12[%get3A_1109, %get3A_1110] {strides = array<i32>} : memref<256x128xf32, #tpu.memory_space<vmem>>, vector<1x16xf32>,
          %get3A_1112 = vector.shape_cast %get3A_1111 : vector<1x16xf32> to vector<16xf32>
          %mul3A_1113 = arith.mulf %broadcast_in_dim3A_1108, %get3A_1112 : vector<16xf32>
          %add3A_1114 = arith.addf %add3A_1058, %mul3A_1113 : vector<16xf32>
          %get3A_1115 = arith.index_cast %add3A_1102 : i32 to index
          %get3A_1116 = arith.constant 16 : index
          %get3A_1117 = tpu.vector_load %arg12[%get3A_1115, %get3A_1116] {strides = array<i32>} : memref<256x128xf32, #tpu.memory_space<vmem>>, vector<1x16xf32>,
          %get3A_1118 = vector.shape_cast %get3A_1117 : vector<1x16xf32> to vector<16xf32>
          %mul3A_1119 = arith.mulf %broadcast_in_dim3A_1108, %get3A_1118 : vector<16xf32>
          %add3A_1120 = arith.addf %add3A_1064, %mul3A_1119 : vector<16xf32>
          %get3A_1121 = arith.index_cast %add3A_1102 : i32 to index
          %get3A_1122 = arith.constant 32 : index
          %get3A_1123 = tpu.vector_load %arg12[%get3A_1121, %get3A_1122] {strides = array<i32>} : memref<256x128xf32, #tpu.memory_space<vmem>>, vector<1x16xf32>,
          %get3A_1124 = vector.shape_cast %get3A_1123 : vector<1x16xf32> to vector<16xf32>
          %mul3A_1125 = arith.mulf %broadcast_in_dim3A_1108, %get3A_1124 : vector<16xf32>
          %add3A_1126 = arith.addf %add3A_1070, %mul3A_1125 : vector<16xf32>
          %get3A_1127 = arith.index_cast %add3A_1102 : i32 to index
          %get3A_1128 = arith.constant 48 : index
          %get3A_1129 = tpu.vector_load %arg12[%get3A_1127, %get3A_1128] {strides = array<i32>} : memref<256x128xf32, #tpu.memory_space<vmem>>, vector<1x16xf32>,
          %get3A_1130 = vector.shape_cast %get3A_1129 : vector<1x16xf32> to vector<16xf32>
          %mul3A_1131 = arith.mulf %broadcast_in_dim3A_1108, %get3A_1130 : vector<16xf32>
          %add3A_1132 = arith.addf %add3A_1076, %mul3A_1131 : vector<16xf32>
          %get3A_1133 = arith.index_cast %add3A_1102 : i32 to index
          %get3A_1134 = arith.constant 64 : index
          %get3A_1135 = tpu.vector_load %arg12[%get3A_1133, %get3A_1134] {strides = array<i32>} : memref<256x128xf32, #tpu.memory_space<vmem>>, vector<1x16xf32>,
          %get3A_1136 = vector.shape_cast %get3A_1135 : vector<1x16xf32> to vector<16xf32>
          %mul3A_1137 = arith.mulf %broadcast_in_dim3A_1108, %get3A_1136 : vector<16xf32>
          %add3A_1138 = arith.addf %add3A_1082, %mul3A_1137 : vector<16xf32>
          %get3A_1139 = arith.index_cast %add3A_1102 : i32 to index
          %get3A_1140 = arith.constant 80 : index
          %get3A_1141 = tpu.vector_load %arg12[%get3A_1139, %get3A_1140] {strides = array<i32>} : memref<256x128xf32, #tpu.memory_space<vmem>>, vector<1x16xf32>,
          %get3A_1142 = vector.shape_cast %get3A_1141 : vector<1x16xf32> to vector<16xf32>
          %mul3A_1143 = arith.mulf %broadcast_in_dim3A_1108, %get3A_1142 : vector<16xf32>
          %add3A_1144 = arith.addf %add3A_1088, %mul3A_1143 : vector<16xf32>
          %get3A_1145 = arith.index_cast %add3A_1102 : i32 to index
          %get3A_1146 = arith.constant 96 : index
          %get3A_1147 = tpu.vector_load %arg12[%get3A_1145, %get3A_1146] {strides = array<i32>} : memref<256x128xf32, #tpu.memory_space<vmem>>, vector<1x16xf32>,
          %get3A_1148 = vector.shape_cast %get3A_1147 : vector<1x16xf32> to vector<16xf32>
          %mul3A_1149 = arith.mulf %broadcast_in_dim3A_1108, %get3A_1148 : vector<16xf32>
          %add3A_1150 = arith.addf %add3A_1094, %mul3A_1149 : vector<16xf32>
          %get3A_1151 = arith.index_cast %add3A_1102 : i32 to index
          %get3A_1152 = arith.constant 112 : index
          %get3A_1153 = tpu.vector_load %arg12[%get3A_1151, %get3A_1152] {strides = array<i32>} : memref<256x128xf32, #tpu.memory_space<vmem>>, vector<1x16xf32>,
          %get3A_1154 = vector.shape_cast %get3A_1153 : vector<1x16xf32> to vector<16xf32>
          %mul3A_1155 = arith.mulf %broadcast_in_dim3A_1108, %get3A_1154 : vector<16xf32>
          %add3A_1156 = arith.addf %add3A_1100, %mul3A_1155 : vector<16xf32>
          %add3A_1157 = arith.constant 192 : i32
          %add3A_1158 = arith.addi %add3A_1157, %add3A_820 : i32
          %get3A_1159 = arith.index_cast %add3A_1158 : i32 to index
          %get3A_1160 = tpu.vector_load %arg11[%get3A_1159] {strides = array<i32>} : memref<272xf32, #tpu.memory_space<vmem>>, vector<16xf32>,
          %get3A_1161 = vector.shape_cast %get3A_1160 : vector<16xf32> to vector<16xf32>
          %slice3A_1162 = vector.extract_strided_slice %get3A_1161 {offsets = [0], sizes = [1], strides = [1]} : vector<16xf32> to vector<1xf32>
          %squeeze3A_1163 = vector.extract %slice3A_1162[0] : f32 from vector<1xf32>
          %broadcast_in_dim3A_1164 = vector.broadcast %squeeze3A_1163 : f32 to vector<16xf32>
          %get3A_1165 = arith.index_cast %add3A_1158 : i32 to index
          %get3A_1166 = arith.constant 0 : index
          %get3A_1167 = tpu.vector_load %arg12[%get3A_1165, %get3A_1166] {strides = array<i32>} : memref<256x128xf32, #tpu.memory_space<vmem>>, vector<1x16xf32>,
          %get3A_1168 = vector.shape_cast %get3A_1167 : vector<1x16xf32> to vector<16xf32>
          %mul3A_1169 = arith.mulf %broadcast_in_dim3A_1164, %get3A_1168 : vector<16xf32>
          %add3A_1170 = arith.addf %add3A_1114, %mul3A_1169 : vector<16xf32>
          %get3A_1171 = arith.index_cast %add3A_1158 : i32 to index
          %get3A_1172 = arith.constant 16 : index
          %get3A_1173 = tpu.vector_load %arg12[%get3A_1171, %get3A_1172] {strides = array<i32>} : memref<256x128xf32, #tpu.memory_space<vmem>>, vector<1x16xf32>,
          %get3A_1174 = vector.shape_cast %get3A_1173 : vector<1x16xf32> to vector<16xf32>
          %mul3A_1175 = arith.mulf %broadcast_in_dim3A_1164, %get3A_1174 : vector<16xf32>
          %add3A_1176 = arith.addf %add3A_1120, %mul3A_1175 : vector<16xf32>
          %get3A_1177 = arith.index_cast %add3A_1158 : i32 to index
          %get3A_1178 = arith.constant 32 : index
          %get3A_1179 = tpu.vector_load %arg12[%get3A_1177, %get3A_1178] {strides = array<i32>} : memref<256x128xf32, #tpu.memory_space<vmem>>, vector<1x16xf32>,
          %get3A_1180 = vector.shape_cast %get3A_1179 : vector<1x16xf32> to vector<16xf32>
          %mul3A_1181 = arith.mulf %broadcast_in_dim3A_1164, %get3A_1180 : vector<16xf32>
          %add3A_1182 = arith.addf %add3A_1126, %mul3A_1181 : vector<16xf32>
          %get3A_1183 = arith.index_cast %add3A_1158 : i32 to index
          %get3A_1184 = arith.constant 48 : index
          %get3A_1185 = tpu.vector_load %arg12[%get3A_1183, %get3A_1184] {strides = array<i32>} : memref<256x128xf32, #tpu.memory_space<vmem>>, vector<1x16xf32>,
          %get3A_1186 = vector.shape_cast %get3A_1185 : vector<1x16xf32> to vector<16xf32>
          %mul3A_1187 = arith.mulf %broadcast_in_dim3A_1164, %get3A_1186 : vector<16xf32>
          %add3A_1188 = arith.addf %add3A_1132, %mul3A_1187 : vector<16xf32>
          %get3A_1189 = arith.index_cast %add3A_1158 : i32 to index
          %get3A_1190 = arith.constant 64 : index
          %get3A_1191 = tpu.vector_load %arg12[%get3A_1189, %get3A_1190] {strides = array<i32>} : memref<256x128xf32, #tpu.memory_space<vmem>>, vector<1x16xf32>,
          %get3A_1192 = vector.shape_cast %get3A_1191 : vector<1x16xf32> to vector<16xf32>
          %mul3A_1193 = arith.mulf %broadcast_in_dim3A_1164, %get3A_1192 : vector<16xf32>
          %add3A_1194 = arith.addf %add3A_1138, %mul3A_1193 : vector<16xf32>
          %get3A_1195 = arith.index_cast %add3A_1158 : i32 to index
          %get3A_1196 = arith.constant 80 : index
          %get3A_1197 = tpu.vector_load %arg12[%get3A_1195, %get3A_1196] {strides = array<i32>} : memref<256x128xf32, #tpu.memory_space<vmem>>, vector<1x16xf32>,
          %get3A_1198 = vector.shape_cast %get3A_1197 : vector<1x16xf32> to vector<16xf32>
          %mul3A_1199 = arith.mulf %broadcast_in_dim3A_1164, %get3A_1198 : vector<16xf32>
          %add3A_1200 = arith.addf %add3A_1144, %mul3A_1199 : vector<16xf32>
          %get3A_1201 = arith.index_cast %add3A_1158 : i32 to index
          %get3A_1202 = arith.constant 96 : index
          %get3A_1203 = tpu.vector_load %arg12[%get3A_1201, %get3A_1202] {strides = array<i32>} : memref<256x128xf32, #tpu.memory_space<vmem>>, vector<1x16xf32>,
          %get3A_1204 = vector.shape_cast %get3A_1203 : vector<1x16xf32> to vector<16xf32>
          %mul3A_1205 = arith.mulf %broadcast_in_dim3A_1164, %get3A_1204 : vector<16xf32>
          %add3A_1206 = arith.addf %add3A_1150, %mul3A_1205 : vector<16xf32>
          %get3A_1207 = arith.index_cast %add3A_1158 : i32 to index
          %get3A_1208 = arith.constant 112 : index
          %get3A_1209 = tpu.vector_load %arg12[%get3A_1207, %get3A_1208] {strides = array<i32>} : memref<256x128xf32, #tpu.memory_space<vmem>>, vector<1x16xf32>,
          %get3A_1210 = vector.shape_cast %get3A_1209 : vector<1x16xf32> to vector<16xf32>
          %mul3A_1211 = arith.mulf %broadcast_in_dim3A_1164, %get3A_1210 : vector<16xf32>
          %add3A_1212 = arith.addf %add3A_1156, %mul3A_1211 : vector<16xf32>
          %add3A_1213 = arith.constant 224 : i32
          %add3A_1214 = arith.addi %add3A_1213, %add3A_820 : i32
          %get3A_1215 = arith.index_cast %add3A_1214 : i32 to index
          %get3A_1216 = tpu.vector_load %arg11[%get3A_1215] {strides = array<i32>} : memref<272xf32, #tpu.memory_space<vmem>>, vector<16xf32>,
          %get3A_1217 = vector.shape_cast %get3A_1216 : vector<16xf32> to vector<16xf32>
          %slice3A_1218 = vector.extract_strided_slice %get3A_1217 {offsets = [0], sizes = [1], strides = [1]} : vector<16xf32> to vector<1xf32>
          %squeeze3A_1219 = vector.extract %slice3A_1218[0] : f32 from vector<1xf32>
          %broadcast_in_dim3A_1220 = vector.broadcast %squeeze3A_1219 : f32 to vector<16xf32>
          %get3A_1221 = arith.index_cast %add3A_1214 : i32 to index
          %get3A_1222 = arith.constant 0 : index
          %get3A_1223 = tpu.vector_load %arg12[%get3A_1221, %get3A_1222] {strides = array<i32>} : memref<256x128xf32, #tpu.memory_space<vmem>>, vector<1x16xf32>,
          %get3A_1224 = vector.shape_cast %get3A_1223 : vector<1x16xf32> to vector<16xf32>
          %mul3A_1225 = arith.mulf %broadcast_in_dim3A_1220, %get3A_1224 : vector<16xf32>
          %add3A_1226 = arith.addf %add3A_1170, %mul3A_1225 : vector<16xf32>
          %get3A_1227 = arith.index_cast %add3A_1214 : i32 to index
          %get3A_1228 = arith.constant 16 : index
          %get3A_1229 = tpu.vector_load %arg12[%get3A_1227, %get3A_1228] {strides = array<i32>} : memref<256x128xf32, #tpu.memory_space<vmem>>, vector<1x16xf32>,
          %get3A_1230 = vector.shape_cast %get3A_1229 : vector<1x16xf32> to vector<16xf32>
          %mul3A_1231 = arith.mulf %broadcast_in_dim3A_1220, %get3A_1230 : vector<16xf32>
          %add3A_1232 = arith.addf %add3A_1176, %mul3A_1231 : vector<16xf32>
          %get3A_1233 = arith.index_cast %add3A_1214 : i32 to index
          %get3A_1234 = arith.constant 32 : index
          %get3A_1235 = tpu.vector_load %arg12[%get3A_1233, %get3A_1234] {strides = array<i32>} : memref<256x128xf32, #tpu.memory_space<vmem>>, vector<1x16xf32>,
          %get3A_1236 = vector.shape_cast %get3A_1235 : vector<1x16xf32> to vector<16xf32>
          %mul3A_1237 = arith.mulf %broadcast_in_dim3A_1220, %get3A_1236 : vector<16xf32>
          %add3A_1238 = arith.addf %add3A_1182, %mul3A_1237 : vector<16xf32>
          %get3A_1239 = arith.index_cast %add3A_1214 : i32 to index
          %get3A_1240 = arith.constant 48 : index
          %get3A_1241 = tpu.vector_load %arg12[%get3A_1239, %get3A_1240] {strides = array<i32>} : memref<256x128xf32, #tpu.memory_space<vmem>>, vector<1x16xf32>,
          %get3A_1242 = vector.shape_cast %get3A_1241 : vector<1x16xf32> to vector<16xf32>
          %mul3A_1243 = arith.mulf %broadcast_in_dim3A_1220, %get3A_1242 : vector<16xf32>
          %add3A_1244 = arith.addf %add3A_1188, %mul3A_1243 : vector<16xf32>
          %get3A_1245 = arith.index_cast %add3A_1214 : i32 to index
          %get3A_1246 = arith.constant 64 : index
          %get3A_1247 = tpu.vector_load %arg12[%get3A_1245, %get3A_1246] {strides = array<i32>} : memref<256x128xf32, #tpu.memory_space<vmem>>, vector<1x16xf32>,
          %get3A_1248 = vector.shape_cast %get3A_1247 : vector<1x16xf32> to vector<16xf32>
          %mul3A_1249 = arith.mulf %broadcast_in_dim3A_1220, %get3A_1248 : vector<16xf32>
          %add3A_1250 = arith.addf %add3A_1194, %mul3A_1249 : vector<16xf32>
          %get3A_1251 = arith.index_cast %add3A_1214 : i32 to index
          %get3A_1252 = arith.constant 80 : index
          %get3A_1253 = tpu.vector_load %arg12[%get3A_1251, %get3A_1252] {strides = array<i32>} : memref<256x128xf32, #tpu.memory_space<vmem>>, vector<1x16xf32>,
          %get3A_1254 = vector.shape_cast %get3A_1253 : vector<1x16xf32> to vector<16xf32>
          %mul3A_1255 = arith.mulf %broadcast_in_dim3A_1220, %get3A_1254 : vector<16xf32>
          %add3A_1256 = arith.addf %add3A_1200, %mul3A_1255 : vector<16xf32>
          %get3A_1257 = arith.index_cast %add3A_1214 : i32 to index
          %get3A_1258 = arith.constant 96 : index
          %get3A_1259 = tpu.vector_load %arg12[%get3A_1257, %get3A_1258] {strides = array<i32>} : memref<256x128xf32, #tpu.memory_space<vmem>>, vector<1x16xf32>,
          %get3A_1260 = vector.shape_cast %get3A_1259 : vector<1x16xf32> to vector<16xf32>
          %mul3A_1261 = arith.mulf %broadcast_in_dim3A_1220, %get3A_1260 : vector<16xf32>
          %add3A_1262 = arith.addf %add3A_1206, %mul3A_1261 : vector<16xf32>
          %get3A_1263 = arith.index_cast %add3A_1214 : i32 to index
          %get3A_1264 = arith.constant 112 : index
          %get3A_1265 = tpu.vector_load %arg12[%get3A_1263, %get3A_1264] {strides = array<i32>} : memref<256x128xf32, #tpu.memory_space<vmem>>, vector<1x16xf32>,
          %get3A_1266 = vector.shape_cast %get3A_1265 : vector<1x16xf32> to vector<16xf32>
          %mul3A_1267 = arith.mulf %broadcast_in_dim3A_1220, %get3A_1266 : vector<16xf32>
          %add3A_1268 = arith.addf %add3A_1212, %mul3A_1267 : vector<16xf32>
          %swap3A_1269 = arith.index_cast %add3A_820 : i32 to index
          %swap3A_1270 = arith.constant 0 : index
          %swap3A_1271 = tpu.vector_load %arg13[%swap3A_1269, %swap3A_1270] {strides = array<i32>} : memref<32x128xf32, #tpu.memory_space<vmem>>, vector<1x16xf32>,
          %swap3A_1272 = vector.shape_cast %swap3A_1271 : vector<1x16xf32> to vector<16xf32>
          %swap3A_1273 = vector.shape_cast %add3A_1226 : vector<16xf32> to vector<1x16xf32>
          tpu.vector_store %arg13[%swap3A_1269, %swap3A_1270], %swap3A_1273 {strides = array<i32>} : memref<32x128xf32, #tpu.memory_space<vmem>>, vector<1x16xf32>,
          %swap3A_1274 = arith.index_cast %add3A_820 : i32 to index
          %swap3A_1275 = arith.constant 16 : index
          %swap3A_1276 = tpu.vector_load %arg13[%swap3A_1274, %swap3A_1275] {strides = array<i32>} : memref<32x128xf32, #tpu.memory_space<vmem>>, vector<1x16xf32>,
          %swap3A_1277 = vector.shape_cast %swap3A_1276 : vector<1x16xf32> to vector<16xf32>
          %swap3A_1278 = vector.shape_cast %add3A_1232 : vector<16xf32> to vector<1x16xf32>
          tpu.vector_store %arg13[%swap3A_1274, %swap3A_1275], %swap3A_1278 {strides = array<i32>} : memref<32x128xf32, #tpu.memory_space<vmem>>, vector<1x16xf32>,
          %swap3A_1279 = arith.index_cast %add3A_820 : i32 to index
          %swap3A_1280 = arith.constant 32 : index
          %swap3A_1281 = tpu.vector_load %arg13[%swap3A_1279, %swap3A_1280] {strides = array<i32>} : memref<32x128xf32, #tpu.memory_space<vmem>>, vector<1x16xf32>,
          %swap3A_1282 = vector.shape_cast %swap3A_1281 : vector<1x16xf32> to vector<16xf32>
          %swap3A_1283 = vector.shape_cast %add3A_1238 : vector<16xf32> to vector<1x16xf32>
          tpu.vector_store %arg13[%swap3A_1279, %swap3A_1280], %swap3A_1283 {strides = array<i32>} : memref<32x128xf32, #tpu.memory_space<vmem>>, vector<1x16xf32>,
          %swap3A_1284 = arith.index_cast %add3A_820 : i32 to index
          %swap3A_1285 = arith.constant 48 : index
          %swap3A_1286 = tpu.vector_load %arg13[%swap3A_1284, %swap3A_1285] {strides = array<i32>} : memref<32x128xf32, #tpu.memory_space<vmem>>, vector<1x16xf32>,
          %swap3A_1287 = vector.shape_cast %swap3A_1286 : vector<1x16xf32> to vector<16xf32>
          %swap3A_1288 = vector.shape_cast %add3A_1244 : vector<16xf32> to vector<1x16xf32>
          tpu.vector_store %arg13[%swap3A_1284, %swap3A_1285], %swap3A_1288 {strides = array<i32>} : memref<32x128xf32, #tpu.memory_space<vmem>>, vector<1x16xf32>,
          %swap3A_1289 = arith.index_cast %add3A_820 : i32 to index
          %swap3A_1290 = arith.constant 64 : index
          %swap3A_1291 = tpu.vector_load %arg13[%swap3A_1289, %swap3A_1290] {strides = array<i32>} : memref<32x128xf32, #tpu.memory_space<vmem>>, vector<1x16xf32>,
          %swap3A_1292 = vector.shape_cast %swap3A_1291 : vector<1x16xf32> to vector<16xf32>
          %swap3A_1293 = vector.shape_cast %add3A_1250 : vector<16xf32> to vector<1x16xf32>
          tpu.vector_store %arg13[%swap3A_1289, %swap3A_1290], %swap3A_1293 {strides = array<i32>} : memref<32x128xf32, #tpu.memory_space<vmem>>, vector<1x16xf32>,
          %swap3A_1294 = arith.index_cast %add3A_820 : i32 to index
          %swap3A_1295 = arith.constant 80 : index
          %swap3A_1296 = tpu.vector_load %arg13[%swap3A_1294, %swap3A_1295] {strides = array<i32>} : memref<32x128xf32, #tpu.memory_space<vmem>>, vector<1x16xf32>,
          %swap3A_1297 = vector.shape_cast %swap3A_1296 : vector<1x16xf32> to vector<16xf32>
          %swap3A_1298 = vector.shape_cast %add3A_1256 : vector<16xf32> to vector<1x16xf32>
          tpu.vector_store %arg13[%swap3A_1294, %swap3A_1295], %swap3A_1298 {strides = array<i32>} : memref<32x128xf32, #tpu.memory_space<vmem>>, vector<1x16xf32>,
          %swap3A_1299 = arith.index_cast %add3A_820 : i32 to index
          %swap3A_1300 = arith.constant 96 : index
          %swap3A_1301 = tpu.vector_load %arg13[%swap3A_1299, %swap3A_1300] {strides = array<i32>} : memref<32x128xf32, #tpu.memory_space<vmem>>, vector<1x16xf32>,
          %swap3A_1302 = vector.shape_cast %swap3A_1301 : vector<1x16xf32> to vector<16xf32>
          %swap3A_1303 = vector.shape_cast %add3A_1262 : vector<16xf32> to vector<1x16xf32>
          tpu.vector_store %arg13[%swap3A_1299, %swap3A_1300], %swap3A_1303 {strides = array<i32>} : memref<32x128xf32, #tpu.memory_space<vmem>>, vector<1x16xf32>,
          %swap3A_1304 = arith.index_cast %add3A_820 : i32 to index
          %swap3A_1305 = arith.constant 112 : index
          %swap3A_1306 = tpu.vector_load %arg13[%swap3A_1304, %swap3A_1305] {strides = array<i32>} : memref<32x128xf32, #tpu.memory_space<vmem>>, vector<1x16xf32>,
          %swap3A_1307 = vector.shape_cast %swap3A_1306 : vector<1x16xf32> to vector<16xf32>
          %swap3A_1308 = vector.shape_cast %add3A_1268 : vector<16xf32> to vector<1x16xf32>
          tpu.vector_store %arg13[%swap3A_1304, %swap3A_1305], %swap3A_1308 {strides = array<i32>} : memref<32x128xf32, #tpu.memory_space<vmem>>, vector<1x16xf32>,
        }
        %scan3A_814 = arith.constant 32 : i32
        %run_scoped3A_815 = arith.constant 0 : i32
        "tpu.region"() ({
          %run_scoped3A_816 = tpu.sem_alloc : memref<!tpu.dma_semaphore, #tpu.memory_space<semaphore_mem>>
          %dma_start3A_817 = arith.constant 0 : i32
          %dma_start3A_818 = tpu.memref_slice %arg6[%run_scoped3A_815, %mul3A_21, %dma_start3A_817] : memref<2x100000x128xf32, #tpu.memory_space<hbm>> -> memref<1x32x128xf32, #tpu.memory_space<hbm>>
          %dma_start3A_819 = tpu.memref_squeeze %dma_start3A_818 : memref<1x32x128xf32, #tpu.memory_space<hbm>> -> memref<32x128xf32, #tpu.memory_space<hbm>>
          %dma_start3A_820 = arith.constant 0 : i32
          %dma_start3A_821 = tpu.memref_slice %arg6[%run_scoped3A_815, %mul3A_21, %dma_start3A_820] : memref<2x100000x128xf32, #tpu.memory_space<hbm>> -> memref<1x32x128xf32, #tpu.memory_space<hbm>>
          %dma_start3A_822 = tpu.memref_squeeze %dma_start3A_821 : memref<1x32x128xf32, #tpu.memory_space<hbm>> -> memref<32x128xf32, #tpu.memory_space<hbm>>
          tpu.enqueue_dma source(%arg13 : memref<32x128xf32, #tpu.memory_space<vmem>>) target(%dma_start3A_822 : memref<32x128xf32, #tpu.memory_space<hbm>>) target_semaphore(%run_scoped3A_816 : memref<!tpu.dma_semaphore, #tpu.memory_space<semaphore_mem>>)
          %dma_wait3A_823 = arith.constant 0 : i32
          %dma_wait3A_824 = tpu.memref_slice %arg6[%run_scoped3A_815, %mul3A_21, %dma_wait3A_823] : memref<2x100000x128xf32, #tpu.memory_space<hbm>> -> memref<1x32x128xf32, #tpu.memory_space<hbm>>
          %dma_wait3A_825 = tpu.memref_squeeze %dma_wait3A_824 : memref<1x32x128xf32, #tpu.memory_space<hbm>> -> memref<32x128xf32, #tpu.memory_space<hbm>>
          %dma_wait3A_826 = arith.constant 0 : i32
          %dma_wait3A_827 = tpu.memref_slice %arg6[%run_scoped3A_815, %mul3A_21, %dma_wait3A_826] : memref<2x100000x128xf32, #tpu.memory_space<hbm>> -> memref<1x32x128xf32, #tpu.memory_space<hbm>>
          %dma_wait3A_828 = tpu.memref_squeeze %dma_wait3A_827 : memref<1x32x128xf32, #tpu.memory_space<hbm>> -> memref<32x128xf32, #tpu.memory_space<hbm>>
          tpu.wait_dma2 semaphore(%run_scoped3A_816 : memref<!tpu.dma_semaphore, #tpu.memory_space<semaphore_mem>>) src(%arg13 : memref<32x128xf32, #tpu.memory_space<vmem>>) dst(%dma_wait3A_828 : memref<32x128xf32, #tpu.memory_space<hbm>>)
          tpu.yield
        }) : () -> ()
      } else {
      }
    }
    %scan3A_4 = arith.constant 98 : i32
    %scan3A_5 = arith.constant 0 : i32
    %scan3A_6 = arith.constant 98 : i32
    %scan3A_7 = arith.addi %scan3A_5, %scan3A_6 : i32
    %scan3A_8 = arith.constant 1 : i32
    scf.for %scan3A_10 = %scan3A_5 to %scan3A_7 step %scan3A_8  : i32 {
      %mul3A_11 = arith.constant 1 : i32
      %mul3A_12 = arith.muli %scan3A_10, %mul3A_11 : i32
      %add3A_13 = arith.constant 0 : i32
      %add3A_14 = arith.addi %add3A_13, %mul3A_12 : i32
      %mul3A_15 = arith.constant 32 : i32
      %mul3A_16 = arith.muli %mul3A_15, %add3A_14 : i32
      %add3A_17 = arith.addi %add3A, %mul3A_16 : i32
      %lt3A = arith.constant 3125 : i32
      %lt3A_18 = arith.cmpi slt, %add3A_17, %lt3A : i32
      %convert_element_type3A = arith.extui %lt3A_18 : i1 to i32
      %cond3A = arith.constant 0 : i32
      %cond3A_19 = arith.cmpi ne, %convert_element_type3A, %cond3A : i32
      scf.if %cond3A_19 {
        %mul3A_20 = arith.constant 32 : i32
        %mul3A_21 = arith.muli %add3A_17, %mul3A_20 : i32
        %run_scoped3A = arith.constant 1 : i32
        "tpu.region"() ({
          %run_scoped3A_816 = tpu.sem_alloc : memref<!tpu.dma_semaphore, #tpu.memory_space<semaphore_mem>>
          %dma_start3A_817 = tpu.memref_slice %arg3[%run_scoped3A, %mul3A_21] : memref<2x100000xf32, #tpu.memory_space<hbm>> -> memref<1x32xf32, #tpu.memory_space<hbm>>
          %dma_start3A_818 = tpu.memref_squeeze %dma_start3A_817 : memref<1x32xf32, #tpu.memory_space<hbm>> -> memref<32xf32, #tpu.memory_space<hbm>>
          %dma_start3A_819 = tpu.memref_slice %arg3[%run_scoped3A, %mul3A_21] : memref<2x100000xf32, #tpu.memory_space<hbm>> -> memref<1x32xf32, #tpu.memory_space<hbm>>
          %dma_start3A_820 = tpu.memref_squeeze %dma_start3A_819 : memref<1x32xf32, #tpu.memory_space<hbm>> -> memref<32xf32, #tpu.memory_space<hbm>>
          tpu.enqueue_dma source(%dma_start3A_820 : memref<32xf32, #tpu.memory_space<hbm>>) target(%arg7 : memref<32xf32, #tpu.memory_space<vmem>>) target_semaphore(%run_scoped3A_816 : memref<!tpu.dma_semaphore, #tpu.memory_space<semaphore_mem>>)
          %dma_wait3A_821 = tpu.memref_slice %arg3[%run_scoped3A, %mul3A_21] : memref<2x100000xf32, #tpu.memory_space<hbm>> -> memref<1x32xf32, #tpu.memory_space<hbm>>
          %dma_wait3A_822 = tpu.memref_squeeze %dma_wait3A_821 : memref<1x32xf32, #tpu.memory_space<hbm>> -> memref<32xf32, #tpu.memory_space<hbm>>
          %dma_wait3A_823 = tpu.memref_slice %arg3[%run_scoped3A, %mul3A_21] : memref<2x100000xf32, #tpu.memory_space<hbm>> -> memref<1x32xf32, #tpu.memory_space<hbm>>
          %dma_wait3A_824 = tpu.memref_squeeze %dma_wait3A_823 : memref<1x32xf32, #tpu.memory_space<hbm>> -> memref<32xf32, #tpu.memory_space<hbm>>
          tpu.wait_dma2 semaphore(%run_scoped3A_816 : memref<!tpu.dma_semaphore, #tpu.memory_space<semaphore_mem>>) src(%dma_wait3A_824 : memref<32xf32, #tpu.memory_space<hbm>>) dst(%arg7 : memref<32xf32, #tpu.memory_space<vmem>>)
          tpu.yield
        }) : () -> ()
        %run_scoped3A_22 = arith.constant 1 : i32
        "tpu.region"() ({
          %run_scoped3A_816 = tpu.sem_alloc : memref<!tpu.dma_semaphore, #tpu.memory_space<semaphore_mem>>
          %dma_start3A_817 = tpu.memref_slice %arg4[%run_scoped3A_22, %mul3A_21] : memref<2x100000xf32, #tpu.memory_space<hbm>> -> memref<1x32xf32, #tpu.memory_space<hbm>>
          %dma_start3A_818 = tpu.memref_squeeze %dma_start3A_817 : memref<1x32xf32, #tpu.memory_space<hbm>> -> memref<32xf32, #tpu.memory_space<hbm>>
          %dma_start3A_819 = tpu.memref_slice %arg4[%run_scoped3A_22, %mul3A_21] : memref<2x100000xf32, #tpu.memory_space<hbm>> -> memref<1x32xf32, #tpu.memory_space<hbm>>
          %dma_start3A_820 = tpu.memref_squeeze %dma_start3A_819 : memref<1x32xf32, #tpu.memory_space<hbm>> -> memref<32xf32, #tpu.memory_space<hbm>>
          tpu.enqueue_dma source(%dma_start3A_820 : memref<32xf32, #tpu.memory_space<hbm>>) target(%arg8 : memref<32xf32, #tpu.memory_space<vmem>>) target_semaphore(%run_scoped3A_816 : memref<!tpu.dma_semaphore, #tpu.memory_space<semaphore_mem>>)
          %dma_wait3A_821 = tpu.memref_slice %arg4[%run_scoped3A_22, %mul3A_21] : memref<2x100000xf32, #tpu.memory_space<hbm>> -> memref<1x32xf32, #tpu.memory_space<hbm>>
          %dma_wait3A_822 = tpu.memref_squeeze %dma_wait3A_821 : memref<1x32xf32, #tpu.memory_space<hbm>> -> memref<32xf32, #tpu.memory_space<hbm>>
          %dma_wait3A_823 = tpu.memref_slice %arg4[%run_scoped3A_22, %mul3A_21] : memref<2x100000xf32, #tpu.memory_space<hbm>> -> memref<1x32xf32, #tpu.memory_space<hbm>>
          %dma_wait3A_824 = tpu.memref_squeeze %dma_wait3A_823 : memref<1x32xf32, #tpu.memory_space<hbm>> -> memref<32xf32, #tpu.memory_space<hbm>>
          tpu.wait_dma2 semaphore(%run_scoped3A_816 : memref<!tpu.dma_semaphore, #tpu.memory_space<semaphore_mem>>) src(%dma_wait3A_824 : memref<32xf32, #tpu.memory_space<hbm>>) dst(%arg8 : memref<32xf32, #tpu.memory_space<vmem>>)
          tpu.yield
        }) : () -> ()
        %run_scoped3A_23 = arith.constant 1 : i32
        "tpu.region"() ({
          %run_scoped3A_816 = tpu.sem_alloc : memref<!tpu.dma_semaphore, #tpu.memory_space<semaphore_mem>>
          %dma_start3A_817 = tpu.memref_slice %arg5[%run_scoped3A_23, %mul3A_21] : memref<2x100000xf32, #tpu.memory_space<hbm>> -> memref<1x32xf32, #tpu.memory_space<hbm>>
          %dma_start3A_818 = tpu.memref_squeeze %dma_start3A_817 : memref<1x32xf32, #tpu.memory_space<hbm>> -> memref<32xf32, #tpu.memory_space<hbm>>
          %dma_start3A_819 = tpu.memref_slice %arg5[%run_scoped3A_23, %mul3A_21] : memref<2x100000xf32, #tpu.memory_space<hbm>> -> memref<1x32xf32, #tpu.memory_space<hbm>>
          %dma_start3A_820 = tpu.memref_squeeze %dma_start3A_819 : memref<1x32xf32, #tpu.memory_space<hbm>> -> memref<32xf32, #tpu.memory_space<hbm>>
          tpu.enqueue_dma source(%dma_start3A_820 : memref<32xf32, #tpu.memory_space<hbm>>) target(%arg9 : memref<32xf32, #tpu.memory_space<vmem>>) target_semaphore(%run_scoped3A_816 : memref<!tpu.dma_semaphore, #tpu.memory_space<semaphore_mem>>)
          %dma_wait3A_821 = tpu.memref_slice %arg5[%run_scoped3A_23, %mul3A_21] : memref<2x100000xf32, #tpu.memory_space<hbm>> -> memref<1x32xf32, #tpu.memory_space<hbm>>
          %dma_wait3A_822 = tpu.memref_squeeze %dma_wait3A_821 : memref<1x32xf32, #tpu.memory_space<hbm>> -> memref<32xf32, #tpu.memory_space<hbm>>
          %dma_wait3A_823 = tpu.memref_slice %arg5[%run_scoped3A_23, %mul3A_21] : memref<2x100000xf32, #tpu.memory_space<hbm>> -> memref<1x32xf32, #tpu.memory_space<hbm>>
          %dma_wait3A_824 = tpu.memref_squeeze %dma_wait3A_823 : memref<1x32xf32, #tpu.memory_space<hbm>> -> memref<32xf32, #tpu.memory_space<hbm>>
          tpu.wait_dma2 semaphore(%run_scoped3A_816 : memref<!tpu.dma_semaphore, #tpu.memory_space<semaphore_mem>>) src(%dma_wait3A_824 : memref<32xf32, #tpu.memory_space<hbm>>) dst(%arg9 : memref<32xf32, #tpu.memory_space<vmem>>)
          tpu.yield
        }) : () -> ()
        %get3A = arith.constant 0 : index
        %get3A_24 = tpu.vector_load %arg7[%get3A] {strides = array<i32>} : memref<32xf32, #tpu.memory_space<vmem>>, vector<16xf32>,
        %get3A_25 = vector.shape_cast %get3A_24 : vector<16xf32> to vector<16xf32>
        %mul3A_26 = arith.constant 2.000000e+00 : f32
        %mul3A_27 = vector.broadcast %mul3A_26 : f32 to vector<16xf32>
        %mul3A_28 = arith.mulf %mul3A_27, %get3A_25 : vector<16xf32>
        %div3A = arith.constant 4.700000e+01 : f32
        %div3A_29 = vector.broadcast %div3A : f32 to vector<16xf32>
        %div3A_30 = arith.divf %mul3A_28, %div3A_29 : vector<16xf32>
        %sub3A = arith.constant 1.000000e+00 : f32
        %sub3A_31 = vector.broadcast %sub3A : f32 to vector<16xf32>
        %sub3A_32 = arith.subf %div3A_30, %sub3A_31 : vector<16xf32>
        %add3A_33 = arith.constant 1.000000e+00 : f32
        %add3A_34 = vector.broadcast %add3A_33 : f32 to vector<16xf32>
        %add3A_35 = arith.addf %sub3A_32, %add3A_34 : vector<16xf32>
        %mul3A_36 = arith.constant 4.800000e+01 : f32
        %mul3A_37 = vector.broadcast %mul3A_36 : f32 to vector<16xf32>
        %mul3A_38 = arith.mulf %add3A_35, %mul3A_37 : vector<16xf32>
        %sub3A_39 = arith.constant 1.000000e+00 : f32
        %sub3A_40 = vector.broadcast %sub3A_39 : f32 to vector<16xf32>
        %sub3A_41 = arith.subf %mul3A_38, %sub3A_40 : vector<16xf32>
        %div3A_42 = arith.constant 2.000000e+00 : f32
        %div3A_43 = vector.broadcast %div3A_42 : f32 to vector<16xf32>
        %div3A_44 = arith.divf %sub3A_41, %div3A_43 : vector<16xf32>
        %add3A_45 = arith.constant 1.000000e+00 : f32
        %add3A_46 = vector.broadcast %add3A_45 : f32 to vector<16xf32>
        %add3A_47 = arith.addf %div3A_44, %add3A_46 : vector<16xf32>
        %convert_element_type3A_48 = arith.fptosi %add3A_47 : vector<16xf32> to vector<16xi32>
        %sub3A_49 = arith.constant 1 : i32
        %sub3A_50 = vector.broadcast %sub3A_49 : i32 to vector<16xi32>
        %sub3A_51 = arith.subi %convert_element_type3A_48, %sub3A_50 : vector<16xi32>
        %convert_element_type3A_52 = arith.sitofp %sub3A_51 : vector<16xi32> to vector<16xf32>
        %sub3A_53 = arith.subf %div3A_44, %convert_element_type3A_52 : vector<16xf32>
        %add3A_54 = arith.constant 1.000000e+00 : f32
        %add3A_55 = vector.broadcast %add3A_54 : f32 to vector<16xf32>
        %add3A_56 = arith.addf %convert_element_type3A_52, %add3A_55 : vector<16xf32>
        %sub3A_57 = arith.subf %add3A_56, %div3A_44 : vector<16xf32>
        %ge3A = arith.constant 0 : i32
        %ge3A_58 = vector.broadcast %ge3A : i32 to vector<16xi32>
        %ge3A_59 = arith.cmpi sge, %sub3A_51, %ge3A_58 : vector<16xi32>
        %le3A = arith.constant 47 : i32
        %le3A_60 = vector.broadcast %le3A : i32 to vector<16xi32>
        %le3A_61 = arith.cmpi sle, %sub3A_51, %le3A_60 : vector<16xi32>
        %and3A = arith.andi %ge3A_59, %le3A_61 : vector<16xi1>
        %ge3A_62 = arith.constant -1 : i32
        %ge3A_63 = vector.broadcast %ge3A_62 : i32 to vector<16xi32>
        %ge3A_64 = arith.cmpi sge, %sub3A_51, %ge3A_63 : vector<16xi32>
        %le3A_65 = arith.constant 46 : i32
        %le3A_66 = vector.broadcast %le3A_65 : i32 to vector<16xi32>
        %le3A_67 = arith.cmpi sle, %sub3A_51, %le3A_66 : vector<16xi32>
        %and3A_68 = arith.andi %ge3A_64, %le3A_67 : vector<16xi1>
        %jit3A = arith.constant 0.000000e+00 : f32
        %broadcast_in_dim3A = vector.broadcast %jit3A : f32 to vector<16xf32>
        %select_n3A = arith.select %and3A, %sub3A_57, %broadcast_in_dim3A : vector<16xi1>, vector<16xf32>
        %jit3A_69 = arith.constant 0.000000e+00 : f32
        %broadcast_in_dim3A_70 = vector.broadcast %jit3A_69 : f32 to vector<16xf32>
        %select_n3A_71 = arith.select %and3A_68, %sub3A_53, %broadcast_in_dim3A_70 : vector<16xi1>, vector<16xf32>
        %jit3A_72 = arith.constant 0 : i32
        %jit3A_73 = arith.constant 47 : i32
        %max3A = vector.broadcast %jit3A_72 : i32 to vector<16xi32>
        %max3A_74 = arith.maxsi %max3A, %sub3A_51 : vector<16xi32>
        %min3A = vector.broadcast %jit3A_73 : i32 to vector<16xi32>
        %min3A_75 = arith.minsi %min3A, %max3A_74 : vector<16xi32>
        %add3A_76 = arith.constant 1 : i32
        %add3A_77 = vector.broadcast %add3A_76 : i32 to vector<16xi32>
        %add3A_78 = arith.addi %sub3A_51, %add3A_77 : vector<16xi32>
        %jit3A_79 = arith.constant 0 : i32
        %jit3A_80 = arith.constant 47 : i32
        %max3A_81 = vector.broadcast %jit3A_79 : i32 to vector<16xi32>
        %max3A_82 = arith.maxsi %max3A_81, %add3A_78 : vector<16xi32>
        %min3A_83 = vector.broadcast %jit3A_80 : i32 to vector<16xi32>
        %min3A_84 = arith.minsi %min3A_83, %max3A_82 : vector<16xi32>
        %get3A_85 = arith.constant 0 : index
        %get3A_86 = tpu.vector_load %arg8[%get3A_85] {strides = array<i32>} : memref<32xf32, #tpu.memory_space<vmem>>, vector<16xf32>,
        %get3A_87 = vector.shape_cast %get3A_86 : vector<16xf32> to vector<16xf32>
        %mul3A_88 = arith.constant 2.000000e+00 : f32
        %mul3A_89 = vector.broadcast %mul3A_88 : f32 to vector<16xf32>
        %mul3A_90 = arith.mulf %mul3A_89, %get3A_87 : vector<16xf32>
        %div3A_91 = arith.constant 4.700000e+01 : f32
        %div3A_92 = vector.broadcast %div3A_91 : f32 to vector<16xf32>
        %div3A_93 = arith.divf %mul3A_90, %div3A_92 : vector<16xf32>
        %sub3A_94 = arith.constant 1.000000e+00 : f32
        %sub3A_95 = vector.broadcast %sub3A_94 : f32 to vector<16xf32>
        %sub3A_96 = arith.subf %div3A_93, %sub3A_95 : vector<16xf32>
        %add3A_97 = arith.constant 1.000000e+00 : f32
        %add3A_98 = vector.broadcast %add3A_97 : f32 to vector<16xf32>
        %add3A_99 = arith.addf %sub3A_96, %add3A_98 : vector<16xf32>
        %mul3A_100 = arith.constant 4.800000e+01 : f32
        %mul3A_101 = vector.broadcast %mul3A_100 : f32 to vector<16xf32>
        %mul3A_102 = arith.mulf %add3A_99, %mul3A_101 : vector<16xf32>
        %sub3A_103 = arith.constant 1.000000e+00 : f32
        %sub3A_104 = vector.broadcast %sub3A_103 : f32 to vector<16xf32>
        %sub3A_105 = arith.subf %mul3A_102, %sub3A_104 : vector<16xf32>
        %div3A_106 = arith.constant 2.000000e+00 : f32
        %div3A_107 = vector.broadcast %div3A_106 : f32 to vector<16xf32>
        %div3A_108 = arith.divf %sub3A_105, %div3A_107 : vector<16xf32>
        %add3A_109 = arith.constant 1.000000e+00 : f32
        %add3A_110 = vector.broadcast %add3A_109 : f32 to vector<16xf32>
        %add3A_111 = arith.addf %div3A_108, %add3A_110 : vector<16xf32>
        %convert_element_type3A_112 = arith.fptosi %add3A_111 : vector<16xf32> to vector<16xi32>
        %sub3A_113 = arith.constant 1 : i32
        %sub3A_114 = vector.broadcast %sub3A_113 : i32 to vector<16xi32>
        %sub3A_115 = arith.subi %convert_element_type3A_112, %sub3A_114 : vector<16xi32>
        %convert_element_type3A_116 = arith.sitofp %sub3A_115 : vector<16xi32> to vector<16xf32>
        %sub3A_117 = arith.subf %div3A_108, %convert_element_type3A_116 : vector<16xf32>
        %add3A_118 = arith.constant 1.000000e+00 : f32
        %add3A_119 = vector.broadcast %add3A_118 : f32 to vector<16xf32>
        %add3A_120 = arith.addf %convert_element_type3A_116, %add3A_119 : vector<16xf32>
        %sub3A_121 = arith.subf %add3A_120, %div3A_108 : vector<16xf32>
        %ge3A_122 = arith.constant 0 : i32
        %ge3A_123 = vector.broadcast %ge3A_122 : i32 to vector<16xi32>
        %ge3A_124 = arith.cmpi sge, %sub3A_115, %ge3A_123 : vector<16xi32>
        %le3A_125 = arith.constant 47 : i32
        %le3A_126 = vector.broadcast %le3A_125 : i32 to vector<16xi32>
        %le3A_127 = arith.cmpi sle, %sub3A_115, %le3A_126 : vector<16xi32>
        %and3A_128 = arith.andi %ge3A_124, %le3A_127 : vector<16xi1>
        %ge3A_129 = arith.constant -1 : i32
        %ge3A_130 = vector.broadcast %ge3A_129 : i32 to vector<16xi32>
        %ge3A_131 = arith.cmpi sge, %sub3A_115, %ge3A_130 : vector<16xi32>
        %le3A_132 = arith.constant 46 : i32
        %le3A_133 = vector.broadcast %le3A_132 : i32 to vector<16xi32>
        %le3A_134 = arith.cmpi sle, %sub3A_115, %le3A_133 : vector<16xi32>
        %and3A_135 = arith.andi %ge3A_131, %le3A_134 : vector<16xi1>
        %jit3A_136 = arith.constant 0.000000e+00 : f32
        %broadcast_in_dim3A_137 = vector.broadcast %jit3A_136 : f32 to vector<16xf32>
        %select_n3A_138 = arith.select %and3A_128, %sub3A_121, %broadcast_in_dim3A_137 : vector<16xi1>, vector<16xf32>
        %jit3A_139 = arith.constant 0.000000e+00 : f32
        %broadcast_in_dim3A_140 = vector.broadcast %jit3A_139 : f32 to vector<16xf32>
        %select_n3A_141 = arith.select %and3A_135, %sub3A_117, %broadcast_in_dim3A_140 : vector<16xi1>, vector<16xf32>
        %jit3A_142 = arith.constant 0 : i32
        %jit3A_143 = arith.constant 47 : i32
        %max3A_144 = vector.broadcast %jit3A_142 : i32 to vector<16xi32>
        %max3A_145 = arith.maxsi %max3A_144, %sub3A_115 : vector<16xi32>
        %min3A_146 = vector.broadcast %jit3A_143 : i32 to vector<16xi32>
        %min3A_147 = arith.minsi %min3A_146, %max3A_145 : vector<16xi32>
        %add3A_148 = arith.constant 1 : i32
        %add3A_149 = vector.broadcast %add3A_148 : i32 to vector<16xi32>
        %add3A_150 = arith.addi %sub3A_115, %add3A_149 : vector<16xi32>
        %jit3A_151 = arith.constant 0 : i32
        %jit3A_152 = arith.constant 47 : i32
        %max3A_153 = vector.broadcast %jit3A_151 : i32 to vector<16xi32>
        %max3A_154 = arith.maxsi %max3A_153, %add3A_150 : vector<16xi32>
        %min3A_155 = vector.broadcast %jit3A_152 : i32 to vector<16xi32>
        %min3A_156 = arith.minsi %min3A_155, %max3A_154 : vector<16xi32>
        %get3A_157 = arith.constant 0 : index
        %get3A_158 = tpu.vector_load %arg9[%get3A_157] {strides = array<i32>} : memref<32xf32, #tpu.memory_space<vmem>>, vector<16xf32>,
        %get3A_159 = vector.shape_cast %get3A_158 : vector<16xf32> to vector<16xf32>
        %mul3A_160 = arith.constant 2.000000e+00 : f32
        %mul3A_161 = vector.broadcast %mul3A_160 : f32 to vector<16xf32>
        %mul3A_162 = arith.mulf %mul3A_161, %get3A_159 : vector<16xf32>
        %div3A_163 = arith.constant 4.700000e+01 : f32
        %div3A_164 = vector.broadcast %div3A_163 : f32 to vector<16xf32>
        %div3A_165 = arith.divf %mul3A_162, %div3A_164 : vector<16xf32>
        %sub3A_166 = arith.constant 1.000000e+00 : f32
        %sub3A_167 = vector.broadcast %sub3A_166 : f32 to vector<16xf32>
        %sub3A_168 = arith.subf %div3A_165, %sub3A_167 : vector<16xf32>
        %add3A_169 = arith.constant 1.000000e+00 : f32
        %add3A_170 = vector.broadcast %add3A_169 : f32 to vector<16xf32>
        %add3A_171 = arith.addf %sub3A_168, %add3A_170 : vector<16xf32>
        %mul3A_172 = arith.constant 4.800000e+01 : f32
        %mul3A_173 = vector.broadcast %mul3A_172 : f32 to vector<16xf32>
        %mul3A_174 = arith.mulf %add3A_171, %mul3A_173 : vector<16xf32>
        %sub3A_175 = arith.constant 1.000000e+00 : f32
        %sub3A_176 = vector.broadcast %sub3A_175 : f32 to vector<16xf32>
        %sub3A_177 = arith.subf %mul3A_174, %sub3A_176 : vector<16xf32>
        %div3A_178 = arith.constant 2.000000e+00 : f32
        %div3A_179 = vector.broadcast %div3A_178 : f32 to vector<16xf32>
        %div3A_180 = arith.divf %sub3A_177, %div3A_179 : vector<16xf32>
        %add3A_181 = arith.constant 1.000000e+00 : f32
        %add3A_182 = vector.broadcast %add3A_181 : f32 to vector<16xf32>
        %add3A_183 = arith.addf %div3A_180, %add3A_182 : vector<16xf32>
        %convert_element_type3A_184 = arith.fptosi %add3A_183 : vector<16xf32> to vector<16xi32>
        %sub3A_185 = arith.constant 1 : i32
        %sub3A_186 = vector.broadcast %sub3A_185 : i32 to vector<16xi32>
        %sub3A_187 = arith.subi %convert_element_type3A_184, %sub3A_186 : vector<16xi32>
        %convert_element_type3A_188 = arith.sitofp %sub3A_187 : vector<16xi32> to vector<16xf32>
        %sub3A_189 = arith.subf %div3A_180, %convert_element_type3A_188 : vector<16xf32>
        %add3A_190 = arith.constant 1.000000e+00 : f32
        %add3A_191 = vector.broadcast %add3A_190 : f32 to vector<16xf32>
        %add3A_192 = arith.addf %convert_element_type3A_188, %add3A_191 : vector<16xf32>
        %sub3A_193 = arith.subf %add3A_192, %div3A_180 : vector<16xf32>
        %ge3A_194 = arith.constant 0 : i32
        %ge3A_195 = vector.broadcast %ge3A_194 : i32 to vector<16xi32>
        %ge3A_196 = arith.cmpi sge, %sub3A_187, %ge3A_195 : vector<16xi32>
        %le3A_197 = arith.constant 47 : i32
        %le3A_198 = vector.broadcast %le3A_197 : i32 to vector<16xi32>
        %le3A_199 = arith.cmpi sle, %sub3A_187, %le3A_198 : vector<16xi32>
        %and3A_200 = arith.andi %ge3A_196, %le3A_199 : vector<16xi1>
        %ge3A_201 = arith.constant -1 : i32
        %ge3A_202 = vector.broadcast %ge3A_201 : i32 to vector<16xi32>
        %ge3A_203 = arith.cmpi sge, %sub3A_187, %ge3A_202 : vector<16xi32>
        %le3A_204 = arith.constant 46 : i32
        %le3A_205 = vector.broadcast %le3A_204 : i32 to vector<16xi32>
        %le3A_206 = arith.cmpi sle, %sub3A_187, %le3A_205 : vector<16xi32>
        %and3A_207 = arith.andi %ge3A_203, %le3A_206 : vector<16xi1>
        %jit3A_208 = arith.constant 0.000000e+00 : f32
        %broadcast_in_dim3A_209 = vector.broadcast %jit3A_208 : f32 to vector<16xf32>
        %select_n3A_210 = arith.select %and3A_200, %sub3A_193, %broadcast_in_dim3A_209 : vector<16xi1>, vector<16xf32>
        %jit3A_211 = arith.constant 0.000000e+00 : f32
        %broadcast_in_dim3A_212 = vector.broadcast %jit3A_211 : f32 to vector<16xf32>
        %select_n3A_213 = arith.select %and3A_207, %sub3A_189, %broadcast_in_dim3A_212 : vector<16xi1>, vector<16xf32>
        %jit3A_214 = arith.constant 0 : i32
        %jit3A_215 = arith.constant 47 : i32
        %max3A_216 = vector.broadcast %jit3A_214 : i32 to vector<16xi32>
        %max3A_217 = arith.maxsi %max3A_216, %sub3A_187 : vector<16xi32>
        %min3A_218 = vector.broadcast %jit3A_215 : i32 to vector<16xi32>
        %min3A_219 = arith.minsi %min3A_218, %max3A_217 : vector<16xi32>
        %add3A_220 = arith.constant 1 : i32
        %add3A_221 = vector.broadcast %add3A_220 : i32 to vector<16xi32>
        %add3A_222 = arith.addi %sub3A_187, %add3A_221 : vector<16xi32>
        %jit3A_223 = arith.constant 0 : i32
        %jit3A_224 = arith.constant 47 : i32
        %max3A_225 = vector.broadcast %jit3A_223 : i32 to vector<16xi32>
        %max3A_226 = arith.maxsi %max3A_225, %add3A_222 : vector<16xi32>
        %min3A_227 = vector.broadcast %jit3A_224 : i32 to vector<16xi32>
        %min3A_228 = arith.minsi %min3A_227, %max3A_226 : vector<16xi32>
        %mul3A_229 = arith.constant 48 : i32
        %mul3A_230 = vector.broadcast %mul3A_229 : i32 to vector<16xi32>
        %mul3A_231 = arith.muli %min3A_219, %mul3A_230 : vector<16xi32>
        %add3A_232 = arith.addi %mul3A_231, %min3A_147 : vector<16xi32>
        %mul3A_233 = arith.constant 48 : i32
        %mul3A_234 = vector.broadcast %mul3A_233 : i32 to vector<16xi32>
        %mul3A_235 = arith.muli %add3A_232, %mul3A_234 : vector<16xi32>
        %add3A_236 = arith.addi %mul3A_235, %min3A_75 : vector<16xi32>
        %add3A_237 = arith.constant 110592 : i32
        %add3A_238 = vector.broadcast %add3A_237 : i32 to vector<16xi32>
        %add3A_239 = arith.addi %add3A_236, %add3A_238 : vector<16xi32>
        %mul3A_240 = arith.mulf %select_n3A_210, %select_n3A_138 : vector<16xf32>
        %mul3A_241 = arith.mulf %mul3A_240, %select_n3A : vector<16xf32>
        %swap3A = arith.constant 0 : index
        %swap3A_242 = tpu.vector_load %arg10[%swap3A] {strides = array<i32>} : memref<256xi32, #tpu.memory_space<vmem>>, vector<16xi32>,
        %swap3A_243 = vector.shape_cast %swap3A_242 : vector<16xi32> to vector<16xi32>
        %swap3A_244 = vector.shape_cast %add3A_239 : vector<16xi32> to vector<16xi32>
        tpu.vector_store %arg10[%swap3A], %swap3A_244 {strides = array<i32>} : memref<256xi32, #tpu.memory_space<vmem>>, vector<16xi32>,
        %swap3A_245 = arith.constant 0 : index
        %swap3A_246 = tpu.vector_load %arg11[%swap3A_245] {strides = array<i32>} : memref<272xf32, #tpu.memory_space<vmem>>, vector<16xf32>,
        %swap3A_247 = vector.shape_cast %swap3A_246 : vector<16xf32> to vector<16xf32>
        %swap3A_248 = vector.shape_cast %mul3A_241 : vector<16xf32> to vector<16xf32>
        tpu.vector_store %arg11[%swap3A_245], %swap3A_248 {strides = array<i32>} : memref<272xf32, #tpu.memory_space<vmem>>, vector<16xf32>,
        %mul3A_249 = arith.constant 48 : i32
        %mul3A_250 = vector.broadcast %mul3A_249 : i32 to vector<16xi32>
        %mul3A_251 = arith.muli %min3A_219, %mul3A_250 : vector<16xi32>
        %add3A_252 = arith.addi %mul3A_251, %min3A_147 : vector<16xi32>
        %mul3A_253 = arith.constant 48 : i32
        %mul3A_254 = vector.broadcast %mul3A_253 : i32 to vector<16xi32>
        %mul3A_255 = arith.muli %add3A_252, %mul3A_254 : vector<16xi32>
        %add3A_256 = arith.addi %mul3A_255, %min3A_84 : vector<16xi32>
        %add3A_257 = arith.constant 110592 : i32
        %add3A_258 = vector.broadcast %add3A_257 : i32 to vector<16xi32>
        %add3A_259 = arith.addi %add3A_256, %add3A_258 : vector<16xi32>
        %mul3A_260 = arith.mulf %select_n3A_210, %select_n3A_138 : vector<16xf32>
        %mul3A_261 = arith.mulf %mul3A_260, %select_n3A_71 : vector<16xf32>
        %swap3A_262 = arith.constant 32 : index
        %swap3A_263 = tpu.vector_load %arg10[%swap3A_262] {strides = array<i32>} : memref<256xi32, #tpu.memory_space<vmem>>, vector<16xi32>,
        %swap3A_264 = vector.shape_cast %swap3A_263 : vector<16xi32> to vector<16xi32>
        %swap3A_265 = vector.shape_cast %add3A_259 : vector<16xi32> to vector<16xi32>
        tpu.vector_store %arg10[%swap3A_262], %swap3A_265 {strides = array<i32>} : memref<256xi32, #tpu.memory_space<vmem>>, vector<16xi32>,
        %swap3A_266 = arith.constant 32 : index
        %swap3A_267 = tpu.vector_load %arg11[%swap3A_266] {strides = array<i32>} : memref<272xf32, #tpu.memory_space<vmem>>, vector<16xf32>,
        %swap3A_268 = vector.shape_cast %swap3A_267 : vector<16xf32> to vector<16xf32>
        %swap3A_269 = vector.shape_cast %mul3A_261 : vector<16xf32> to vector<16xf32>
        tpu.vector_store %arg11[%swap3A_266], %swap3A_269 {strides = array<i32>} : memref<272xf32, #tpu.memory_space<vmem>>, vector<16xf32>,
        %mul3A_270 = arith.constant 48 : i32
        %mul3A_271 = vector.broadcast %mul3A_270 : i32 to vector<16xi32>
        %mul3A_272 = arith.muli %min3A_219, %mul3A_271 : vector<16xi32>
        %add3A_273 = arith.addi %mul3A_272, %min3A_156 : vector<16xi32>
        %mul3A_274 = arith.constant 48 : i32
        %mul3A_275 = vector.broadcast %mul3A_274 : i32 to vector<16xi32>
        %mul3A_276 = arith.muli %add3A_273, %mul3A_275 : vector<16xi32>
        %add3A_277 = arith.addi %mul3A_276, %min3A_75 : vector<16xi32>
        %add3A_278 = arith.constant 110592 : i32
        %add3A_279 = vector.broadcast %add3A_278 : i32 to vector<16xi32>
        %add3A_280 = arith.addi %add3A_277, %add3A_279 : vector<16xi32>
        %mul3A_281 = arith.mulf %select_n3A_210, %select_n3A_141 : vector<16xf32>
        %mul3A_282 = arith.mulf %mul3A_281, %select_n3A : vector<16xf32>
        %swap3A_283 = arith.constant 64 : index
        %swap3A_284 = tpu.vector_load %arg10[%swap3A_283] {strides = array<i32>} : memref<256xi32, #tpu.memory_space<vmem>>, vector<16xi32>,
        %swap3A_285 = vector.shape_cast %swap3A_284 : vector<16xi32> to vector<16xi32>
        %swap3A_286 = vector.shape_cast %add3A_280 : vector<16xi32> to vector<16xi32>
        tpu.vector_store %arg10[%swap3A_283], %swap3A_286 {strides = array<i32>} : memref<256xi32, #tpu.memory_space<vmem>>, vector<16xi32>,
        %swap3A_287 = arith.constant 64 : index
        %swap3A_288 = tpu.vector_load %arg11[%swap3A_287] {strides = array<i32>} : memref<272xf32, #tpu.memory_space<vmem>>, vector<16xf32>,
        %swap3A_289 = vector.shape_cast %swap3A_288 : vector<16xf32> to vector<16xf32>
        %swap3A_290 = vector.shape_cast %mul3A_282 : vector<16xf32> to vector<16xf32>
        tpu.vector_store %arg11[%swap3A_287], %swap3A_290 {strides = array<i32>} : memref<272xf32, #tpu.memory_space<vmem>>, vector<16xf32>,
        %mul3A_291 = arith.constant 48 : i32
        %mul3A_292 = vector.broadcast %mul3A_291 : i32 to vector<16xi32>
        %mul3A_293 = arith.muli %min3A_219, %mul3A_292 : vector<16xi32>
        %add3A_294 = arith.addi %mul3A_293, %min3A_156 : vector<16xi32>
        %mul3A_295 = arith.constant 48 : i32
        %mul3A_296 = vector.broadcast %mul3A_295 : i32 to vector<16xi32>
        %mul3A_297 = arith.muli %add3A_294, %mul3A_296 : vector<16xi32>
        %add3A_298 = arith.addi %mul3A_297, %min3A_84 : vector<16xi32>
        %add3A_299 = arith.constant 110592 : i32
        %add3A_300 = vector.broadcast %add3A_299 : i32 to vector<16xi32>
        %add3A_301 = arith.addi %add3A_298, %add3A_300 : vector<16xi32>
        %mul3A_302 = arith.mulf %select_n3A_210, %select_n3A_141 : vector<16xf32>
        %mul3A_303 = arith.mulf %mul3A_302, %select_n3A_71 : vector<16xf32>
        %swap3A_304 = arith.constant 96 : index
        %swap3A_305 = tpu.vector_load %arg10[%swap3A_304] {strides = array<i32>} : memref<256xi32, #tpu.memory_space<vmem>>, vector<16xi32>,
        %swap3A_306 = vector.shape_cast %swap3A_305 : vector<16xi32> to vector<16xi32>
        %swap3A_307 = vector.shape_cast %add3A_301 : vector<16xi32> to vector<16xi32>
        tpu.vector_store %arg10[%swap3A_304], %swap3A_307 {strides = array<i32>} : memref<256xi32, #tpu.memory_space<vmem>>, vector<16xi32>,
        %swap3A_308 = arith.constant 96 : index
        %swap3A_309 = tpu.vector_load %arg11[%swap3A_308] {strides = array<i32>} : memref<272xf32, #tpu.memory_space<vmem>>, vector<16xf32>,
        %swap3A_310 = vector.shape_cast %swap3A_309 : vector<16xf32> to vector<16xf32>
        %swap3A_311 = vector.shape_cast %mul3A_303 : vector<16xf32> to vector<16xf32>
        tpu.vector_store %arg11[%swap3A_308], %swap3A_311 {strides = array<i32>} : memref<272xf32, #tpu.memory_space<vmem>>, vector<16xf32>,
        %mul3A_312 = arith.constant 48 : i32
        %mul3A_313 = vector.broadcast %mul3A_312 : i32 to vector<16xi32>
        %mul3A_314 = arith.muli %min3A_228, %mul3A_313 : vector<16xi32>
        %add3A_315 = arith.addi %mul3A_314, %min3A_147 : vector<16xi32>
        %mul3A_316 = arith.constant 48 : i32
        %mul3A_317 = vector.broadcast %mul3A_316 : i32 to vector<16xi32>
        %mul3A_318 = arith.muli %add3A_315, %mul3A_317 : vector<16xi32>
        %add3A_319 = arith.addi %mul3A_318, %min3A_75 : vector<16xi32>
        %add3A_320 = arith.constant 110592 : i32
        %add3A_321 = vector.broadcast %add3A_320 : i32 to vector<16xi32>
        %add3A_322 = arith.addi %add3A_319, %add3A_321 : vector<16xi32>
        %mul3A_323 = arith.mulf %select_n3A_213, %select_n3A_138 : vector<16xf32>
        %mul3A_324 = arith.mulf %mul3A_323, %select_n3A : vector<16xf32>
        %swap3A_325 = arith.constant 128 : index
        %swap3A_326 = tpu.vector_load %arg10[%swap3A_325] {strides = array<i32>} : memref<256xi32, #tpu.memory_space<vmem>>, vector<16xi32>,
        %swap3A_327 = vector.shape_cast %swap3A_326 : vector<16xi32> to vector<16xi32>
        %swap3A_328 = vector.shape_cast %add3A_322 : vector<16xi32> to vector<16xi32>
        tpu.vector_store %arg10[%swap3A_325], %swap3A_328 {strides = array<i32>} : memref<256xi32, #tpu.memory_space<vmem>>, vector<16xi32>,
        %swap3A_329 = arith.constant 128 : index
        %swap3A_330 = tpu.vector_load %arg11[%swap3A_329] {strides = array<i32>} : memref<272xf32, #tpu.memory_space<vmem>>, vector<16xf32>,
        %swap3A_331 = vector.shape_cast %swap3A_330 : vector<16xf32> to vector<16xf32>
        %swap3A_332 = vector.shape_cast %mul3A_324 : vector<16xf32> to vector<16xf32>
        tpu.vector_store %arg11[%swap3A_329], %swap3A_332 {strides = array<i32>} : memref<272xf32, #tpu.memory_space<vmem>>, vector<16xf32>,
        %mul3A_333 = arith.constant 48 : i32
        %mul3A_334 = vector.broadcast %mul3A_333 : i32 to vector<16xi32>
        %mul3A_335 = arith.muli %min3A_228, %mul3A_334 : vector<16xi32>
        %add3A_336 = arith.addi %mul3A_335, %min3A_147 : vector<16xi32>
        %mul3A_337 = arith.constant 48 : i32
        %mul3A_338 = vector.broadcast %mul3A_337 : i32 to vector<16xi32>
        %mul3A_339 = arith.muli %add3A_336, %mul3A_338 : vector<16xi32>
        %add3A_340 = arith.addi %mul3A_339, %min3A_84 : vector<16xi32>
        %add3A_341 = arith.constant 110592 : i32
        %add3A_342 = vector.broadcast %add3A_341 : i32 to vector<16xi32>
        %add3A_343 = arith.addi %add3A_340, %add3A_342 : vector<16xi32>
        %mul3A_344 = arith.mulf %select_n3A_213, %select_n3A_138 : vector<16xf32>
        %mul3A_345 = arith.mulf %mul3A_344, %select_n3A_71 : vector<16xf32>
        %swap3A_346 = arith.constant 160 : index
        %swap3A_347 = tpu.vector_load %arg10[%swap3A_346] {strides = array<i32>} : memref<256xi32, #tpu.memory_space<vmem>>, vector<16xi32>,
        %swap3A_348 = vector.shape_cast %swap3A_347 : vector<16xi32> to vector<16xi32>
        %swap3A_349 = vector.shape_cast %add3A_343 : vector<16xi32> to vector<16xi32>
        tpu.vector_store %arg10[%swap3A_346], %swap3A_349 {strides = array<i32>} : memref<256xi32, #tpu.memory_space<vmem>>, vector<16xi32>,
        %swap3A_350 = arith.constant 160 : index
        %swap3A_351 = tpu.vector_load %arg11[%swap3A_350] {strides = array<i32>} : memref<272xf32, #tpu.memory_space<vmem>>, vector<16xf32>,
        %swap3A_352 = vector.shape_cast %swap3A_351 : vector<16xf32> to vector<16xf32>
        %swap3A_353 = vector.shape_cast %mul3A_345 : vector<16xf32> to vector<16xf32>
        tpu.vector_store %arg11[%swap3A_350], %swap3A_353 {strides = array<i32>} : memref<272xf32, #tpu.memory_space<vmem>>, vector<16xf32>,
        %mul3A_354 = arith.constant 48 : i32
        %mul3A_355 = vector.broadcast %mul3A_354 : i32 to vector<16xi32>
        %mul3A_356 = arith.muli %min3A_228, %mul3A_355 : vector<16xi32>
        %add3A_357 = arith.addi %mul3A_356, %min3A_156 : vector<16xi32>
        %mul3A_358 = arith.constant 48 : i32
        %mul3A_359 = vector.broadcast %mul3A_358 : i32 to vector<16xi32>
        %mul3A_360 = arith.muli %add3A_357, %mul3A_359 : vector<16xi32>
        %add3A_361 = arith.addi %mul3A_360, %min3A_75 : vector<16xi32>
        %add3A_362 = arith.constant 110592 : i32
        %add3A_363 = vector.broadcast %add3A_362 : i32 to vector<16xi32>
        %add3A_364 = arith.addi %add3A_361, %add3A_363 : vector<16xi32>
        %mul3A_365 = arith.mulf %select_n3A_213, %select_n3A_141 : vector<16xf32>
        %mul3A_366 = arith.mulf %mul3A_365, %select_n3A : vector<16xf32>
        %swap3A_367 = arith.constant 192 : index
        %swap3A_368 = tpu.vector_load %arg10[%swap3A_367] {strides = array<i32>} : memref<256xi32, #tpu.memory_space<vmem>>, vector<16xi32>,
        %swap3A_369 = vector.shape_cast %swap3A_368 : vector<16xi32> to vector<16xi32>
        %swap3A_370 = vector.shape_cast %add3A_364 : vector<16xi32> to vector<16xi32>
        tpu.vector_store %arg10[%swap3A_367], %swap3A_370 {strides = array<i32>} : memref<256xi32, #tpu.memory_space<vmem>>, vector<16xi32>,
        %swap3A_371 = arith.constant 192 : index
        %swap3A_372 = tpu.vector_load %arg11[%swap3A_371] {strides = array<i32>} : memref<272xf32, #tpu.memory_space<vmem>>, vector<16xf32>,
        %swap3A_373 = vector.shape_cast %swap3A_372 : vector<16xf32> to vector<16xf32>
        %swap3A_374 = vector.shape_cast %mul3A_366 : vector<16xf32> to vector<16xf32>
        tpu.vector_store %arg11[%swap3A_371], %swap3A_374 {strides = array<i32>} : memref<272xf32, #tpu.memory_space<vmem>>, vector<16xf32>,
        %mul3A_375 = arith.constant 48 : i32
        %mul3A_376 = vector.broadcast %mul3A_375 : i32 to vector<16xi32>
        %mul3A_377 = arith.muli %min3A_228, %mul3A_376 : vector<16xi32>
        %add3A_378 = arith.addi %mul3A_377, %min3A_156 : vector<16xi32>
        %mul3A_379 = arith.constant 48 : i32
        %mul3A_380 = vector.broadcast %mul3A_379 : i32 to vector<16xi32>
        %mul3A_381 = arith.muli %add3A_378, %mul3A_380 : vector<16xi32>
        %add3A_382 = arith.addi %mul3A_381, %min3A_84 : vector<16xi32>
        %add3A_383 = arith.constant 110592 : i32
        %add3A_384 = vector.broadcast %add3A_383 : i32 to vector<16xi32>
        %add3A_385 = arith.addi %add3A_382, %add3A_384 : vector<16xi32>
        %mul3A_386 = arith.mulf %select_n3A_213, %select_n3A_141 : vector<16xf32>
        %mul3A_387 = arith.mulf %mul3A_386, %select_n3A_71 : vector<16xf32>
        %swap3A_388 = arith.constant 224 : index
        %swap3A_389 = tpu.vector_load %arg10[%swap3A_388] {strides = array<i32>} : memref<256xi32, #tpu.memory_space<vmem>>, vector<16xi32>,
        %swap3A_390 = vector.shape_cast %swap3A_389 : vector<16xi32> to vector<16xi32>
        %swap3A_391 = vector.shape_cast %add3A_385 : vector<16xi32> to vector<16xi32>
        tpu.vector_store %arg10[%swap3A_388], %swap3A_391 {strides = array<i32>} : memref<256xi32, #tpu.memory_space<vmem>>, vector<16xi32>,
        %swap3A_392 = arith.constant 224 : index
        %swap3A_393 = tpu.vector_load %arg11[%swap3A_392] {strides = array<i32>} : memref<272xf32, #tpu.memory_space<vmem>>, vector<16xf32>,
        %swap3A_394 = vector.shape_cast %swap3A_393 : vector<16xf32> to vector<16xf32>
        %swap3A_395 = vector.shape_cast %mul3A_387 : vector<16xf32> to vector<16xf32>
        tpu.vector_store %arg11[%swap3A_392], %swap3A_395 {strides = array<i32>} : memref<272xf32, #tpu.memory_space<vmem>>, vector<16xf32>,
        %get3A_396 = arith.constant 16 : index
        %get3A_397 = tpu.vector_load %arg7[%get3A_396] {strides = array<i32>} : memref<32xf32, #tpu.memory_space<vmem>>, vector<16xf32>,
        %get3A_398 = vector.shape_cast %get3A_397 : vector<16xf32> to vector<16xf32>
        %mul3A_399 = arith.constant 2.000000e+00 : f32
        %mul3A_400 = vector.broadcast %mul3A_399 : f32 to vector<16xf32>
        %mul3A_401 = arith.mulf %mul3A_400, %get3A_398 : vector<16xf32>
        %div3A_402 = arith.constant 4.700000e+01 : f32
        %div3A_403 = vector.broadcast %div3A_402 : f32 to vector<16xf32>
        %div3A_404 = arith.divf %mul3A_401, %div3A_403 : vector<16xf32>
        %sub3A_405 = arith.constant 1.000000e+00 : f32
        %sub3A_406 = vector.broadcast %sub3A_405 : f32 to vector<16xf32>
        %sub3A_407 = arith.subf %div3A_404, %sub3A_406 : vector<16xf32>
        %add3A_408 = arith.constant 1.000000e+00 : f32
        %add3A_409 = vector.broadcast %add3A_408 : f32 to vector<16xf32>
        %add3A_410 = arith.addf %sub3A_407, %add3A_409 : vector<16xf32>
        %mul3A_411 = arith.constant 4.800000e+01 : f32
        %mul3A_412 = vector.broadcast %mul3A_411 : f32 to vector<16xf32>
        %mul3A_413 = arith.mulf %add3A_410, %mul3A_412 : vector<16xf32>
        %sub3A_414 = arith.constant 1.000000e+00 : f32
        %sub3A_415 = vector.broadcast %sub3A_414 : f32 to vector<16xf32>
        %sub3A_416 = arith.subf %mul3A_413, %sub3A_415 : vector<16xf32>
        %div3A_417 = arith.constant 2.000000e+00 : f32
        %div3A_418 = vector.broadcast %div3A_417 : f32 to vector<16xf32>
        %div3A_419 = arith.divf %sub3A_416, %div3A_418 : vector<16xf32>
        %add3A_420 = arith.constant 1.000000e+00 : f32
        %add3A_421 = vector.broadcast %add3A_420 : f32 to vector<16xf32>
        %add3A_422 = arith.addf %div3A_419, %add3A_421 : vector<16xf32>
        %convert_element_type3A_423 = arith.fptosi %add3A_422 : vector<16xf32> to vector<16xi32>
        %sub3A_424 = arith.constant 1 : i32
        %sub3A_425 = vector.broadcast %sub3A_424 : i32 to vector<16xi32>
        %sub3A_426 = arith.subi %convert_element_type3A_423, %sub3A_425 : vector<16xi32>
        %convert_element_type3A_427 = arith.sitofp %sub3A_426 : vector<16xi32> to vector<16xf32>
        %sub3A_428 = arith.subf %div3A_419, %convert_element_type3A_427 : vector<16xf32>
        %add3A_429 = arith.constant 1.000000e+00 : f32
        %add3A_430 = vector.broadcast %add3A_429 : f32 to vector<16xf32>
        %add3A_431 = arith.addf %convert_element_type3A_427, %add3A_430 : vector<16xf32>
        %sub3A_432 = arith.subf %add3A_431, %div3A_419 : vector<16xf32>
        %ge3A_433 = arith.constant 0 : i32
        %ge3A_434 = vector.broadcast %ge3A_433 : i32 to vector<16xi32>
        %ge3A_435 = arith.cmpi sge, %sub3A_426, %ge3A_434 : vector<16xi32>
        %le3A_436 = arith.constant 47 : i32
        %le3A_437 = vector.broadcast %le3A_436 : i32 to vector<16xi32>
        %le3A_438 = arith.cmpi sle, %sub3A_426, %le3A_437 : vector<16xi32>
        %and3A_439 = arith.andi %ge3A_435, %le3A_438 : vector<16xi1>
        %ge3A_440 = arith.constant -1 : i32
        %ge3A_441 = vector.broadcast %ge3A_440 : i32 to vector<16xi32>
        %ge3A_442 = arith.cmpi sge, %sub3A_426, %ge3A_441 : vector<16xi32>
        %le3A_443 = arith.constant 46 : i32
        %le3A_444 = vector.broadcast %le3A_443 : i32 to vector<16xi32>
        %le3A_445 = arith.cmpi sle, %sub3A_426, %le3A_444 : vector<16xi32>
        %and3A_446 = arith.andi %ge3A_442, %le3A_445 : vector<16xi1>
        %jit3A_447 = arith.constant 0.000000e+00 : f32
        %broadcast_in_dim3A_448 = vector.broadcast %jit3A_447 : f32 to vector<16xf32>
        %select_n3A_449 = arith.select %and3A_439, %sub3A_432, %broadcast_in_dim3A_448 : vector<16xi1>, vector<16xf32>
        %jit3A_450 = arith.constant 0.000000e+00 : f32
        %broadcast_in_dim3A_451 = vector.broadcast %jit3A_450 : f32 to vector<16xf32>
        %select_n3A_452 = arith.select %and3A_446, %sub3A_428, %broadcast_in_dim3A_451 : vector<16xi1>, vector<16xf32>
        %jit3A_453 = arith.constant 0 : i32
        %jit3A_454 = arith.constant 47 : i32
        %max3A_455 = vector.broadcast %jit3A_453 : i32 to vector<16xi32>
        %max3A_456 = arith.maxsi %max3A_455, %sub3A_426 : vector<16xi32>
        %min3A_457 = vector.broadcast %jit3A_454 : i32 to vector<16xi32>
        %min3A_458 = arith.minsi %min3A_457, %max3A_456 : vector<16xi32>
        %add3A_459 = arith.constant 1 : i32
        %add3A_460 = vector.broadcast %add3A_459 : i32 to vector<16xi32>
        %add3A_461 = arith.addi %sub3A_426, %add3A_460 : vector<16xi32>
        %jit3A_462 = arith.constant 0 : i32
        %jit3A_463 = arith.constant 47 : i32
        %max3A_464 = vector.broadcast %jit3A_462 : i32 to vector<16xi32>
        %max3A_465 = arith.maxsi %max3A_464, %add3A_461 : vector<16xi32>
        %min3A_466 = vector.broadcast %jit3A_463 : i32 to vector<16xi32>
        %min3A_467 = arith.minsi %min3A_466, %max3A_465 : vector<16xi32>
        %get3A_468 = arith.constant 16 : index
        %get3A_469 = tpu.vector_load %arg8[%get3A_468] {strides = array<i32>} : memref<32xf32, #tpu.memory_space<vmem>>, vector<16xf32>,
        %get3A_470 = vector.shape_cast %get3A_469 : vector<16xf32> to vector<16xf32>
        %mul3A_471 = arith.constant 2.000000e+00 : f32
        %mul3A_472 = vector.broadcast %mul3A_471 : f32 to vector<16xf32>
        %mul3A_473 = arith.mulf %mul3A_472, %get3A_470 : vector<16xf32>
        %div3A_474 = arith.constant 4.700000e+01 : f32
        %div3A_475 = vector.broadcast %div3A_474 : f32 to vector<16xf32>
        %div3A_476 = arith.divf %mul3A_473, %div3A_475 : vector<16xf32>
        %sub3A_477 = arith.constant 1.000000e+00 : f32
        %sub3A_478 = vector.broadcast %sub3A_477 : f32 to vector<16xf32>
        %sub3A_479 = arith.subf %div3A_476, %sub3A_478 : vector<16xf32>
        %add3A_480 = arith.constant 1.000000e+00 : f32
        %add3A_481 = vector.broadcast %add3A_480 : f32 to vector<16xf32>
        %add3A_482 = arith.addf %sub3A_479, %add3A_481 : vector<16xf32>
        %mul3A_483 = arith.constant 4.800000e+01 : f32
        %mul3A_484 = vector.broadcast %mul3A_483 : f32 to vector<16xf32>
        %mul3A_485 = arith.mulf %add3A_482, %mul3A_484 : vector<16xf32>
        %sub3A_486 = arith.constant 1.000000e+00 : f32
        %sub3A_487 = vector.broadcast %sub3A_486 : f32 to vector<16xf32>
        %sub3A_488 = arith.subf %mul3A_485, %sub3A_487 : vector<16xf32>
        %div3A_489 = arith.constant 2.000000e+00 : f32
        %div3A_490 = vector.broadcast %div3A_489 : f32 to vector<16xf32>
        %div3A_491 = arith.divf %sub3A_488, %div3A_490 : vector<16xf32>
        %add3A_492 = arith.constant 1.000000e+00 : f32
        %add3A_493 = vector.broadcast %add3A_492 : f32 to vector<16xf32>
        %add3A_494 = arith.addf %div3A_491, %add3A_493 : vector<16xf32>
        %convert_element_type3A_495 = arith.fptosi %add3A_494 : vector<16xf32> to vector<16xi32>
        %sub3A_496 = arith.constant 1 : i32
        %sub3A_497 = vector.broadcast %sub3A_496 : i32 to vector<16xi32>
        %sub3A_498 = arith.subi %convert_element_type3A_495, %sub3A_497 : vector<16xi32>
        %convert_element_type3A_499 = arith.sitofp %sub3A_498 : vector<16xi32> to vector<16xf32>
        %sub3A_500 = arith.subf %div3A_491, %convert_element_type3A_499 : vector<16xf32>
        %add3A_501 = arith.constant 1.000000e+00 : f32
        %add3A_502 = vector.broadcast %add3A_501 : f32 to vector<16xf32>
        %add3A_503 = arith.addf %convert_element_type3A_499, %add3A_502 : vector<16xf32>
        %sub3A_504 = arith.subf %add3A_503, %div3A_491 : vector<16xf32>
        %ge3A_505 = arith.constant 0 : i32
        %ge3A_506 = vector.broadcast %ge3A_505 : i32 to vector<16xi32>
        %ge3A_507 = arith.cmpi sge, %sub3A_498, %ge3A_506 : vector<16xi32>
        %le3A_508 = arith.constant 47 : i32
        %le3A_509 = vector.broadcast %le3A_508 : i32 to vector<16xi32>
        %le3A_510 = arith.cmpi sle, %sub3A_498, %le3A_509 : vector<16xi32>
        %and3A_511 = arith.andi %ge3A_507, %le3A_510 : vector<16xi1>
        %ge3A_512 = arith.constant -1 : i32
        %ge3A_513 = vector.broadcast %ge3A_512 : i32 to vector<16xi32>
        %ge3A_514 = arith.cmpi sge, %sub3A_498, %ge3A_513 : vector<16xi32>
        %le3A_515 = arith.constant 46 : i32
        %le3A_516 = vector.broadcast %le3A_515 : i32 to vector<16xi32>
        %le3A_517 = arith.cmpi sle, %sub3A_498, %le3A_516 : vector<16xi32>
        %and3A_518 = arith.andi %ge3A_514, %le3A_517 : vector<16xi1>
        %jit3A_519 = arith.constant 0.000000e+00 : f32
        %broadcast_in_dim3A_520 = vector.broadcast %jit3A_519 : f32 to vector<16xf32>
        %select_n3A_521 = arith.select %and3A_511, %sub3A_504, %broadcast_in_dim3A_520 : vector<16xi1>, vector<16xf32>
        %jit3A_522 = arith.constant 0.000000e+00 : f32
        %broadcast_in_dim3A_523 = vector.broadcast %jit3A_522 : f32 to vector<16xf32>
        %select_n3A_524 = arith.select %and3A_518, %sub3A_500, %broadcast_in_dim3A_523 : vector<16xi1>, vector<16xf32>
        %jit3A_525 = arith.constant 0 : i32
        %jit3A_526 = arith.constant 47 : i32
        %max3A_527 = vector.broadcast %jit3A_525 : i32 to vector<16xi32>
        %max3A_528 = arith.maxsi %max3A_527, %sub3A_498 : vector<16xi32>
        %min3A_529 = vector.broadcast %jit3A_526 : i32 to vector<16xi32>
        %min3A_530 = arith.minsi %min3A_529, %max3A_528 : vector<16xi32>
        %add3A_531 = arith.constant 1 : i32
        %add3A_532 = vector.broadcast %add3A_531 : i32 to vector<16xi32>
        %add3A_533 = arith.addi %sub3A_498, %add3A_532 : vector<16xi32>
        %jit3A_534 = arith.constant 0 : i32
        %jit3A_535 = arith.constant 47 : i32
        %max3A_536 = vector.broadcast %jit3A_534 : i32 to vector<16xi32>
        %max3A_537 = arith.maxsi %max3A_536, %add3A_533 : vector<16xi32>
        %min3A_538 = vector.broadcast %jit3A_535 : i32 to vector<16xi32>
        %min3A_539 = arith.minsi %min3A_538, %max3A_537 : vector<16xi32>
        %get3A_540 = arith.constant 16 : index
        %get3A_541 = tpu.vector_load %arg9[%get3A_540] {strides = array<i32>} : memref<32xf32, #tpu.memory_space<vmem>>, vector<16xf32>,
        %get3A_542 = vector.shape_cast %get3A_541 : vector<16xf32> to vector<16xf32>
        %mul3A_543 = arith.constant 2.000000e+00 : f32
        %mul3A_544 = vector.broadcast %mul3A_543 : f32 to vector<16xf32>
        %mul3A_545 = arith.mulf %mul3A_544, %get3A_542 : vector<16xf32>
        %div3A_546 = arith.constant 4.700000e+01 : f32
        %div3A_547 = vector.broadcast %div3A_546 : f32 to vector<16xf32>
        %div3A_548 = arith.divf %mul3A_545, %div3A_547 : vector<16xf32>
        %sub3A_549 = arith.constant 1.000000e+00 : f32
        %sub3A_550 = vector.broadcast %sub3A_549 : f32 to vector<16xf32>
        %sub3A_551 = arith.subf %div3A_548, %sub3A_550 : vector<16xf32>
        %add3A_552 = arith.constant 1.000000e+00 : f32
        %add3A_553 = vector.broadcast %add3A_552 : f32 to vector<16xf32>
        %add3A_554 = arith.addf %sub3A_551, %add3A_553 : vector<16xf32>
        %mul3A_555 = arith.constant 4.800000e+01 : f32
        %mul3A_556 = vector.broadcast %mul3A_555 : f32 to vector<16xf32>
        %mul3A_557 = arith.mulf %add3A_554, %mul3A_556 : vector<16xf32>
        %sub3A_558 = arith.constant 1.000000e+00 : f32
        %sub3A_559 = vector.broadcast %sub3A_558 : f32 to vector<16xf32>
        %sub3A_560 = arith.subf %mul3A_557, %sub3A_559 : vector<16xf32>
        %div3A_561 = arith.constant 2.000000e+00 : f32
        %div3A_562 = vector.broadcast %div3A_561 : f32 to vector<16xf32>
        %div3A_563 = arith.divf %sub3A_560, %div3A_562 : vector<16xf32>
        %add3A_564 = arith.constant 1.000000e+00 : f32
        %add3A_565 = vector.broadcast %add3A_564 : f32 to vector<16xf32>
        %add3A_566 = arith.addf %div3A_563, %add3A_565 : vector<16xf32>
        %convert_element_type3A_567 = arith.fptosi %add3A_566 : vector<16xf32> to vector<16xi32>
        %sub3A_568 = arith.constant 1 : i32
        %sub3A_569 = vector.broadcast %sub3A_568 : i32 to vector<16xi32>
        %sub3A_570 = arith.subi %convert_element_type3A_567, %sub3A_569 : vector<16xi32>
        %convert_element_type3A_571 = arith.sitofp %sub3A_570 : vector<16xi32> to vector<16xf32>
        %sub3A_572 = arith.subf %div3A_563, %convert_element_type3A_571 : vector<16xf32>
        %add3A_573 = arith.constant 1.000000e+00 : f32
        %add3A_574 = vector.broadcast %add3A_573 : f32 to vector<16xf32>
        %add3A_575 = arith.addf %convert_element_type3A_571, %add3A_574 : vector<16xf32>
        %sub3A_576 = arith.subf %add3A_575, %div3A_563 : vector<16xf32>
        %ge3A_577 = arith.constant 0 : i32
        %ge3A_578 = vector.broadcast %ge3A_577 : i32 to vector<16xi32>
        %ge3A_579 = arith.cmpi sge, %sub3A_570, %ge3A_578 : vector<16xi32>
        %le3A_580 = arith.constant 47 : i32
        %le3A_581 = vector.broadcast %le3A_580 : i32 to vector<16xi32>
        %le3A_582 = arith.cmpi sle, %sub3A_570, %le3A_581 : vector<16xi32>
        %and3A_583 = arith.andi %ge3A_579, %le3A_582 : vector<16xi1>
        %ge3A_584 = arith.constant -1 : i32
        %ge3A_585 = vector.broadcast %ge3A_584 : i32 to vector<16xi32>
        %ge3A_586 = arith.cmpi sge, %sub3A_570, %ge3A_585 : vector<16xi32>
        %le3A_587 = arith.constant 46 : i32
        %le3A_588 = vector.broadcast %le3A_587 : i32 to vector<16xi32>
        %le3A_589 = arith.cmpi sle, %sub3A_570, %le3A_588 : vector<16xi32>
        %and3A_590 = arith.andi %ge3A_586, %le3A_589 : vector<16xi1>
        %jit3A_591 = arith.constant 0.000000e+00 : f32
        %broadcast_in_dim3A_592 = vector.broadcast %jit3A_591 : f32 to vector<16xf32>
        %select_n3A_593 = arith.select %and3A_583, %sub3A_576, %broadcast_in_dim3A_592 : vector<16xi1>, vector<16xf32>
        %jit3A_594 = arith.constant 0.000000e+00 : f32
        %broadcast_in_dim3A_595 = vector.broadcast %jit3A_594 : f32 to vector<16xf32>
        %select_n3A_596 = arith.select %and3A_590, %sub3A_572, %broadcast_in_dim3A_595 : vector<16xi1>, vector<16xf32>
        %jit3A_597 = arith.constant 0 : i32
        %jit3A_598 = arith.constant 47 : i32
        %max3A_599 = vector.broadcast %jit3A_597 : i32 to vector<16xi32>
        %max3A_600 = arith.maxsi %max3A_599, %sub3A_570 : vector<16xi32>
        %min3A_601 = vector.broadcast %jit3A_598 : i32 to vector<16xi32>
        %min3A_602 = arith.minsi %min3A_601, %max3A_600 : vector<16xi32>
        %add3A_603 = arith.constant 1 : i32
        %add3A_604 = vector.broadcast %add3A_603 : i32 to vector<16xi32>
        %add3A_605 = arith.addi %sub3A_570, %add3A_604 : vector<16xi32>
        %jit3A_606 = arith.constant 0 : i32
        %jit3A_607 = arith.constant 47 : i32
        %max3A_608 = vector.broadcast %jit3A_606 : i32 to vector<16xi32>
        %max3A_609 = arith.maxsi %max3A_608, %add3A_605 : vector<16xi32>
        %min3A_610 = vector.broadcast %jit3A_607 : i32 to vector<16xi32>
        %min3A_611 = arith.minsi %min3A_610, %max3A_609 : vector<16xi32>
        %mul3A_612 = arith.constant 48 : i32
        %mul3A_613 = vector.broadcast %mul3A_612 : i32 to vector<16xi32>
        %mul3A_614 = arith.muli %min3A_602, %mul3A_613 : vector<16xi32>
        %add3A_615 = arith.addi %mul3A_614, %min3A_530 : vector<16xi32>
        %mul3A_616 = arith.constant 48 : i32
        %mul3A_617 = vector.broadcast %mul3A_616 : i32 to vector<16xi32>
        %mul3A_618 = arith.muli %add3A_615, %mul3A_617 : vector<16xi32>
        %add3A_619 = arith.addi %mul3A_618, %min3A_458 : vector<16xi32>
        %add3A_620 = arith.constant 110592 : i32
        %add3A_621 = vector.broadcast %add3A_620 : i32 to vector<16xi32>
        %add3A_622 = arith.addi %add3A_619, %add3A_621 : vector<16xi32>
        %mul3A_623 = arith.mulf %select_n3A_593, %select_n3A_521 : vector<16xf32>
        %mul3A_624 = arith.mulf %mul3A_623, %select_n3A_449 : vector<16xf32>
        %swap3A_625 = arith.constant 16 : index
        %swap3A_626 = tpu.vector_load %arg10[%swap3A_625] {strides = array<i32>} : memref<256xi32, #tpu.memory_space<vmem>>, vector<16xi32>,
        %swap3A_627 = vector.shape_cast %swap3A_626 : vector<16xi32> to vector<16xi32>
        %swap3A_628 = vector.shape_cast %add3A_622 : vector<16xi32> to vector<16xi32>
        tpu.vector_store %arg10[%swap3A_625], %swap3A_628 {strides = array<i32>} : memref<256xi32, #tpu.memory_space<vmem>>, vector<16xi32>,
        %swap3A_629 = arith.constant 16 : index
        %swap3A_630 = tpu.vector_load %arg11[%swap3A_629] {strides = array<i32>} : memref<272xf32, #tpu.memory_space<vmem>>, vector<16xf32>,
        %swap3A_631 = vector.shape_cast %swap3A_630 : vector<16xf32> to vector<16xf32>
        %swap3A_632 = vector.shape_cast %mul3A_624 : vector<16xf32> to vector<16xf32>
        tpu.vector_store %arg11[%swap3A_629], %swap3A_632 {strides = array<i32>} : memref<272xf32, #tpu.memory_space<vmem>>, vector<16xf32>,
        %mul3A_633 = arith.constant 48 : i32
        %mul3A_634 = vector.broadcast %mul3A_633 : i32 to vector<16xi32>
        %mul3A_635 = arith.muli %min3A_602, %mul3A_634 : vector<16xi32>
        %add3A_636 = arith.addi %mul3A_635, %min3A_530 : vector<16xi32>
        %mul3A_637 = arith.constant 48 : i32
        %mul3A_638 = vector.broadcast %mul3A_637 : i32 to vector<16xi32>
        %mul3A_639 = arith.muli %add3A_636, %mul3A_638 : vector<16xi32>
        %add3A_640 = arith.addi %mul3A_639, %min3A_467 : vector<16xi32>
        %add3A_641 = arith.constant 110592 : i32
        %add3A_642 = vector.broadcast %add3A_641 : i32 to vector<16xi32>
        %add3A_643 = arith.addi %add3A_640, %add3A_642 : vector<16xi32>
        %mul3A_644 = arith.mulf %select_n3A_593, %select_n3A_521 : vector<16xf32>
        %mul3A_645 = arith.mulf %mul3A_644, %select_n3A_452 : vector<16xf32>
        %swap3A_646 = arith.constant 48 : index
        %swap3A_647 = tpu.vector_load %arg10[%swap3A_646] {strides = array<i32>} : memref<256xi32, #tpu.memory_space<vmem>>, vector<16xi32>,
        %swap3A_648 = vector.shape_cast %swap3A_647 : vector<16xi32> to vector<16xi32>
        %swap3A_649 = vector.shape_cast %add3A_643 : vector<16xi32> to vector<16xi32>
        tpu.vector_store %arg10[%swap3A_646], %swap3A_649 {strides = array<i32>} : memref<256xi32, #tpu.memory_space<vmem>>, vector<16xi32>,
        %swap3A_650 = arith.constant 48 : index
        %swap3A_651 = tpu.vector_load %arg11[%swap3A_650] {strides = array<i32>} : memref<272xf32, #tpu.memory_space<vmem>>, vector<16xf32>,
        %swap3A_652 = vector.shape_cast %swap3A_651 : vector<16xf32> to vector<16xf32>
        %swap3A_653 = vector.shape_cast %mul3A_645 : vector<16xf32> to vector<16xf32>
        tpu.vector_store %arg11[%swap3A_650], %swap3A_653 {strides = array<i32>} : memref<272xf32, #tpu.memory_space<vmem>>, vector<16xf32>,
        %mul3A_654 = arith.constant 48 : i32
        %mul3A_655 = vector.broadcast %mul3A_654 : i32 to vector<16xi32>
        %mul3A_656 = arith.muli %min3A_602, %mul3A_655 : vector<16xi32>
        %add3A_657 = arith.addi %mul3A_656, %min3A_539 : vector<16xi32>
        %mul3A_658 = arith.constant 48 : i32
        %mul3A_659 = vector.broadcast %mul3A_658 : i32 to vector<16xi32>
        %mul3A_660 = arith.muli %add3A_657, %mul3A_659 : vector<16xi32>
        %add3A_661 = arith.addi %mul3A_660, %min3A_458 : vector<16xi32>
        %add3A_662 = arith.constant 110592 : i32
        %add3A_663 = vector.broadcast %add3A_662 : i32 to vector<16xi32>
        %add3A_664 = arith.addi %add3A_661, %add3A_663 : vector<16xi32>
        %mul3A_665 = arith.mulf %select_n3A_593, %select_n3A_524 : vector<16xf32>
        %mul3A_666 = arith.mulf %mul3A_665, %select_n3A_449 : vector<16xf32>
        %swap3A_667 = arith.constant 80 : index
        %swap3A_668 = tpu.vector_load %arg10[%swap3A_667] {strides = array<i32>} : memref<256xi32, #tpu.memory_space<vmem>>, vector<16xi32>,
        %swap3A_669 = vector.shape_cast %swap3A_668 : vector<16xi32> to vector<16xi32>
        %swap3A_670 = vector.shape_cast %add3A_664 : vector<16xi32> to vector<16xi32>
        tpu.vector_store %arg10[%swap3A_667], %swap3A_670 {strides = array<i32>} : memref<256xi32, #tpu.memory_space<vmem>>, vector<16xi32>,
        %swap3A_671 = arith.constant 80 : index
        %swap3A_672 = tpu.vector_load %arg11[%swap3A_671] {strides = array<i32>} : memref<272xf32, #tpu.memory_space<vmem>>, vector<16xf32>,
        %swap3A_673 = vector.shape_cast %swap3A_672 : vector<16xf32> to vector<16xf32>
        %swap3A_674 = vector.shape_cast %mul3A_666 : vector<16xf32> to vector<16xf32>
        tpu.vector_store %arg11[%swap3A_671], %swap3A_674 {strides = array<i32>} : memref<272xf32, #tpu.memory_space<vmem>>, vector<16xf32>,
        %mul3A_675 = arith.constant 48 : i32
        %mul3A_676 = vector.broadcast %mul3A_675 : i32 to vector<16xi32>
        %mul3A_677 = arith.muli %min3A_602, %mul3A_676 : vector<16xi32>
        %add3A_678 = arith.addi %mul3A_677, %min3A_539 : vector<16xi32>
        %mul3A_679 = arith.constant 48 : i32
        %mul3A_680 = vector.broadcast %mul3A_679 : i32 to vector<16xi32>
        %mul3A_681 = arith.muli %add3A_678, %mul3A_680 : vector<16xi32>
        %add3A_682 = arith.addi %mul3A_681, %min3A_467 : vector<16xi32>
        %add3A_683 = arith.constant 110592 : i32
        %add3A_684 = vector.broadcast %add3A_683 : i32 to vector<16xi32>
        %add3A_685 = arith.addi %add3A_682, %add3A_684 : vector<16xi32>
        %mul3A_686 = arith.mulf %select_n3A_593, %select_n3A_524 : vector<16xf32>
        %mul3A_687 = arith.mulf %mul3A_686, %select_n3A_452 : vector<16xf32>
        %swap3A_688 = arith.constant 112 : index
        %swap3A_689 = tpu.vector_load %arg10[%swap3A_688] {strides = array<i32>} : memref<256xi32, #tpu.memory_space<vmem>>, vector<16xi32>,
        %swap3A_690 = vector.shape_cast %swap3A_689 : vector<16xi32> to vector<16xi32>
        %swap3A_691 = vector.shape_cast %add3A_685 : vector<16xi32> to vector<16xi32>
        tpu.vector_store %arg10[%swap3A_688], %swap3A_691 {strides = array<i32>} : memref<256xi32, #tpu.memory_space<vmem>>, vector<16xi32>,
        %swap3A_692 = arith.constant 112 : index
        %swap3A_693 = tpu.vector_load %arg11[%swap3A_692] {strides = array<i32>} : memref<272xf32, #tpu.memory_space<vmem>>, vector<16xf32>,
        %swap3A_694 = vector.shape_cast %swap3A_693 : vector<16xf32> to vector<16xf32>
        %swap3A_695 = vector.shape_cast %mul3A_687 : vector<16xf32> to vector<16xf32>
        tpu.vector_store %arg11[%swap3A_692], %swap3A_695 {strides = array<i32>} : memref<272xf32, #tpu.memory_space<vmem>>, vector<16xf32>,
        %mul3A_696 = arith.constant 48 : i32
        %mul3A_697 = vector.broadcast %mul3A_696 : i32 to vector<16xi32>
        %mul3A_698 = arith.muli %min3A_611, %mul3A_697 : vector<16xi32>
        %add3A_699 = arith.addi %mul3A_698, %min3A_530 : vector<16xi32>
        %mul3A_700 = arith.constant 48 : i32
        %mul3A_701 = vector.broadcast %mul3A_700 : i32 to vector<16xi32>
        %mul3A_702 = arith.muli %add3A_699, %mul3A_701 : vector<16xi32>
        %add3A_703 = arith.addi %mul3A_702, %min3A_458 : vector<16xi32>
        %add3A_704 = arith.constant 110592 : i32
        %add3A_705 = vector.broadcast %add3A_704 : i32 to vector<16xi32>
        %add3A_706 = arith.addi %add3A_703, %add3A_705 : vector<16xi32>
        %mul3A_707 = arith.mulf %select_n3A_596, %select_n3A_521 : vector<16xf32>
        %mul3A_708 = arith.mulf %mul3A_707, %select_n3A_449 : vector<16xf32>
        %swap3A_709 = arith.constant 144 : index
        %swap3A_710 = tpu.vector_load %arg10[%swap3A_709] {strides = array<i32>} : memref<256xi32, #tpu.memory_space<vmem>>, vector<16xi32>,
        %swap3A_711 = vector.shape_cast %swap3A_710 : vector<16xi32> to vector<16xi32>
        %swap3A_712 = vector.shape_cast %add3A_706 : vector<16xi32> to vector<16xi32>
        tpu.vector_store %arg10[%swap3A_709], %swap3A_712 {strides = array<i32>} : memref<256xi32, #tpu.memory_space<vmem>>, vector<16xi32>,
        %swap3A_713 = arith.constant 144 : index
        %swap3A_714 = tpu.vector_load %arg11[%swap3A_713] {strides = array<i32>} : memref<272xf32, #tpu.memory_space<vmem>>, vector<16xf32>,
        %swap3A_715 = vector.shape_cast %swap3A_714 : vector<16xf32> to vector<16xf32>
        %swap3A_716 = vector.shape_cast %mul3A_708 : vector<16xf32> to vector<16xf32>
        tpu.vector_store %arg11[%swap3A_713], %swap3A_716 {strides = array<i32>} : memref<272xf32, #tpu.memory_space<vmem>>, vector<16xf32>,
        %mul3A_717 = arith.constant 48 : i32
        %mul3A_718 = vector.broadcast %mul3A_717 : i32 to vector<16xi32>
        %mul3A_719 = arith.muli %min3A_611, %mul3A_718 : vector<16xi32>
        %add3A_720 = arith.addi %mul3A_719, %min3A_530 : vector<16xi32>
        %mul3A_721 = arith.constant 48 : i32
        %mul3A_722 = vector.broadcast %mul3A_721 : i32 to vector<16xi32>
        %mul3A_723 = arith.muli %add3A_720, %mul3A_722 : vector<16xi32>
        %add3A_724 = arith.addi %mul3A_723, %min3A_467 : vector<16xi32>
        %add3A_725 = arith.constant 110592 : i32
        %add3A_726 = vector.broadcast %add3A_725 : i32 to vector<16xi32>
        %add3A_727 = arith.addi %add3A_724, %add3A_726 : vector<16xi32>
        %mul3A_728 = arith.mulf %select_n3A_596, %select_n3A_521 : vector<16xf32>
        %mul3A_729 = arith.mulf %mul3A_728, %select_n3A_452 : vector<16xf32>
        %swap3A_730 = arith.constant 176 : index
        %swap3A_731 = tpu.vector_load %arg10[%swap3A_730] {strides = array<i32>} : memref<256xi32, #tpu.memory_space<vmem>>, vector<16xi32>,
        %swap3A_732 = vector.shape_cast %swap3A_731 : vector<16xi32> to vector<16xi32>
        %swap3A_733 = vector.shape_cast %add3A_727 : vector<16xi32> to vector<16xi32>
        tpu.vector_store %arg10[%swap3A_730], %swap3A_733 {strides = array<i32>} : memref<256xi32, #tpu.memory_space<vmem>>, vector<16xi32>,
        %swap3A_734 = arith.constant 176 : index
        %swap3A_735 = tpu.vector_load %arg11[%swap3A_734] {strides = array<i32>} : memref<272xf32, #tpu.memory_space<vmem>>, vector<16xf32>,
        %swap3A_736 = vector.shape_cast %swap3A_735 : vector<16xf32> to vector<16xf32>
        %swap3A_737 = vector.shape_cast %mul3A_729 : vector<16xf32> to vector<16xf32>
        tpu.vector_store %arg11[%swap3A_734], %swap3A_737 {strides = array<i32>} : memref<272xf32, #tpu.memory_space<vmem>>, vector<16xf32>,
        %mul3A_738 = arith.constant 48 : i32
        %mul3A_739 = vector.broadcast %mul3A_738 : i32 to vector<16xi32>
        %mul3A_740 = arith.muli %min3A_611, %mul3A_739 : vector<16xi32>
        %add3A_741 = arith.addi %mul3A_740, %min3A_539 : vector<16xi32>
        %mul3A_742 = arith.constant 48 : i32
        %mul3A_743 = vector.broadcast %mul3A_742 : i32 to vector<16xi32>
        %mul3A_744 = arith.muli %add3A_741, %mul3A_743 : vector<16xi32>
        %add3A_745 = arith.addi %mul3A_744, %min3A_458 : vector<16xi32>
        %add3A_746 = arith.constant 110592 : i32
        %add3A_747 = vector.broadcast %add3A_746 : i32 to vector<16xi32>
        %add3A_748 = arith.addi %add3A_745, %add3A_747 : vector<16xi32>
        %mul3A_749 = arith.mulf %select_n3A_596, %select_n3A_524 : vector<16xf32>
        %mul3A_750 = arith.mulf %mul3A_749, %select_n3A_449 : vector<16xf32>
        %swap3A_751 = arith.constant 208 : index
        %swap3A_752 = tpu.vector_load %arg10[%swap3A_751] {strides = array<i32>} : memref<256xi32, #tpu.memory_space<vmem>>, vector<16xi32>,
        %swap3A_753 = vector.shape_cast %swap3A_752 : vector<16xi32> to vector<16xi32>
        %swap3A_754 = vector.shape_cast %add3A_748 : vector<16xi32> to vector<16xi32>
        tpu.vector_store %arg10[%swap3A_751], %swap3A_754 {strides = array<i32>} : memref<256xi32, #tpu.memory_space<vmem>>, vector<16xi32>,
        %swap3A_755 = arith.constant 208 : index
        %swap3A_756 = tpu.vector_load %arg11[%swap3A_755] {strides = array<i32>} : memref<272xf32, #tpu.memory_space<vmem>>, vector<16xf32>,
        %swap3A_757 = vector.shape_cast %swap3A_756 : vector<16xf32> to vector<16xf32>
        %swap3A_758 = vector.shape_cast %mul3A_750 : vector<16xf32> to vector<16xf32>
        tpu.vector_store %arg11[%swap3A_755], %swap3A_758 {strides = array<i32>} : memref<272xf32, #tpu.memory_space<vmem>>, vector<16xf32>,
        %mul3A_759 = arith.constant 48 : i32
        %mul3A_760 = vector.broadcast %mul3A_759 : i32 to vector<16xi32>
        %mul3A_761 = arith.muli %min3A_611, %mul3A_760 : vector<16xi32>
        %add3A_762 = arith.addi %mul3A_761, %min3A_539 : vector<16xi32>
        %mul3A_763 = arith.constant 48 : i32
        %mul3A_764 = vector.broadcast %mul3A_763 : i32 to vector<16xi32>
        %mul3A_765 = arith.muli %add3A_762, %mul3A_764 : vector<16xi32>
        %add3A_766 = arith.addi %mul3A_765, %min3A_467 : vector<16xi32>
        %add3A_767 = arith.constant 110592 : i32
        %add3A_768 = vector.broadcast %add3A_767 : i32 to vector<16xi32>
        %add3A_769 = arith.addi %add3A_766, %add3A_768 : vector<16xi32>
        %mul3A_770 = arith.mulf %select_n3A_596, %select_n3A_524 : vector<16xf32>
        %mul3A_771 = arith.mulf %mul3A_770, %select_n3A_452 : vector<16xf32>
        %swap3A_772 = arith.constant 240 : index
        %swap3A_773 = tpu.vector_load %arg10[%swap3A_772] {strides = array<i32>} : memref<256xi32, #tpu.memory_space<vmem>>, vector<16xi32>,
        %swap3A_774 = vector.shape_cast %swap3A_773 : vector<16xi32> to vector<16xi32>
        %swap3A_775 = vector.shape_cast %add3A_769 : vector<16xi32> to vector<16xi32>
        tpu.vector_store %arg10[%swap3A_772], %swap3A_775 {strides = array<i32>} : memref<256xi32, #tpu.memory_space<vmem>>, vector<16xi32>,
        %swap3A_776 = arith.constant 240 : index
        %swap3A_777 = tpu.vector_load %arg11[%swap3A_776] {strides = array<i32>} : memref<272xf32, #tpu.memory_space<vmem>>, vector<16xf32>,
        %swap3A_778 = vector.shape_cast %swap3A_777 : vector<16xf32> to vector<16xf32>
        %swap3A_779 = vector.shape_cast %mul3A_771 : vector<16xf32> to vector<16xf32>
        tpu.vector_store %arg11[%swap3A_776], %swap3A_779 {strides = array<i32>} : memref<272xf32, #tpu.memory_space<vmem>>, vector<16xf32>,
        %dma_start3A = arith.constant 0 : i32
        %dma_start3A_780 = arith.constant 0 : i32
        %dma_start3A_781 = tpu.memref_slice %arg12[%dma_start3A, %dma_start3A_780] : memref<256x128xf32, #tpu.memory_space<vmem>> -> memref<128x128xf32, #tpu.memory_space<vmem>>
        %dma_start3A_782 = arith.constant 0 : i32
        %dma_start3A_783 = tpu.memref_slice %arg10[%dma_start3A_782] : memref<256xi32, #tpu.memory_space<vmem>> -> memref<128xi32, #tpu.memory_space<vmem>>
        %dma_start3A_784 = arith.constant 0 : i32
        %dma_start3A_785 = arith.constant 0 : i32
        %dma_start3A_786 = tpu.memref_slice %arg2[%dma_start3A_784, %dma_start3A_785] : memref<221184x128xf32, #tpu.memory_space<hbm>> -> memref<221184x128xf32, #tpu.memory_space<hbm>>
        tpu.enqueue_indirect_dma source(%dma_start3A_786 : memref<221184x128xf32, #tpu.memory_space<hbm>>) target(%dma_start3A_781 : memref<128x128xf32, #tpu.memory_space<vmem>>) offsets(%dma_start3A_783 : memref<128xi32, #tpu.memory_space<vmem>>) semaphore(%arg14 : memref<!tpu.dma_semaphore, #tpu.memory_space<semaphore_mem>>)
        %dma_start3A_787 = arith.constant 128 : i32
        %dma_start3A_788 = arith.constant 0 : i32
        %dma_start3A_789 = tpu.memref_slice %arg12[%dma_start3A_787, %dma_start3A_788] : memref<256x128xf32, #tpu.memory_space<vmem>> -> memref<128x128xf32, #tpu.memory_space<vmem>>
        %dma_start3A_790 = arith.constant 128 : i32
        %dma_start3A_791 = tpu.memref_slice %arg10[%dma_start3A_790] : memref<256xi32, #tpu.memory_space<vmem>> -> memref<128xi32, #tpu.memory_space<vmem>>
        %dma_start3A_792 = arith.constant 0 : i32
        %dma_start3A_793 = arith.constant 0 : i32
        %dma_start3A_794 = tpu.memref_slice %arg2[%dma_start3A_792, %dma_start3A_793] : memref<221184x128xf32, #tpu.memory_space<hbm>> -> memref<221184x128xf32, #tpu.memory_space<hbm>>
        tpu.enqueue_indirect_dma source(%dma_start3A_794 : memref<221184x128xf32, #tpu.memory_space<hbm>>) target(%dma_start3A_789 : memref<128x128xf32, #tpu.memory_space<vmem>>) offsets(%dma_start3A_791 : memref<128xi32, #tpu.memory_space<vmem>>) semaphore(%arg14 : memref<!tpu.dma_semaphore, #tpu.memory_space<semaphore_mem>>)
        %dma_wait3A = arith.constant 0 : i32
        %dma_wait3A_795 = arith.constant 0 : i32
        %dma_wait3A_796 = tpu.memref_slice %arg12[%dma_wait3A, %dma_wait3A_795] : memref<256x128xf32, #tpu.memory_space<vmem>> -> memref<128x128xf32, #tpu.memory_space<vmem>>
        %dma_wait3A_797 = arith.constant 0 : i32
        %dma_wait3A_798 = tpu.memref_slice %arg10[%dma_wait3A_797] : memref<256xi32, #tpu.memory_space<vmem>> -> memref<128xi32, #tpu.memory_space<vmem>>
        %dma_wait3A_799 = arith.constant 0 : i32
        %dma_wait3A_800 = arith.constant 0 : i32
        %dma_wait3A_801 = tpu.memref_slice %arg2[%dma_wait3A_799, %dma_wait3A_800] : memref<221184x128xf32, #tpu.memory_space<hbm>> -> memref<221184x128xf32, #tpu.memory_space<hbm>>
        tpu.wait_indirect_dma semaphore(%arg14 : memref<!tpu.dma_semaphore, #tpu.memory_space<semaphore_mem>>) src(%dma_wait3A_801 : memref<221184x128xf32, #tpu.memory_space<hbm>>) dst(%dma_wait3A_796 : memref<128x128xf32, #tpu.memory_space<vmem>>)
        %dma_wait3A_802 = arith.constant 128 : i32
        %dma_wait3A_803 = arith.constant 0 : i32
        %dma_wait3A_804 = tpu.memref_slice %arg12[%dma_wait3A_802, %dma_wait3A_803] : memref<256x128xf32, #tpu.memory_space<vmem>> -> memref<128x128xf32, #tpu.memory_space<vmem>>
        %dma_wait3A_805 = arith.constant 128 : i32
        %dma_wait3A_806 = tpu.memref_slice %arg10[%dma_wait3A_805] : memref<256xi32, #tpu.memory_space<vmem>> -> memref<128xi32, #tpu.memory_space<vmem>>
        %dma_wait3A_807 = arith.constant 0 : i32
        %dma_wait3A_808 = arith.constant 0 : i32
        %dma_wait3A_809 = tpu.memref_slice %arg2[%dma_wait3A_807, %dma_wait3A_808] : memref<221184x128xf32, #tpu.memory_space<hbm>> -> memref<221184x128xf32, #tpu.memory_space<hbm>>
        tpu.wait_indirect_dma semaphore(%arg14 : memref<!tpu.dma_semaphore, #tpu.memory_space<semaphore_mem>>) src(%dma_wait3A_809 : memref<221184x128xf32, #tpu.memory_space<hbm>>) dst(%dma_wait3A_804 : memref<128x128xf32, #tpu.memory_space<vmem>>)
        %scan3A_810 = arith.constant 0 : i32
        %scan3A_811 = arith.constant 32 : i32
        %scan3A_812 = arith.addi %scan3A_810, %scan3A_811 : i32
        %scan3A_813 = arith.constant 1 : i32
        scf.for %scan3A_816 = %scan3A_810 to %scan3A_812 step %scan3A_813  : i32 {
          %mul3A_817 = arith.constant 1 : i32
          %mul3A_818 = arith.muli %scan3A_816, %mul3A_817 : i32
          %add3A_819 = arith.constant 0 : i32
          %add3A_820 = arith.addi %add3A_819, %mul3A_818 : i32
          %broadcast_in_dim3A_821 = arith.constant 0.000000e+00 : f32
          %broadcast_in_dim3A_822 = vector.broadcast %broadcast_in_dim3A_821 : f32 to vector<16xf32>
          %add3A_823 = arith.constant 0 : i32
          %add3A_824 = arith.addi %add3A_823, %add3A_820 : i32
          %get3A_825 = arith.index_cast %add3A_824 : i32 to index
          %get3A_826 = tpu.vector_load %arg11[%get3A_825] {strides = array<i32>} : memref<272xf32, #tpu.memory_space<vmem>>, vector<16xf32>,
          %get3A_827 = vector.shape_cast %get3A_826 : vector<16xf32> to vector<16xf32>
          %slice3A = vector.extract_strided_slice %get3A_827 {offsets = [0], sizes = [1], strides = [1]} : vector<16xf32> to vector<1xf32>
          %squeeze3A = vector.extract %slice3A[0] : f32 from vector<1xf32>
          %broadcast_in_dim3A_828 = vector.broadcast %squeeze3A : f32 to vector<16xf32>
          %get3A_829 = arith.index_cast %add3A_824 : i32 to index
          %get3A_830 = arith.constant 0 : index
          %get3A_831 = tpu.vector_load %arg12[%get3A_829, %get3A_830] {strides = array<i32>} : memref<256x128xf32, #tpu.memory_space<vmem>>, vector<1x16xf32>,
          %get3A_832 = vector.shape_cast %get3A_831 : vector<1x16xf32> to vector<16xf32>
          %mul3A_833 = arith.mulf %broadcast_in_dim3A_828, %get3A_832 : vector<16xf32>
          %add3A_834 = arith.addf %broadcast_in_dim3A_822, %mul3A_833 : vector<16xf32>
          %get3A_835 = arith.index_cast %add3A_824 : i32 to index
          %get3A_836 = arith.constant 16 : index
          %get3A_837 = tpu.vector_load %arg12[%get3A_835, %get3A_836] {strides = array<i32>} : memref<256x128xf32, #tpu.memory_space<vmem>>, vector<1x16xf32>,
          %get3A_838 = vector.shape_cast %get3A_837 : vector<1x16xf32> to vector<16xf32>
          %mul3A_839 = arith.mulf %broadcast_in_dim3A_828, %get3A_838 : vector<16xf32>
          %add3A_840 = arith.addf %broadcast_in_dim3A_822, %mul3A_839 : vector<16xf32>
          %get3A_841 = arith.index_cast %add3A_824 : i32 to index
          %get3A_842 = arith.constant 32 : index
          %get3A_843 = tpu.vector_load %arg12[%get3A_841, %get3A_842] {strides = array<i32>} : memref<256x128xf32, #tpu.memory_space<vmem>>, vector<1x16xf32>,
          %get3A_844 = vector.shape_cast %get3A_843 : vector<1x16xf32> to vector<16xf32>
          %mul3A_845 = arith.mulf %broadcast_in_dim3A_828, %get3A_844 : vector<16xf32>
          %add3A_846 = arith.addf %broadcast_in_dim3A_822, %mul3A_845 : vector<16xf32>
          %get3A_847 = arith.index_cast %add3A_824 : i32 to index
          %get3A_848 = arith.constant 48 : index
          %get3A_849 = tpu.vector_load %arg12[%get3A_847, %get3A_848] {strides = array<i32>} : memref<256x128xf32, #tpu.memory_space<vmem>>, vector<1x16xf32>,
          %get3A_850 = vector.shape_cast %get3A_849 : vector<1x16xf32> to vector<16xf32>
          %mul3A_851 = arith.mulf %broadcast_in_dim3A_828, %get3A_850 : vector<16xf32>
          %add3A_852 = arith.addf %broadcast_in_dim3A_822, %mul3A_851 : vector<16xf32>
          %get3A_853 = arith.index_cast %add3A_824 : i32 to index
          %get3A_854 = arith.constant 64 : index
          %get3A_855 = tpu.vector_load %arg12[%get3A_853, %get3A_854] {strides = array<i32>} : memref<256x128xf32, #tpu.memory_space<vmem>>, vector<1x16xf32>,
          %get3A_856 = vector.shape_cast %get3A_855 : vector<1x16xf32> to vector<16xf32>
          %mul3A_857 = arith.mulf %broadcast_in_dim3A_828, %get3A_856 : vector<16xf32>
          %add3A_858 = arith.addf %broadcast_in_dim3A_822, %mul3A_857 : vector<16xf32>
          %get3A_859 = arith.index_cast %add3A_824 : i32 to index
          %get3A_860 = arith.constant 80 : index
          %get3A_861 = tpu.vector_load %arg12[%get3A_859, %get3A_860] {strides = array<i32>} : memref<256x128xf32, #tpu.memory_space<vmem>>, vector<1x16xf32>,
          %get3A_862 = vector.shape_cast %get3A_861 : vector<1x16xf32> to vector<16xf32>
          %mul3A_863 = arith.mulf %broadcast_in_dim3A_828, %get3A_862 : vector<16xf32>
          %add3A_864 = arith.addf %broadcast_in_dim3A_822, %mul3A_863 : vector<16xf32>
          %get3A_865 = arith.index_cast %add3A_824 : i32 to index
          %get3A_866 = arith.constant 96 : index
          %get3A_867 = tpu.vector_load %arg12[%get3A_865, %get3A_866] {strides = array<i32>} : memref<256x128xf32, #tpu.memory_space<vmem>>, vector<1x16xf32>,
          %get3A_868 = vector.shape_cast %get3A_867 : vector<1x16xf32> to vector<16xf32>
          %mul3A_869 = arith.mulf %broadcast_in_dim3A_828, %get3A_868 : vector<16xf32>
          %add3A_870 = arith.addf %broadcast_in_dim3A_822, %mul3A_869 : vector<16xf32>
          %get3A_871 = arith.index_cast %add3A_824 : i32 to index
          %get3A_872 = arith.constant 112 : index
          %get3A_873 = tpu.vector_load %arg12[%get3A_871, %get3A_872] {strides = array<i32>} : memref<256x128xf32, #tpu.memory_space<vmem>>, vector<1x16xf32>,
          %get3A_874 = vector.shape_cast %get3A_873 : vector<1x16xf32> to vector<16xf32>
          %mul3A_875 = arith.mulf %broadcast_in_dim3A_828, %get3A_874 : vector<16xf32>
          %add3A_876 = arith.addf %broadcast_in_dim3A_822, %mul3A_875 : vector<16xf32>
          %add3A_877 = arith.constant 32 : i32
          %add3A_878 = arith.addi %add3A_877, %add3A_820 : i32
          %get3A_879 = arith.index_cast %add3A_878 : i32 to index
          %get3A_880 = tpu.vector_load %arg11[%get3A_879] {strides = array<i32>} : memref<272xf32, #tpu.memory_space<vmem>>, vector<16xf32>,
          %get3A_881 = vector.shape_cast %get3A_880 : vector<16xf32> to vector<16xf32>
          %slice3A_882 = vector.extract_strided_slice %get3A_881 {offsets = [0], sizes = [1], strides = [1]} : vector<16xf32> to vector<1xf32>
          %squeeze3A_883 = vector.extract %slice3A_882[0] : f32 from vector<1xf32>
          %broadcast_in_dim3A_884 = vector.broadcast %squeeze3A_883 : f32 to vector<16xf32>
          %get3A_885 = arith.index_cast %add3A_878 : i32 to index
          %get3A_886 = arith.constant 0 : index
          %get3A_887 = tpu.vector_load %arg12[%get3A_885, %get3A_886] {strides = array<i32>} : memref<256x128xf32, #tpu.memory_space<vmem>>, vector<1x16xf32>,
          %get3A_888 = vector.shape_cast %get3A_887 : vector<1x16xf32> to vector<16xf32>
          %mul3A_889 = arith.mulf %broadcast_in_dim3A_884, %get3A_888 : vector<16xf32>
          %add3A_890 = arith.addf %add3A_834, %mul3A_889 : vector<16xf32>
          %get3A_891 = arith.index_cast %add3A_878 : i32 to index
          %get3A_892 = arith.constant 16 : index
          %get3A_893 = tpu.vector_load %arg12[%get3A_891, %get3A_892] {strides = array<i32>} : memref<256x128xf32, #tpu.memory_space<vmem>>, vector<1x16xf32>,
          %get3A_894 = vector.shape_cast %get3A_893 : vector<1x16xf32> to vector<16xf32>
          %mul3A_895 = arith.mulf %broadcast_in_dim3A_884, %get3A_894 : vector<16xf32>
          %add3A_896 = arith.addf %add3A_840, %mul3A_895 : vector<16xf32>
          %get3A_897 = arith.index_cast %add3A_878 : i32 to index
          %get3A_898 = arith.constant 32 : index
          %get3A_899 = tpu.vector_load %arg12[%get3A_897, %get3A_898] {strides = array<i32>} : memref<256x128xf32, #tpu.memory_space<vmem>>, vector<1x16xf32>,
          %get3A_900 = vector.shape_cast %get3A_899 : vector<1x16xf32> to vector<16xf32>
          %mul3A_901 = arith.mulf %broadcast_in_dim3A_884, %get3A_900 : vector<16xf32>
          %add3A_902 = arith.addf %add3A_846, %mul3A_901 : vector<16xf32>
          %get3A_903 = arith.index_cast %add3A_878 : i32 to index
          %get3A_904 = arith.constant 48 : index
          %get3A_905 = tpu.vector_load %arg12[%get3A_903, %get3A_904] {strides = array<i32>} : memref<256x128xf32, #tpu.memory_space<vmem>>, vector<1x16xf32>,
          %get3A_906 = vector.shape_cast %get3A_905 : vector<1x16xf32> to vector<16xf32>
          %mul3A_907 = arith.mulf %broadcast_in_dim3A_884, %get3A_906 : vector<16xf32>
          %add3A_908 = arith.addf %add3A_852, %mul3A_907 : vector<16xf32>
          %get3A_909 = arith.index_cast %add3A_878 : i32 to index
          %get3A_910 = arith.constant 64 : index
          %get3A_911 = tpu.vector_load %arg12[%get3A_909, %get3A_910] {strides = array<i32>} : memref<256x128xf32, #tpu.memory_space<vmem>>, vector<1x16xf32>,
          %get3A_912 = vector.shape_cast %get3A_911 : vector<1x16xf32> to vector<16xf32>
          %mul3A_913 = arith.mulf %broadcast_in_dim3A_884, %get3A_912 : vector<16xf32>
          %add3A_914 = arith.addf %add3A_858, %mul3A_913 : vector<16xf32>
          %get3A_915 = arith.index_cast %add3A_878 : i32 to index
          %get3A_916 = arith.constant 80 : index
          %get3A_917 = tpu.vector_load %arg12[%get3A_915, %get3A_916] {strides = array<i32>} : memref<256x128xf32, #tpu.memory_space<vmem>>, vector<1x16xf32>,
          %get3A_918 = vector.shape_cast %get3A_917 : vector<1x16xf32> to vector<16xf32>
          %mul3A_919 = arith.mulf %broadcast_in_dim3A_884, %get3A_918 : vector<16xf32>
          %add3A_920 = arith.addf %add3A_864, %mul3A_919 : vector<16xf32>
          %get3A_921 = arith.index_cast %add3A_878 : i32 to index
          %get3A_922 = arith.constant 96 : index
          %get3A_923 = tpu.vector_load %arg12[%get3A_921, %get3A_922] {strides = array<i32>} : memref<256x128xf32, #tpu.memory_space<vmem>>, vector<1x16xf32>,
          %get3A_924 = vector.shape_cast %get3A_923 : vector<1x16xf32> to vector<16xf32>
          %mul3A_925 = arith.mulf %broadcast_in_dim3A_884, %get3A_924 : vector<16xf32>
          %add3A_926 = arith.addf %add3A_870, %mul3A_925 : vector<16xf32>
          %get3A_927 = arith.index_cast %add3A_878 : i32 to index
          %get3A_928 = arith.constant 112 : index
          %get3A_929 = tpu.vector_load %arg12[%get3A_927, %get3A_928] {strides = array<i32>} : memref<256x128xf32, #tpu.memory_space<vmem>>, vector<1x16xf32>,
          %get3A_930 = vector.shape_cast %get3A_929 : vector<1x16xf32> to vector<16xf32>
          %mul3A_931 = arith.mulf %broadcast_in_dim3A_884, %get3A_930 : vector<16xf32>
          %add3A_932 = arith.addf %add3A_876, %mul3A_931 : vector<16xf32>
          %add3A_933 = arith.constant 64 : i32
          %add3A_934 = arith.addi %add3A_933, %add3A_820 : i32
          %get3A_935 = arith.index_cast %add3A_934 : i32 to index
          %get3A_936 = tpu.vector_load %arg11[%get3A_935] {strides = array<i32>} : memref<272xf32, #tpu.memory_space<vmem>>, vector<16xf32>,
          %get3A_937 = vector.shape_cast %get3A_936 : vector<16xf32> to vector<16xf32>
          %slice3A_938 = vector.extract_strided_slice %get3A_937 {offsets = [0], sizes = [1], strides = [1]} : vector<16xf32> to vector<1xf32>
          %squeeze3A_939 = vector.extract %slice3A_938[0] : f32 from vector<1xf32>
          %broadcast_in_dim3A_940 = vector.broadcast %squeeze3A_939 : f32 to vector<16xf32>
          %get3A_941 = arith.index_cast %add3A_934 : i32 to index
          %get3A_942 = arith.constant 0 : index
          %get3A_943 = tpu.vector_load %arg12[%get3A_941, %get3A_942] {strides = array<i32>} : memref<256x128xf32, #tpu.memory_space<vmem>>, vector<1x16xf32>,
          %get3A_944 = vector.shape_cast %get3A_943 : vector<1x16xf32> to vector<16xf32>
          %mul3A_945 = arith.mulf %broadcast_in_dim3A_940, %get3A_944 : vector<16xf32>
          %add3A_946 = arith.addf %add3A_890, %mul3A_945 : vector<16xf32>
          %get3A_947 = arith.index_cast %add3A_934 : i32 to index
          %get3A_948 = arith.constant 16 : index
          %get3A_949 = tpu.vector_load %arg12[%get3A_947, %get3A_948] {strides = array<i32>} : memref<256x128xf32, #tpu.memory_space<vmem>>, vector<1x16xf32>,
          %get3A_950 = vector.shape_cast %get3A_949 : vector<1x16xf32> to vector<16xf32>
          %mul3A_951 = arith.mulf %broadcast_in_dim3A_940, %get3A_950 : vector<16xf32>
          %add3A_952 = arith.addf %add3A_896, %mul3A_951 : vector<16xf32>
          %get3A_953 = arith.index_cast %add3A_934 : i32 to index
          %get3A_954 = arith.constant 32 : index
          %get3A_955 = tpu.vector_load %arg12[%get3A_953, %get3A_954] {strides = array<i32>} : memref<256x128xf32, #tpu.memory_space<vmem>>, vector<1x16xf32>,
          %get3A_956 = vector.shape_cast %get3A_955 : vector<1x16xf32> to vector<16xf32>
          %mul3A_957 = arith.mulf %broadcast_in_dim3A_940, %get3A_956 : vector<16xf32>
          %add3A_958 = arith.addf %add3A_902, %mul3A_957 : vector<16xf32>
          %get3A_959 = arith.index_cast %add3A_934 : i32 to index
          %get3A_960 = arith.constant 48 : index
          %get3A_961 = tpu.vector_load %arg12[%get3A_959, %get3A_960] {strides = array<i32>} : memref<256x128xf32, #tpu.memory_space<vmem>>, vector<1x16xf32>,
          %get3A_962 = vector.shape_cast %get3A_961 : vector<1x16xf32> to vector<16xf32>
          %mul3A_963 = arith.mulf %broadcast_in_dim3A_940, %get3A_962 : vector<16xf32>
          %add3A_964 = arith.addf %add3A_908, %mul3A_963 : vector<16xf32>
          %get3A_965 = arith.index_cast %add3A_934 : i32 to index
          %get3A_966 = arith.constant 64 : index
          %get3A_967 = tpu.vector_load %arg12[%get3A_965, %get3A_966] {strides = array<i32>} : memref<256x128xf32, #tpu.memory_space<vmem>>, vector<1x16xf32>,
          %get3A_968 = vector.shape_cast %get3A_967 : vector<1x16xf32> to vector<16xf32>
          %mul3A_969 = arith.mulf %broadcast_in_dim3A_940, %get3A_968 : vector<16xf32>
          %add3A_970 = arith.addf %add3A_914, %mul3A_969 : vector<16xf32>
          %get3A_971 = arith.index_cast %add3A_934 : i32 to index
          %get3A_972 = arith.constant 80 : index
          %get3A_973 = tpu.vector_load %arg12[%get3A_971, %get3A_972] {strides = array<i32>} : memref<256x128xf32, #tpu.memory_space<vmem>>, vector<1x16xf32>,
          %get3A_974 = vector.shape_cast %get3A_973 : vector<1x16xf32> to vector<16xf32>
          %mul3A_975 = arith.mulf %broadcast_in_dim3A_940, %get3A_974 : vector<16xf32>
          %add3A_976 = arith.addf %add3A_920, %mul3A_975 : vector<16xf32>
          %get3A_977 = arith.index_cast %add3A_934 : i32 to index
          %get3A_978 = arith.constant 96 : index
          %get3A_979 = tpu.vector_load %arg12[%get3A_977, %get3A_978] {strides = array<i32>} : memref<256x128xf32, #tpu.memory_space<vmem>>, vector<1x16xf32>,
          %get3A_980 = vector.shape_cast %get3A_979 : vector<1x16xf32> to vector<16xf32>
          %mul3A_981 = arith.mulf %broadcast_in_dim3A_940, %get3A_980 : vector<16xf32>
          %add3A_982 = arith.addf %add3A_926, %mul3A_981 : vector<16xf32>
          %get3A_983 = arith.index_cast %add3A_934 : i32 to index
          %get3A_984 = arith.constant 112 : index
          %get3A_985 = tpu.vector_load %arg12[%get3A_983, %get3A_984] {strides = array<i32>} : memref<256x128xf32, #tpu.memory_space<vmem>>, vector<1x16xf32>,
          %get3A_986 = vector.shape_cast %get3A_985 : vector<1x16xf32> to vector<16xf32>
          %mul3A_987 = arith.mulf %broadcast_in_dim3A_940, %get3A_986 : vector<16xf32>
          %add3A_988 = arith.addf %add3A_932, %mul3A_987 : vector<16xf32>
          %add3A_989 = arith.constant 96 : i32
          %add3A_990 = arith.addi %add3A_989, %add3A_820 : i32
          %get3A_991 = arith.index_cast %add3A_990 : i32 to index
          %get3A_992 = tpu.vector_load %arg11[%get3A_991] {strides = array<i32>} : memref<272xf32, #tpu.memory_space<vmem>>, vector<16xf32>,
          %get3A_993 = vector.shape_cast %get3A_992 : vector<16xf32> to vector<16xf32>
          %slice3A_994 = vector.extract_strided_slice %get3A_993 {offsets = [0], sizes = [1], strides = [1]} : vector<16xf32> to vector<1xf32>
          %squeeze3A_995 = vector.extract %slice3A_994[0] : f32 from vector<1xf32>
          %broadcast_in_dim3A_996 = vector.broadcast %squeeze3A_995 : f32 to vector<16xf32>
          %get3A_997 = arith.index_cast %add3A_990 : i32 to index
          %get3A_998 = arith.constant 0 : index
          %get3A_999 = tpu.vector_load %arg12[%get3A_997, %get3A_998] {strides = array<i32>} : memref<256x128xf32, #tpu.memory_space<vmem>>, vector<1x16xf32>,
          %get3A_1000 = vector.shape_cast %get3A_999 : vector<1x16xf32> to vector<16xf32>
          %mul3A_1001 = arith.mulf %broadcast_in_dim3A_996, %get3A_1000 : vector<16xf32>
          %add3A_1002 = arith.addf %add3A_946, %mul3A_1001 : vector<16xf32>
          %get3A_1003 = arith.index_cast %add3A_990 : i32 to index
          %get3A_1004 = arith.constant 16 : index
          %get3A_1005 = tpu.vector_load %arg12[%get3A_1003, %get3A_1004] {strides = array<i32>} : memref<256x128xf32, #tpu.memory_space<vmem>>, vector<1x16xf32>,
          %get3A_1006 = vector.shape_cast %get3A_1005 : vector<1x16xf32> to vector<16xf32>
          %mul3A_1007 = arith.mulf %broadcast_in_dim3A_996, %get3A_1006 : vector<16xf32>
          %add3A_1008 = arith.addf %add3A_952, %mul3A_1007 : vector<16xf32>
          %get3A_1009 = arith.index_cast %add3A_990 : i32 to index
          %get3A_1010 = arith.constant 32 : index
          %get3A_1011 = tpu.vector_load %arg12[%get3A_1009, %get3A_1010] {strides = array<i32>} : memref<256x128xf32, #tpu.memory_space<vmem>>, vector<1x16xf32>,
          %get3A_1012 = vector.shape_cast %get3A_1011 : vector<1x16xf32> to vector<16xf32>
          %mul3A_1013 = arith.mulf %broadcast_in_dim3A_996, %get3A_1012 : vector<16xf32>
          %add3A_1014 = arith.addf %add3A_958, %mul3A_1013 : vector<16xf32>
          %get3A_1015 = arith.index_cast %add3A_990 : i32 to index
          %get3A_1016 = arith.constant 48 : index
          %get3A_1017 = tpu.vector_load %arg12[%get3A_1015, %get3A_1016] {strides = array<i32>} : memref<256x128xf32, #tpu.memory_space<vmem>>, vector<1x16xf32>,
          %get3A_1018 = vector.shape_cast %get3A_1017 : vector<1x16xf32> to vector<16xf32>
          %mul3A_1019 = arith.mulf %broadcast_in_dim3A_996, %get3A_1018 : vector<16xf32>
          %add3A_1020 = arith.addf %add3A_964, %mul3A_1019 : vector<16xf32>
          %get3A_1021 = arith.index_cast %add3A_990 : i32 to index
          %get3A_1022 = arith.constant 64 : index
          %get3A_1023 = tpu.vector_load %arg12[%get3A_1021, %get3A_1022] {strides = array<i32>} : memref<256x128xf32, #tpu.memory_space<vmem>>, vector<1x16xf32>,
          %get3A_1024 = vector.shape_cast %get3A_1023 : vector<1x16xf32> to vector<16xf32>
          %mul3A_1025 = arith.mulf %broadcast_in_dim3A_996, %get3A_1024 : vector<16xf32>
          %add3A_1026 = arith.addf %add3A_970, %mul3A_1025 : vector<16xf32>
          %get3A_1027 = arith.index_cast %add3A_990 : i32 to index
          %get3A_1028 = arith.constant 80 : index
          %get3A_1029 = tpu.vector_load %arg12[%get3A_1027, %get3A_1028] {strides = array<i32>} : memref<256x128xf32, #tpu.memory_space<vmem>>, vector<1x16xf32>,
          %get3A_1030 = vector.shape_cast %get3A_1029 : vector<1x16xf32> to vector<16xf32>
          %mul3A_1031 = arith.mulf %broadcast_in_dim3A_996, %get3A_1030 : vector<16xf32>
          %add3A_1032 = arith.addf %add3A_976, %mul3A_1031 : vector<16xf32>
          %get3A_1033 = arith.index_cast %add3A_990 : i32 to index
          %get3A_1034 = arith.constant 96 : index
          %get3A_1035 = tpu.vector_load %arg12[%get3A_1033, %get3A_1034] {strides = array<i32>} : memref<256x128xf32, #tpu.memory_space<vmem>>, vector<1x16xf32>,
          %get3A_1036 = vector.shape_cast %get3A_1035 : vector<1x16xf32> to vector<16xf32>
          %mul3A_1037 = arith.mulf %broadcast_in_dim3A_996, %get3A_1036 : vector<16xf32>
          %add3A_1038 = arith.addf %add3A_982, %mul3A_1037 : vector<16xf32>
          %get3A_1039 = arith.index_cast %add3A_990 : i32 to index
          %get3A_1040 = arith.constant 112 : index
          %get3A_1041 = tpu.vector_load %arg12[%get3A_1039, %get3A_1040] {strides = array<i32>} : memref<256x128xf32, #tpu.memory_space<vmem>>, vector<1x16xf32>,
          %get3A_1042 = vector.shape_cast %get3A_1041 : vector<1x16xf32> to vector<16xf32>
          %mul3A_1043 = arith.mulf %broadcast_in_dim3A_996, %get3A_1042 : vector<16xf32>
          %add3A_1044 = arith.addf %add3A_988, %mul3A_1043 : vector<16xf32>
          %add3A_1045 = arith.constant 128 : i32
          %add3A_1046 = arith.addi %add3A_1045, %add3A_820 : i32
          %get3A_1047 = arith.index_cast %add3A_1046 : i32 to index
          %get3A_1048 = tpu.vector_load %arg11[%get3A_1047] {strides = array<i32>} : memref<272xf32, #tpu.memory_space<vmem>>, vector<16xf32>,
          %get3A_1049 = vector.shape_cast %get3A_1048 : vector<16xf32> to vector<16xf32>
          %slice3A_1050 = vector.extract_strided_slice %get3A_1049 {offsets = [0], sizes = [1], strides = [1]} : vector<16xf32> to vector<1xf32>
          %squeeze3A_1051 = vector.extract %slice3A_1050[0] : f32 from vector<1xf32>
          %broadcast_in_dim3A_1052 = vector.broadcast %squeeze3A_1051 : f32 to vector<16xf32>
          %get3A_1053 = arith.index_cast %add3A_1046 : i32 to index
          %get3A_1054 = arith.constant 0 : index
          %get3A_1055 = tpu.vector_load %arg12[%get3A_1053, %get3A_1054] {strides = array<i32>} : memref<256x128xf32, #tpu.memory_space<vmem>>, vector<1x16xf32>,
          %get3A_1056 = vector.shape_cast %get3A_1055 : vector<1x16xf32> to vector<16xf32>
          %mul3A_1057 = arith.mulf %broadcast_in_dim3A_1052, %get3A_1056 : vector<16xf32>
          %add3A_1058 = arith.addf %add3A_1002, %mul3A_1057 : vector<16xf32>
          %get3A_1059 = arith.index_cast %add3A_1046 : i32 to index
          %get3A_1060 = arith.constant 16 : index
          %get3A_1061 = tpu.vector_load %arg12[%get3A_1059, %get3A_1060] {strides = array<i32>} : memref<256x128xf32, #tpu.memory_space<vmem>>, vector<1x16xf32>,
          %get3A_1062 = vector.shape_cast %get3A_1061 : vector<1x16xf32> to vector<16xf32>
          %mul3A_1063 = arith.mulf %broadcast_in_dim3A_1052, %get3A_1062 : vector<16xf32>
          %add3A_1064 = arith.addf %add3A_1008, %mul3A_1063 : vector<16xf32>
          %get3A_1065 = arith.index_cast %add3A_1046 : i32 to index
          %get3A_1066 = arith.constant 32 : index
          %get3A_1067 = tpu.vector_load %arg12[%get3A_1065, %get3A_1066] {strides = array<i32>} : memref<256x128xf32, #tpu.memory_space<vmem>>, vector<1x16xf32>,
          %get3A_1068 = vector.shape_cast %get3A_1067 : vector<1x16xf32> to vector<16xf32>
          %mul3A_1069 = arith.mulf %broadcast_in_dim3A_1052, %get3A_1068 : vector<16xf32>
          %add3A_1070 = arith.addf %add3A_1014, %mul3A_1069 : vector<16xf32>
          %get3A_1071 = arith.index_cast %add3A_1046 : i32 to index
          %get3A_1072 = arith.constant 48 : index
          %get3A_1073 = tpu.vector_load %arg12[%get3A_1071, %get3A_1072] {strides = array<i32>} : memref<256x128xf32, #tpu.memory_space<vmem>>, vector<1x16xf32>,
          %get3A_1074 = vector.shape_cast %get3A_1073 : vector<1x16xf32> to vector<16xf32>
          %mul3A_1075 = arith.mulf %broadcast_in_dim3A_1052, %get3A_1074 : vector<16xf32>
          %add3A_1076 = arith.addf %add3A_1020, %mul3A_1075 : vector<16xf32>
          %get3A_1077 = arith.index_cast %add3A_1046 : i32 to index
          %get3A_1078 = arith.constant 64 : index
          %get3A_1079 = tpu.vector_load %arg12[%get3A_1077, %get3A_1078] {strides = array<i32>} : memref<256x128xf32, #tpu.memory_space<vmem>>, vector<1x16xf32>,
          %get3A_1080 = vector.shape_cast %get3A_1079 : vector<1x16xf32> to vector<16xf32>
          %mul3A_1081 = arith.mulf %broadcast_in_dim3A_1052, %get3A_1080 : vector<16xf32>
          %add3A_1082 = arith.addf %add3A_1026, %mul3A_1081 : vector<16xf32>
          %get3A_1083 = arith.index_cast %add3A_1046 : i32 to index
          %get3A_1084 = arith.constant 80 : index
          %get3A_1085 = tpu.vector_load %arg12[%get3A_1083, %get3A_1084] {strides = array<i32>} : memref<256x128xf32, #tpu.memory_space<vmem>>, vector<1x16xf32>,
          %get3A_1086 = vector.shape_cast %get3A_1085 : vector<1x16xf32> to vector<16xf32>
          %mul3A_1087 = arith.mulf %broadcast_in_dim3A_1052, %get3A_1086 : vector<16xf32>
          %add3A_1088 = arith.addf %add3A_1032, %mul3A_1087 : vector<16xf32>
          %get3A_1089 = arith.index_cast %add3A_1046 : i32 to index
          %get3A_1090 = arith.constant 96 : index
          %get3A_1091 = tpu.vector_load %arg12[%get3A_1089, %get3A_1090] {strides = array<i32>} : memref<256x128xf32, #tpu.memory_space<vmem>>, vector<1x16xf32>,
          %get3A_1092 = vector.shape_cast %get3A_1091 : vector<1x16xf32> to vector<16xf32>
          %mul3A_1093 = arith.mulf %broadcast_in_dim3A_1052, %get3A_1092 : vector<16xf32>
          %add3A_1094 = arith.addf %add3A_1038, %mul3A_1093 : vector<16xf32>
          %get3A_1095 = arith.index_cast %add3A_1046 : i32 to index
          %get3A_1096 = arith.constant 112 : index
          %get3A_1097 = tpu.vector_load %arg12[%get3A_1095, %get3A_1096] {strides = array<i32>} : memref<256x128xf32, #tpu.memory_space<vmem>>, vector<1x16xf32>,
          %get3A_1098 = vector.shape_cast %get3A_1097 : vector<1x16xf32> to vector<16xf32>
          %mul3A_1099 = arith.mulf %broadcast_in_dim3A_1052, %get3A_1098 : vector<16xf32>
          %add3A_1100 = arith.addf %add3A_1044, %mul3A_1099 : vector<16xf32>
          %add3A_1101 = arith.constant 160 : i32
          %add3A_1102 = arith.addi %add3A_1101, %add3A_820 : i32
          %get3A_1103 = arith.index_cast %add3A_1102 : i32 to index
          %get3A_1104 = tpu.vector_load %arg11[%get3A_1103] {strides = array<i32>} : memref<272xf32, #tpu.memory_space<vmem>>, vector<16xf32>,
          %get3A_1105 = vector.shape_cast %get3A_1104 : vector<16xf32> to vector<16xf32>
          %slice3A_1106 = vector.extract_strided_slice %get3A_1105 {offsets = [0], sizes = [1], strides = [1]} : vector<16xf32> to vector<1xf32>
          %squeeze3A_1107 = vector.extract %slice3A_1106[0] : f32 from vector<1xf32>
          %broadcast_in_dim3A_1108 = vector.broadcast %squeeze3A_1107 : f32 to vector<16xf32>
          %get3A_1109 = arith.index_cast %add3A_1102 : i32 to index
          %get3A_1110 = arith.constant 0 : index
          %get3A_1111 = tpu.vector_load %arg12[%get3A_1109, %get3A_1110] {strides = array<i32>} : memref<256x128xf32, #tpu.memory_space<vmem>>, vector<1x16xf32>,
          %get3A_1112 = vector.shape_cast %get3A_1111 : vector<1x16xf32> to vector<16xf32>
          %mul3A_1113 = arith.mulf %broadcast_in_dim3A_1108, %get3A_1112 : vector<16xf32>
          %add3A_1114 = arith.addf %add3A_1058, %mul3A_1113 : vector<16xf32>
          %get3A_1115 = arith.index_cast %add3A_1102 : i32 to index
          %get3A_1116 = arith.constant 16 : index
          %get3A_1117 = tpu.vector_load %arg12[%get3A_1115, %get3A_1116] {strides = array<i32>} : memref<256x128xf32, #tpu.memory_space<vmem>>, vector<1x16xf32>,
          %get3A_1118 = vector.shape_cast %get3A_1117 : vector<1x16xf32> to vector<16xf32>
          %mul3A_1119 = arith.mulf %broadcast_in_dim3A_1108, %get3A_1118 : vector<16xf32>
          %add3A_1120 = arith.addf %add3A_1064, %mul3A_1119 : vector<16xf32>
          %get3A_1121 = arith.index_cast %add3A_1102 : i32 to index
          %get3A_1122 = arith.constant 32 : index
          %get3A_1123 = tpu.vector_load %arg12[%get3A_1121, %get3A_1122] {strides = array<i32>} : memref<256x128xf32, #tpu.memory_space<vmem>>, vector<1x16xf32>,
          %get3A_1124 = vector.shape_cast %get3A_1123 : vector<1x16xf32> to vector<16xf32>
          %mul3A_1125 = arith.mulf %broadcast_in_dim3A_1108, %get3A_1124 : vector<16xf32>
          %add3A_1126 = arith.addf %add3A_1070, %mul3A_1125 : vector<16xf32>
          %get3A_1127 = arith.index_cast %add3A_1102 : i32 to index
          %get3A_1128 = arith.constant 48 : index
          %get3A_1129 = tpu.vector_load %arg12[%get3A_1127, %get3A_1128] {strides = array<i32>} : memref<256x128xf32, #tpu.memory_space<vmem>>, vector<1x16xf32>,
          %get3A_1130 = vector.shape_cast %get3A_1129 : vector<1x16xf32> to vector<16xf32>
          %mul3A_1131 = arith.mulf %broadcast_in_dim3A_1108, %get3A_1130 : vector<16xf32>
          %add3A_1132 = arith.addf %add3A_1076, %mul3A_1131 : vector<16xf32>
          %get3A_1133 = arith.index_cast %add3A_1102 : i32 to index
          %get3A_1134 = arith.constant 64 : index
          %get3A_1135 = tpu.vector_load %arg12[%get3A_1133, %get3A_1134] {strides = array<i32>} : memref<256x128xf32, #tpu.memory_space<vmem>>, vector<1x16xf32>,
          %get3A_1136 = vector.shape_cast %get3A_1135 : vector<1x16xf32> to vector<16xf32>
          %mul3A_1137 = arith.mulf %broadcast_in_dim3A_1108, %get3A_1136 : vector<16xf32>
          %add3A_1138 = arith.addf %add3A_1082, %mul3A_1137 : vector<16xf32>
          %get3A_1139 = arith.index_cast %add3A_1102 : i32 to index
          %get3A_1140 = arith.constant 80 : index
          %get3A_1141 = tpu.vector_load %arg12[%get3A_1139, %get3A_1140] {strides = array<i32>} : memref<256x128xf32, #tpu.memory_space<vmem>>, vector<1x16xf32>,
          %get3A_1142 = vector.shape_cast %get3A_1141 : vector<1x16xf32> to vector<16xf32>
          %mul3A_1143 = arith.mulf %broadcast_in_dim3A_1108, %get3A_1142 : vector<16xf32>
          %add3A_1144 = arith.addf %add3A_1088, %mul3A_1143 : vector<16xf32>
          %get3A_1145 = arith.index_cast %add3A_1102 : i32 to index
          %get3A_1146 = arith.constant 96 : index
          %get3A_1147 = tpu.vector_load %arg12[%get3A_1145, %get3A_1146] {strides = array<i32>} : memref<256x128xf32, #tpu.memory_space<vmem>>, vector<1x16xf32>,
          %get3A_1148 = vector.shape_cast %get3A_1147 : vector<1x16xf32> to vector<16xf32>
          %mul3A_1149 = arith.mulf %broadcast_in_dim3A_1108, %get3A_1148 : vector<16xf32>
          %add3A_1150 = arith.addf %add3A_1094, %mul3A_1149 : vector<16xf32>
          %get3A_1151 = arith.index_cast %add3A_1102 : i32 to index
          %get3A_1152 = arith.constant 112 : index
          %get3A_1153 = tpu.vector_load %arg12[%get3A_1151, %get3A_1152] {strides = array<i32>} : memref<256x128xf32, #tpu.memory_space<vmem>>, vector<1x16xf32>,
          %get3A_1154 = vector.shape_cast %get3A_1153 : vector<1x16xf32> to vector<16xf32>
          %mul3A_1155 = arith.mulf %broadcast_in_dim3A_1108, %get3A_1154 : vector<16xf32>
          %add3A_1156 = arith.addf %add3A_1100, %mul3A_1155 : vector<16xf32>
          %add3A_1157 = arith.constant 192 : i32
          %add3A_1158 = arith.addi %add3A_1157, %add3A_820 : i32
          %get3A_1159 = arith.index_cast %add3A_1158 : i32 to index
          %get3A_1160 = tpu.vector_load %arg11[%get3A_1159] {strides = array<i32>} : memref<272xf32, #tpu.memory_space<vmem>>, vector<16xf32>,
          %get3A_1161 = vector.shape_cast %get3A_1160 : vector<16xf32> to vector<16xf32>
          %slice3A_1162 = vector.extract_strided_slice %get3A_1161 {offsets = [0], sizes = [1], strides = [1]} : vector<16xf32> to vector<1xf32>
          %squeeze3A_1163 = vector.extract %slice3A_1162[0] : f32 from vector<1xf32>
          %broadcast_in_dim3A_1164 = vector.broadcast %squeeze3A_1163 : f32 to vector<16xf32>
          %get3A_1165 = arith.index_cast %add3A_1158 : i32 to index
          %get3A_1166 = arith.constant 0 : index
          %get3A_1167 = tpu.vector_load %arg12[%get3A_1165, %get3A_1166] {strides = array<i32>} : memref<256x128xf32, #tpu.memory_space<vmem>>, vector<1x16xf32>,
          %get3A_1168 = vector.shape_cast %get3A_1167 : vector<1x16xf32> to vector<16xf32>
          %mul3A_1169 = arith.mulf %broadcast_in_dim3A_1164, %get3A_1168 : vector<16xf32>
          %add3A_1170 = arith.addf %add3A_1114, %mul3A_1169 : vector<16xf32>
          %get3A_1171 = arith.index_cast %add3A_1158 : i32 to index
          %get3A_1172 = arith.constant 16 : index
          %get3A_1173 = tpu.vector_load %arg12[%get3A_1171, %get3A_1172] {strides = array<i32>} : memref<256x128xf32, #tpu.memory_space<vmem>>, vector<1x16xf32>,
          %get3A_1174 = vector.shape_cast %get3A_1173 : vector<1x16xf32> to vector<16xf32>
          %mul3A_1175 = arith.mulf %broadcast_in_dim3A_1164, %get3A_1174 : vector<16xf32>
          %add3A_1176 = arith.addf %add3A_1120, %mul3A_1175 : vector<16xf32>
          %get3A_1177 = arith.index_cast %add3A_1158 : i32 to index
          %get3A_1178 = arith.constant 32 : index
          %get3A_1179 = tpu.vector_load %arg12[%get3A_1177, %get3A_1178] {strides = array<i32>} : memref<256x128xf32, #tpu.memory_space<vmem>>, vector<1x16xf32>,
          %get3A_1180 = vector.shape_cast %get3A_1179 : vector<1x16xf32> to vector<16xf32>
          %mul3A_1181 = arith.mulf %broadcast_in_dim3A_1164, %get3A_1180 : vector<16xf32>
          %add3A_1182 = arith.addf %add3A_1126, %mul3A_1181 : vector<16xf32>
          %get3A_1183 = arith.index_cast %add3A_1158 : i32 to index
          %get3A_1184 = arith.constant 48 : index
          %get3A_1185 = tpu.vector_load %arg12[%get3A_1183, %get3A_1184] {strides = array<i32>} : memref<256x128xf32, #tpu.memory_space<vmem>>, vector<1x16xf32>,
          %get3A_1186 = vector.shape_cast %get3A_1185 : vector<1x16xf32> to vector<16xf32>
          %mul3A_1187 = arith.mulf %broadcast_in_dim3A_1164, %get3A_1186 : vector<16xf32>
          %add3A_1188 = arith.addf %add3A_1132, %mul3A_1187 : vector<16xf32>
          %get3A_1189 = arith.index_cast %add3A_1158 : i32 to index
          %get3A_1190 = arith.constant 64 : index
          %get3A_1191 = tpu.vector_load %arg12[%get3A_1189, %get3A_1190] {strides = array<i32>} : memref<256x128xf32, #tpu.memory_space<vmem>>, vector<1x16xf32>,
          %get3A_1192 = vector.shape_cast %get3A_1191 : vector<1x16xf32> to vector<16xf32>
          %mul3A_1193 = arith.mulf %broadcast_in_dim3A_1164, %get3A_1192 : vector<16xf32>
          %add3A_1194 = arith.addf %add3A_1138, %mul3A_1193 : vector<16xf32>
          %get3A_1195 = arith.index_cast %add3A_1158 : i32 to index
          %get3A_1196 = arith.constant 80 : index
          %get3A_1197 = tpu.vector_load %arg12[%get3A_1195, %get3A_1196] {strides = array<i32>} : memref<256x128xf32, #tpu.memory_space<vmem>>, vector<1x16xf32>,
          %get3A_1198 = vector.shape_cast %get3A_1197 : vector<1x16xf32> to vector<16xf32>
          %mul3A_1199 = arith.mulf %broadcast_in_dim3A_1164, %get3A_1198 : vector<16xf32>
          %add3A_1200 = arith.addf %add3A_1144, %mul3A_1199 : vector<16xf32>
          %get3A_1201 = arith.index_cast %add3A_1158 : i32 to index
          %get3A_1202 = arith.constant 96 : index
          %get3A_1203 = tpu.vector_load %arg12[%get3A_1201, %get3A_1202] {strides = array<i32>} : memref<256x128xf32, #tpu.memory_space<vmem>>, vector<1x16xf32>,
          %get3A_1204 = vector.shape_cast %get3A_1203 : vector<1x16xf32> to vector<16xf32>
          %mul3A_1205 = arith.mulf %broadcast_in_dim3A_1164, %get3A_1204 : vector<16xf32>
          %add3A_1206 = arith.addf %add3A_1150, %mul3A_1205 : vector<16xf32>
          %get3A_1207 = arith.index_cast %add3A_1158 : i32 to index
          %get3A_1208 = arith.constant 112 : index
          %get3A_1209 = tpu.vector_load %arg12[%get3A_1207, %get3A_1208] {strides = array<i32>} : memref<256x128xf32, #tpu.memory_space<vmem>>, vector<1x16xf32>,
          %get3A_1210 = vector.shape_cast %get3A_1209 : vector<1x16xf32> to vector<16xf32>
          %mul3A_1211 = arith.mulf %broadcast_in_dim3A_1164, %get3A_1210 : vector<16xf32>
          %add3A_1212 = arith.addf %add3A_1156, %mul3A_1211 : vector<16xf32>
          %add3A_1213 = arith.constant 224 : i32
          %add3A_1214 = arith.addi %add3A_1213, %add3A_820 : i32
          %get3A_1215 = arith.index_cast %add3A_1214 : i32 to index
          %get3A_1216 = tpu.vector_load %arg11[%get3A_1215] {strides = array<i32>} : memref<272xf32, #tpu.memory_space<vmem>>, vector<16xf32>,
          %get3A_1217 = vector.shape_cast %get3A_1216 : vector<16xf32> to vector<16xf32>
          %slice3A_1218 = vector.extract_strided_slice %get3A_1217 {offsets = [0], sizes = [1], strides = [1]} : vector<16xf32> to vector<1xf32>
          %squeeze3A_1219 = vector.extract %slice3A_1218[0] : f32 from vector<1xf32>
          %broadcast_in_dim3A_1220 = vector.broadcast %squeeze3A_1219 : f32 to vector<16xf32>
          %get3A_1221 = arith.index_cast %add3A_1214 : i32 to index
          %get3A_1222 = arith.constant 0 : index
          %get3A_1223 = tpu.vector_load %arg12[%get3A_1221, %get3A_1222] {strides = array<i32>} : memref<256x128xf32, #tpu.memory_space<vmem>>, vector<1x16xf32>,
          %get3A_1224 = vector.shape_cast %get3A_1223 : vector<1x16xf32> to vector<16xf32>
          %mul3A_1225 = arith.mulf %broadcast_in_dim3A_1220, %get3A_1224 : vector<16xf32>
          %add3A_1226 = arith.addf %add3A_1170, %mul3A_1225 : vector<16xf32>
          %get3A_1227 = arith.index_cast %add3A_1214 : i32 to index
          %get3A_1228 = arith.constant 16 : index
          %get3A_1229 = tpu.vector_load %arg12[%get3A_1227, %get3A_1228] {strides = array<i32>} : memref<256x128xf32, #tpu.memory_space<vmem>>, vector<1x16xf32>,
          %get3A_1230 = vector.shape_cast %get3A_1229 : vector<1x16xf32> to vector<16xf32>
          %mul3A_1231 = arith.mulf %broadcast_in_dim3A_1220, %get3A_1230 : vector<16xf32>
          %add3A_1232 = arith.addf %add3A_1176, %mul3A_1231 : vector<16xf32>
          %get3A_1233 = arith.index_cast %add3A_1214 : i32 to index
          %get3A_1234 = arith.constant 32 : index
          %get3A_1235 = tpu.vector_load %arg12[%get3A_1233, %get3A_1234] {strides = array<i32>} : memref<256x128xf32, #tpu.memory_space<vmem>>, vector<1x16xf32>,
          %get3A_1236 = vector.shape_cast %get3A_1235 : vector<1x16xf32> to vector<16xf32>
          %mul3A_1237 = arith.mulf %broadcast_in_dim3A_1220, %get3A_1236 : vector<16xf32>
          %add3A_1238 = arith.addf %add3A_1182, %mul3A_1237 : vector<16xf32>
          %get3A_1239 = arith.index_cast %add3A_1214 : i32 to index
          %get3A_1240 = arith.constant 48 : index
          %get3A_1241 = tpu.vector_load %arg12[%get3A_1239, %get3A_1240] {strides = array<i32>} : memref<256x128xf32, #tpu.memory_space<vmem>>, vector<1x16xf32>,
          %get3A_1242 = vector.shape_cast %get3A_1241 : vector<1x16xf32> to vector<16xf32>
          %mul3A_1243 = arith.mulf %broadcast_in_dim3A_1220, %get3A_1242 : vector<16xf32>
          %add3A_1244 = arith.addf %add3A_1188, %mul3A_1243 : vector<16xf32>
          %get3A_1245 = arith.index_cast %add3A_1214 : i32 to index
          %get3A_1246 = arith.constant 64 : index
          %get3A_1247 = tpu.vector_load %arg12[%get3A_1245, %get3A_1246] {strides = array<i32>} : memref<256x128xf32, #tpu.memory_space<vmem>>, vector<1x16xf32>,
          %get3A_1248 = vector.shape_cast %get3A_1247 : vector<1x16xf32> to vector<16xf32>
          %mul3A_1249 = arith.mulf %broadcast_in_dim3A_1220, %get3A_1248 : vector<16xf32>
          %add3A_1250 = arith.addf %add3A_1194, %mul3A_1249 : vector<16xf32>
          %get3A_1251 = arith.index_cast %add3A_1214 : i32 to index
          %get3A_1252 = arith.constant 80 : index
          %get3A_1253 = tpu.vector_load %arg12[%get3A_1251, %get3A_1252] {strides = array<i32>} : memref<256x128xf32, #tpu.memory_space<vmem>>, vector<1x16xf32>,
          %get3A_1254 = vector.shape_cast %get3A_1253 : vector<1x16xf32> to vector<16xf32>
          %mul3A_1255 = arith.mulf %broadcast_in_dim3A_1220, %get3A_1254 : vector<16xf32>
          %add3A_1256 = arith.addf %add3A_1200, %mul3A_1255 : vector<16xf32>
          %get3A_1257 = arith.index_cast %add3A_1214 : i32 to index
          %get3A_1258 = arith.constant 96 : index
          %get3A_1259 = tpu.vector_load %arg12[%get3A_1257, %get3A_1258] {strides = array<i32>} : memref<256x128xf32, #tpu.memory_space<vmem>>, vector<1x16xf32>,
          %get3A_1260 = vector.shape_cast %get3A_1259 : vector<1x16xf32> to vector<16xf32>
          %mul3A_1261 = arith.mulf %broadcast_in_dim3A_1220, %get3A_1260 : vector<16xf32>
          %add3A_1262 = arith.addf %add3A_1206, %mul3A_1261 : vector<16xf32>
          %get3A_1263 = arith.index_cast %add3A_1214 : i32 to index
          %get3A_1264 = arith.constant 112 : index
          %get3A_1265 = tpu.vector_load %arg12[%get3A_1263, %get3A_1264] {strides = array<i32>} : memref<256x128xf32, #tpu.memory_space<vmem>>, vector<1x16xf32>,
          %get3A_1266 = vector.shape_cast %get3A_1265 : vector<1x16xf32> to vector<16xf32>
          %mul3A_1267 = arith.mulf %broadcast_in_dim3A_1220, %get3A_1266 : vector<16xf32>
          %add3A_1268 = arith.addf %add3A_1212, %mul3A_1267 : vector<16xf32>
          %swap3A_1269 = arith.index_cast %add3A_820 : i32 to index
          %swap3A_1270 = arith.constant 0 : index
          %swap3A_1271 = tpu.vector_load %arg13[%swap3A_1269, %swap3A_1270] {strides = array<i32>} : memref<32x128xf32, #tpu.memory_space<vmem>>, vector<1x16xf32>,
          %swap3A_1272 = vector.shape_cast %swap3A_1271 : vector<1x16xf32> to vector<16xf32>
          %swap3A_1273 = vector.shape_cast %add3A_1226 : vector<16xf32> to vector<1x16xf32>
          tpu.vector_store %arg13[%swap3A_1269, %swap3A_1270], %swap3A_1273 {strides = array<i32>} : memref<32x128xf32, #tpu.memory_space<vmem>>, vector<1x16xf32>,
          %swap3A_1274 = arith.index_cast %add3A_820 : i32 to index
          %swap3A_1275 = arith.constant 16 : index
          %swap3A_1276 = tpu.vector_load %arg13[%swap3A_1274, %swap3A_1275] {strides = array<i32>} : memref<32x128xf32, #tpu.memory_space<vmem>>, vector<1x16xf32>,
          %swap3A_1277 = vector.shape_cast %swap3A_1276 : vector<1x16xf32> to vector<16xf32>
          %swap3A_1278 = vector.shape_cast %add3A_1232 : vector<16xf32> to vector<1x16xf32>
          tpu.vector_store %arg13[%swap3A_1274, %swap3A_1275], %swap3A_1278 {strides = array<i32>} : memref<32x128xf32, #tpu.memory_space<vmem>>, vector<1x16xf32>,
          %swap3A_1279 = arith.index_cast %add3A_820 : i32 to index
          %swap3A_1280 = arith.constant 32 : index
          %swap3A_1281 = tpu.vector_load %arg13[%swap3A_1279, %swap3A_1280] {strides = array<i32>} : memref<32x128xf32, #tpu.memory_space<vmem>>, vector<1x16xf32>,
          %swap3A_1282 = vector.shape_cast %swap3A_1281 : vector<1x16xf32> to vector<16xf32>
          %swap3A_1283 = vector.shape_cast %add3A_1238 : vector<16xf32> to vector<1x16xf32>
          tpu.vector_store %arg13[%swap3A_1279, %swap3A_1280], %swap3A_1283 {strides = array<i32>} : memref<32x128xf32, #tpu.memory_space<vmem>>, vector<1x16xf32>,
          %swap3A_1284 = arith.index_cast %add3A_820 : i32 to index
          %swap3A_1285 = arith.constant 48 : index
          %swap3A_1286 = tpu.vector_load %arg13[%swap3A_1284, %swap3A_1285] {strides = array<i32>} : memref<32x128xf32, #tpu.memory_space<vmem>>, vector<1x16xf32>,
          %swap3A_1287 = vector.shape_cast %swap3A_1286 : vector<1x16xf32> to vector<16xf32>
          %swap3A_1288 = vector.shape_cast %add3A_1244 : vector<16xf32> to vector<1x16xf32>
          tpu.vector_store %arg13[%swap3A_1284, %swap3A_1285], %swap3A_1288 {strides = array<i32>} : memref<32x128xf32, #tpu.memory_space<vmem>>, vector<1x16xf32>,
          %swap3A_1289 = arith.index_cast %add3A_820 : i32 to index
          %swap3A_1290 = arith.constant 64 : index
          %swap3A_1291 = tpu.vector_load %arg13[%swap3A_1289, %swap3A_1290] {strides = array<i32>} : memref<32x128xf32, #tpu.memory_space<vmem>>, vector<1x16xf32>,
          %swap3A_1292 = vector.shape_cast %swap3A_1291 : vector<1x16xf32> to vector<16xf32>
          %swap3A_1293 = vector.shape_cast %add3A_1250 : vector<16xf32> to vector<1x16xf32>
          tpu.vector_store %arg13[%swap3A_1289, %swap3A_1290], %swap3A_1293 {strides = array<i32>} : memref<32x128xf32, #tpu.memory_space<vmem>>, vector<1x16xf32>,
          %swap3A_1294 = arith.index_cast %add3A_820 : i32 to index
          %swap3A_1295 = arith.constant 80 : index
          %swap3A_1296 = tpu.vector_load %arg13[%swap3A_1294, %swap3A_1295] {strides = array<i32>} : memref<32x128xf32, #tpu.memory_space<vmem>>, vector<1x16xf32>,
          %swap3A_1297 = vector.shape_cast %swap3A_1296 : vector<1x16xf32> to vector<16xf32>
          %swap3A_1298 = vector.shape_cast %add3A_1256 : vector<16xf32> to vector<1x16xf32>
          tpu.vector_store %arg13[%swap3A_1294, %swap3A_1295], %swap3A_1298 {strides = array<i32>} : memref<32x128xf32, #tpu.memory_space<vmem>>, vector<1x16xf32>,
          %swap3A_1299 = arith.index_cast %add3A_820 : i32 to index
          %swap3A_1300 = arith.constant 96 : index
          %swap3A_1301 = tpu.vector_load %arg13[%swap3A_1299, %swap3A_1300] {strides = array<i32>} : memref<32x128xf32, #tpu.memory_space<vmem>>, vector<1x16xf32>,
          %swap3A_1302 = vector.shape_cast %swap3A_1301 : vector<1x16xf32> to vector<16xf32>
          %swap3A_1303 = vector.shape_cast %add3A_1262 : vector<16xf32> to vector<1x16xf32>
          tpu.vector_store %arg13[%swap3A_1299, %swap3A_1300], %swap3A_1303 {strides = array<i32>} : memref<32x128xf32, #tpu.memory_space<vmem>>, vector<1x16xf32>,
          %swap3A_1304 = arith.index_cast %add3A_820 : i32 to index
          %swap3A_1305 = arith.constant 112 : index
          %swap3A_1306 = tpu.vector_load %arg13[%swap3A_1304, %swap3A_1305] {strides = array<i32>} : memref<32x128xf32, #tpu.memory_space<vmem>>, vector<1x16xf32>,
          %swap3A_1307 = vector.shape_cast %swap3A_1306 : vector<1x16xf32> to vector<16xf32>
          %swap3A_1308 = vector.shape_cast %add3A_1268 : vector<16xf32> to vector<1x16xf32>
          tpu.vector_store %arg13[%swap3A_1304, %swap3A_1305], %swap3A_1308 {strides = array<i32>} : memref<32x128xf32, #tpu.memory_space<vmem>>, vector<1x16xf32>,
        }
        %scan3A_814 = arith.constant 32 : i32
        %run_scoped3A_815 = arith.constant 1 : i32
        "tpu.region"() ({
          %run_scoped3A_816 = tpu.sem_alloc : memref<!tpu.dma_semaphore, #tpu.memory_space<semaphore_mem>>
          %dma_start3A_817 = arith.constant 0 : i32
          %dma_start3A_818 = tpu.memref_slice %arg6[%run_scoped3A_815, %mul3A_21, %dma_start3A_817] : memref<2x100000x128xf32, #tpu.memory_space<hbm>> -> memref<1x32x128xf32, #tpu.memory_space<hbm>>
          %dma_start3A_819 = tpu.memref_squeeze %dma_start3A_818 : memref<1x32x128xf32, #tpu.memory_space<hbm>> -> memref<32x128xf32, #tpu.memory_space<hbm>>
          %dma_start3A_820 = arith.constant 0 : i32
          %dma_start3A_821 = tpu.memref_slice %arg6[%run_scoped3A_815, %mul3A_21, %dma_start3A_820] : memref<2x100000x128xf32, #tpu.memory_space<hbm>> -> memref<1x32x128xf32, #tpu.memory_space<hbm>>
          %dma_start3A_822 = tpu.memref_squeeze %dma_start3A_821 : memref<1x32x128xf32, #tpu.memory_space<hbm>> -> memref<32x128xf32, #tpu.memory_space<hbm>>
          tpu.enqueue_dma source(%arg13 : memref<32x128xf32, #tpu.memory_space<vmem>>) target(%dma_start3A_822 : memref<32x128xf32, #tpu.memory_space<hbm>>) target_semaphore(%run_scoped3A_816 : memref<!tpu.dma_semaphore, #tpu.memory_space<semaphore_mem>>)
          %dma_wait3A_823 = arith.constant 0 : i32
          %dma_wait3A_824 = tpu.memref_slice %arg6[%run_scoped3A_815, %mul3A_21, %dma_wait3A_823] : memref<2x100000x128xf32, #tpu.memory_space<hbm>> -> memref<1x32x128xf32, #tpu.memory_space<hbm>>
          %dma_wait3A_825 = tpu.memref_squeeze %dma_wait3A_824 : memref<1x32x128xf32, #tpu.memory_space<hbm>> -> memref<32x128xf32, #tpu.memory_space<hbm>>
          %dma_wait3A_826 = arith.constant 0 : i32
          %dma_wait3A_827 = tpu.memref_slice %arg6[%run_scoped3A_815, %mul3A_21, %dma_wait3A_826] : memref<2x100000x128xf32, #tpu.memory_space<hbm>> -> memref<1x32x128xf32, #tpu.memory_space<hbm>>
          %dma_wait3A_828 = tpu.memref_squeeze %dma_wait3A_827 : memref<1x32x128xf32, #tpu.memory_space<hbm>> -> memref<32x128xf32, #tpu.memory_space<hbm>>
          tpu.wait_dma2 semaphore(%run_scoped3A_816 : memref<!tpu.dma_semaphore, #tpu.memory_space<semaphore_mem>>) src(%arg13 : memref<32x128xf32, #tpu.memory_space<vmem>>) dst(%dma_wait3A_828 : memref<32x128xf32, #tpu.memory_space<hbm>>)
          tpu.yield
        }) : () -> ()
      } else {
      }
    }
    %scan3A_9 = arith.constant 98 : i32
    return
  }
}

</mosaic_0001>

<sc_bundles>
// kernel: _sc_interp.3.cloned.1.call-start
scs
__scs_entry_jumppad:
0x0: {  	(pc) =	sbr.rel $0x88, $3  }
0x1: {  	(tag) =	ssettag $0x0;
	lr =	simm.s32 $0x1  }
0x2: {  	[smem:$0x3F9D] =	sst lr;
	_ =	strace $0xD0000000  }
0x3: {  	_ = 	snop  }
0x4: {  	_ = 	snop  }
0x5: {  	_ = 	snop  }
0x6: {  	_ = 	snop  }
0x7: {  	_ = 	snop  }
__scs_overlays_trampoline_lowered:
0x8: {  	[smem:$0x3FAC] =	sst s0  }
0x9: {  	[smem:$0x3FAD] =	sst s1  }
0xa: {  	[smem:$0x3FAE] =	sst s2  }
0xb: {  	[smem:$0x3FAF] =	sst s3  }
0xc: {  	[smem:$0x3FB0] =	sst s4  }
0xd: {  	[smem:$0x3FB1] =	sst s5  }
0xe: {  	[smem:$0x3FB2] =	sst s6  }
0xf: {  	[smem:$0x3FB3] =	sst s7  }
0x10: {  	[smem:$0x3FB4] =	sst s8  }
0x11: {  	[smem:$0x3FB5] =	sst s9;
	s0 =	simm.s32 @!p0 $0x0  }
0x12: {  	s1 =	sld [smem:$0x3F9B];
	s0 =	simm.s32 @p0 $0x1  }
0x13: {  	[smem:$0x3FB6] =	sst s0;
	s0 =	simm.s32 @!p1 $0x0  }
0x14: {  	s2 =	sld [smem:$0x3F9A];
	s0 =	simm.s32 @p1 $0x1  }
0x15: {  	[smem:$0x3FB7] =	sst s0;
	s0 =	simm.s32 @!p2 $0x0  }
0x16: {  	s3 =	sld [smem:$0x3FDB];
	s0 =	simm.s32 @p2 $0x1  }
0x17: {  	s4 =	simm.s32 $0x1BF5;
	[smem:$0x3FB9] =	sst s0  }
0x18: {  	s0 =	sld [smem:$0x3F9C];
	_ =	swait.ge [sflag:s4], $0x0  }
0x19: {  	s7 =	sld [smem:$0x3F9D]  }
0x1a: {  	s8 =	sadd.s32 $0xFFFFE003, lr  }
0x1b: {  	s9 =	sadd.s32 $0xFFFFFEF7, lr;
	s5 =	simm.s32 $0xFFFFFFFF;
	p2 =	slt.u32 s8, $0xFFFFF086  }
0x1c: {  	p1 =	slt.u32 s9, $0xF7A;
	s5 =	simm.s32 @!p2 $0x0  }
0x1d: {  	s5 =	simm.s32 @p1 $0x1;
	p0 =	seq.s32 s7, s2  }
0x1e: {  	s7 =	smul.u32 @!p0 $0xF7A, s2;
	p2 =	seq.s32 @!p0 s5, $0x0  }
0x1f: {  	s9 =	smul.u32 $0xF7A, s1;
	s8 =	simm.s32 @!p0 $0x1BF5;
	p2 =	por !p2, p0  }
0x20: {  	[sflag:s8] =	ssyncset.s32 @!p0 $0xFFFFF086;
	s6 =	sadd.s32 @!p0 s3, s7;
	s7 =	simm.s32 @!p0 $0x108  }
0x21: {  	s3 =	sadd.s32 s3, s9;
	s6 =	sadd.s32 @!p0 $0x88, s6;
	s7 =	simm.s32 @p2 $0x1082  }
0x22: {  	[simem:s7], [sflag:s8] =	dma.local @!p0 [hbm:s6], $0xF7A  }
0x23: {  	s9 =	sor.u32 $0xD0000000, s2;
	s6 =	simm.s32 $0x108;
	_ =	swait.ge @!p0 [sflag:s8], $0x0  }
0x24: {  	s3 =	sadd.s32 $0x88, s3;
	s6 =	simm.s32 @!p1 $0x1082;
	[sflag:s4] =	ssyncset.s32 $0xFFFFF086  }
0x25: {  	[simem:s6], [sflag:s4] =	dma.local [hbm:s3], $0xF7A  }
0x26: {  	[smem:$0x3F9D] =	sst s1;
	(tag) =	ssettag s2;
	_ =	strace s9  }
0x27: {  	s1 =	sld [smem:$0x3FAD]  }
0x28: {  	s2 =	sld [smem:$0x3FAE]  }
0x29: {  	s4 =	sld [smem:$0x3FB0]  }
0x2a: {  	p0 =	seq.s32 s5, $0x0;
	s5 =	sld [smem:$0x3FB1]  }
0x2b: {  	s6 =	sld [smem:$0x3FB2]  }
0x2c: {  	s7 =	sld [smem:$0x3FB3]  }
0x2d: {  	s3 =	simm.s32 $0x108;
	s8 =	sld [smem:$0x3FB4]  }
0x2e: {  	s3 =	simm.s32 @!p0 $0x1082;
	s9 =	sld [smem:$0x3FB5]  }
0x2f: {  	lr =	sadd.s32 s0, s3;
	s0 =	sld [smem:$0x3FAC]  }
0x30: {  	s3 =	sld [smem:$0x3FAF]  }
0x31: {  	[smem:$0x3FB8] =	sst s10  }
0x32: {  	s10 =	sld [smem:$0x3FB6];
	_ =	sdelay $0x3  }
0x33: {  	p0 =	seq.s32 s10, $0x1;
	s10 =	sld [smem:$0x3FB8];
	_ =	sdelay $0x3  }
0x34: {  	[smem:$0x3FB8] =	sst s10  }
0x35: {  	s10 =	sld [smem:$0x3FB7];
	_ =	sdelay $0x3  }
0x36: {  	p1 =	seq.s32 s10, $0x1;
	s10 =	sld [smem:$0x3FB8];
	_ =	sdelay $0x3  }
0x37: {  	[smem:$0x3FB8] =	sst s10  }
0x38: {  	s10 =	sld [smem:$0x3FB9]  }
0x39: {  	_ = 	snop;
	(pc) =	sbr.ind lr, $3  }
0x3a: {  	_ = 	snop  }
0x3b: {  	_ = 	snop  }
0x3c: {  	p2 =	seq.s32 s10, $0x1;
	s10 =	sld [smem:$0x3FB8]  }
0x3d: {  	_ =	shalt  }
0x3e: {  	_ =	shalt  }
0x3f: {  	_ =	shalt  }
0x40: {  	_ =	shalt  }
0x41: {  	_ =	shalt  }
0x42: {  	_ =	shalt  }
0x43: {  	_ =	shalt  }
0x44: {  	_ =	shalt  }
0x45: {  	_ =	shalt  }
0x46: {  	_ =	shalt  }
0x47: {  	_ =	shalt  }
0x48: {  	_ =	shalt  }
0x49: {  	_ =	shalt  }
0x4a: {  	_ =	shalt  }
0x4b: {  	_ =	shalt  }
0x4c: {  	_ =	shalt  }
0x4d: {  	_ =	shalt  }
0x4e: {  	_ =	shalt  }
0x4f: {  	_ =	shalt  }
0x50: {  	_ =	shalt  }
0x51: {  	_ =	shalt  }
0x52: {  	_ =	shalt  }
0x53: {  	_ =	shalt  }
0x54: {  	_ =	shalt  }
0x55: {  	_ =	shalt  }
0x56: {  	_ =	shalt  }
0x57: {  	_ =	shalt  }
0x58: {  	_ =	shalt  }
0x59: {  	_ =	shalt  }
0x5a: {  	_ =	shalt  }
0x5b: {  	_ =	shalt  }
0x5c: {  	_ =	shalt  }
0x5d: {  	_ =	shalt  }
0x5e: {  	_ =	shalt  }
0x5f: {  	_ =	shalt  }
0x60: {  	_ =	shalt  }
0x61: {  	_ =	shalt  }
0x62: {  	_ =	shalt  }
0x63: {  	_ =	shalt  }
0x64: {  	_ =	shalt  }
0x65: {  	_ =	shalt  }
0x66: {  	_ =	shalt  }
0x67: {  	_ =	shalt  }
0x68: {  	_ =	shalt  }
0x69: {  	_ =	shalt  }
0x6a: {  	_ =	shalt  }
0x6b: {  	_ =	shalt  }
0x6c: {  	_ =	shalt  }
0x6d: {  	_ =	shalt  }
0x6e: {  	_ =	shalt  }
0x6f: {  	_ =	shalt  }
0x70: {  	_ =	shalt  }
0x71: {  	_ =	shalt  }
0x72: {  	_ =	shalt  }
0x73: {  	_ =	shalt  }
0x74: {  	_ =	shalt  }
0x75: {  	_ =	shalt  }
0x76: {  	_ =	shalt  }
0x77: {  	_ =	shalt  }
0x78: {  	_ =	shalt  }
0x79: {  	_ =	shalt  }
0x7a: {  	_ =	shalt  }
0x7b: {  	_ =	shalt  }
0x7c: {  	_ =	shalt  }
0x7d: {  	_ =	shalt  }
0x7e: {  	_ =	shalt  }
0x7f: {  	_ =	shalt  }
0x80: {  	_ =	shalt  }
0x81: {  	_ =	shalt  }
0x82: {  	_ =	shalt  }
0x83: {  	_ =	shalt  }
0x84: {  	_ =	shalt  }
0x85: {  	_ =	shalt  }
0x86: {  	_ =	shalt  }
0x87: {  	_ =	shalt  }
.Lfunc_end0:
.L_simem_size_0:
called_computation_lowered:
.L_overlay_start_0:
0x88: {  	s2 =	sld [smem:$0x3FD9]  }
0x89: {  	s3 =	sld [smem:$0x3FFE];
	_ =	sdelay $0x1  }
0x8a: {  	s1 =	srdreg.scid  }
0x8b: {  	s0 =	sand.u32 $0x1, s1  }
0x8c: {  	s18 =	sshll.u32 s0, $0xA;
	s2 =	sadd.s32 s3, s2  }
0x8d: {  	s2 =	sadd.s32 s2, s18  }
0x8e: {  	[smem:$0x3FC4] =	sst s2  }
0x8f: {  	_ = 	snop  }
0x90: {  	s2 =	sld [smem:$0x3FC9]  }
0x91: {  	s19 =	sld [smem:$0x3FC8]  }
0x92: {  	s4 =	sld [smem:$0x3FC7]  }
0x93: {  	s5 =	sld [smem:$0x3FC6]  }
0x94: {  	s6 =	sld [smem:$0x3FD0];
	(tm) =	ssettm $0x1  }
0x95: {  	s7 =	sld [smem:$0x3FFB];
	_ =	sdelay $0x3  }
0x96: {  	_ =	strace s7  }
0x97: {  	s7 =	sld [smem:$0x3FFC];
	_ =	sdelay $0x3  }
0x98: {  	_ =	strace s7  }
0x99: {  	s7 =	sld [smem:$0x3FFD];
	_ =	sdelay $0x3  }
0x9a: {  	_ =	strace s7  }
0x9b: {  	_ =	strace $0x8FFFFFFF  }
0x9c: {  	s20 =	sld [smem:$0x3FDB];
	_ =	sdelay $0x1  }
0x9d: {  	s8 =	simm.s32 $_scs_section_size  }
0x9e: {  	s9 =	simm.s32 $_size__tile_overlayer_lowered;
	s10 =	simm.s32 $_tile_overlayer_lowered  }
0x9f: {  	s23 =	simm.s32 $0x1BFF;
	s22 =	sshll.u32 s10, $0x1;
	s7 =	sadd.s32 s8, s20  }
0xa0: {  	s11 =	simm.s32 $0x0;
	s21 =	sshll.u32 s9, $0x1;
	s9 =	sadd.s32 s22, s7  }
0xa1: {  	[timem:s11], [sflag:s23] =	dma.local [hbm:s9], s21  }
0xa2: {  	_ =	swait.ge [sflag:s23], s21  }
0xa3: {  	s8 =	ssub.s32 $0x0, s21;
	[sflag:s23] =	ssyncset.done $0x0  }
0xa4: {  	[sflag:s23] =	ssyncadd.s32 s8;
	_ =	sdelay $0x1  }
0xa5: {  	s24 =	simm.s32 $0x1B8B  }
0xa6: {  	_ =	swait.ge [sflag:s24], $0x1  }
0xa7: {  	[sflag:s24] =	ssyncset.done $0x0  }
0xa8: {  	s25 =	simm.s32 $0x1B8E;
	[sflag:s24] =	ssyncadd.s32 $0xFFFFFFFF  }
0xa9: {  	s26 =	simm.s32 $execute0_lowered;
	[smem:$0x3FD2] =	sst s25  }
0xaa: {  	s8 =	sshll.u32 s26, $0x1;
	_ =	strace $0x80000046;
	[dreg:$0x1] =	wrdreg $0xFFFFFFFF  }
0xab: {  	s28 =	simm.s32 $_size_execute0_lowered;
	s7 =	sadd.s32 s7, s8;
	[dreg:$0x0] =	wrdreg $0x0  }
0xac: {  	s8 =	sshll.u32 s28, $0x1;
	[dreg:$0x2] =	wrdreg s7  }
0xad: {  	[dreg:$0x3] =	wrdreg s8  }
0xae: {  	[dreg:$0x4] =	wrdreg $0xC0  }
0xaf: {  	_ =	task [dreg:s11], $0x5FFFF  }
0xb0: {  	[dreg:$0x1] =	wrdreg $0xFFFFFFFF  }
0xb1: {  	[dreg:$0x0] =	wrdreg $0x60  }
0xb2: {  	[dreg:$0x2] =	wrdreg s2  }
0xb3: {  	[dreg:$0x3] =	wrdreg s19  }
0xb4: {  	[dreg:$0x4] =	wrdreg s4  }
0xb5: {  	[dreg:$0x5] =	wrdreg s5  }
0xb6: {  	[dreg:$0x6] =	wrdreg s6  }
0xb7: {  	[dreg:$0x7] =	wrdreg $0x9  }
0xb8: {  	_ =	task.clear_ibuf [dreg:s11], $0x8FFFF;
	_ =	strace $0x90000046  }
0xb9: {  	s29 =	simm.s32 $0x9;
	_ =	strace $0x80000048  }
0xba: {  	_ =	swait.ge [sflag:s29], $0x1  }
0xbb: {  	[sflag:s29] =	ssyncadd.s32 $0xFFFFFFFF  }
0xbc: {  	_ =	strace $0x90000048  }
0xbd: {  	_ =	sfence  }
0xbe: {  	s30 =	sld [smem:$0x0];
	_ =	sdelay $0x2  }
0xbf: {  	s31 =	sshll.u32 s1, $0xD;
	s1 =	sshrl.u32 s1, $0x2  }
0xc0: {  	s3 =	sand.u32 $0x4000, s31;
	s1 =	sadd.s32 s1, s30  }
0xc1: {  	s0 =	sor.u32 s3, s0;
	s1 =	sshll.u32 s1, $0x11  }
0xc2: {  	s0 =	sor.u32 s1, s0  }
0xc3: {  	s0 =	sadd.s32 $0x8F2B, s0  }
0xc4: {  	[sflag:s0] =	ssyncadd.remote.s32 $0x1  }
0xc5: {  	_ =	sfence.sel $0xFFFF  }
0xc6: {  	[dreg:$0x0] =	wrdreg $0xFFFFFFFF;
	(pc) =	sbr.abs _section_cstart, $3  }
0xc7: {  	[dreg:$0x1] =	wrdreg $0xFFFFFFFF  }
0xc8: {  	_ =	task.clear_ibuf [dreg:s11], $0x2FFFF;
	_ =	strace $0x9FFFFFFF  }
0xc9: {  	(tm) =	ssettm $0x7FFFFFFF  }
tec
execute0_lowered:
.L_overlay_start_1:
0x0: {  	(tag) =	ssettag $0x1  }
0x1: {  	s1 =	rddreg [dreg:$0x0]  }
0x2: {  	s2 =	rddreg [dreg:$0x1]  }
0x3: {  	s3 =	rddreg [dreg:$0x2]  }
0x4: {  	s4 =	rddreg [dreg:$0x3]  }
0x5: {  	s5 =	rddreg [dreg:$0x4];
	s6 =	simm.s32 $0x0  }
0x6: {  	[smem:$0x7FF] =	sst s6  }
0x7: {  	s0 =	rddreg [dreg:$0x5];
	v0 =	vimm.f32 $4.700000000e+01;
	_ =	strace $0x80000047  }
0x8: {  	v61 =	vimm.f32 $2.000000000e+00;
	(erf) = vrcp.f32 v0  }
0x9: {  	(erf) = vrcp.f32 v61;
	_ =	sdelay $0x1  }
0xa: {  	s8 =	srdreg.scid  }
0xb: {  	s7 =	stileid.u32;
	s13 =	simm.s32 $0x3;
	s14 =	simm.s32 $0x80  }
0xc: {  	s15 =	simm.s32 $0x100;
	s16 =	simm.s32 $0x180;
	s17 =	simm.s32 $0x400  }
0xd: {  	s18 =	simm.s32 $0x200;
	s19 =	simm.s32 $0x4400;
	s20 =	simm.s32 $0x1  }
.Ltmp0:
0xe: {  	s8 =	sand.u32 $0x1, s8;
	s10 =	sshll.u32 s7, $0x1;
	(pc) =	sbr.rel .LBB2_1-.Ltmp0, $4  }
0xf: {  	s21 =	simm.s32 $0x8400;
	s9 =	ssub.s32 $0x2, s8;
	s8 =	sor.u32 s8, s10  }
0x10: {  	s22 =	simm.s32 $0x2;
	s11 =	sshrl.u32 s9, $0x1;
	s31 =	sshll.u32 s8, $0x2;
	v62 =	vpop (erf)  }
0x11: {  	s23 =	simm.s32 $0x0;
	s11 =	ssub.s32 s9, s11;
	s9 =	sand.u32 $0xC, s31;
	[tilespmem:$0x1FFE0] =	vst v62;
	v63 =	vpop (erf)  }
0x12: {  	s10 =	sadd.s32 $0x186A00, s5;
	s11 =	smax.u32 s11, $0x1;
	s12 =	sor.u32 $0x10, s9;
	[tilespmem:$0x1FFF0] =	vst v63  }
.LBB2_13:
0x13: {  	s23 =	sadd.s32 $0x1, s23  }
0x14: {  	p0 =	sne.s32 s23, s11  }
.Ltmp1:
0x15: {  	_ = 	snop;
	(pc) =	sbr.rel @!p0 .LBB2_14-.Ltmp1, $1  }
0x16: {  	_ =	sdelay $0x3  }
.LBB2_1:
.Ltmp2:
0x17: {  	(pc) =	sbr.rel .LBB2_2-.Ltmp2, $2  }
0x18: {  	_ =	sdelay $0x2  }
0x19: {  	s24 =	simm.s32 $0x0  }
.LBB2_6:
0x1a: {  	s24 =	sadd.s32 $0x1, s24  }
0x1b: {  	p0 =	sne.s32 s24, $0x62  }
.Ltmp3:
0x1c: {  	_ = 	snop;
	(pc) =	sbr.rel @!p0 .LBB2_7-.Ltmp3, $1  }
0x1d: {  	_ =	sdelay $0x3  }
.LBB2_2:
0x1e: {  	s25 =	sshll.u32 s24, $0x5  }
0x1f: {  	s25 =	sor.u32 s8, s25  }
0x20: {  	p0 =	sgt.u32 s25, $0xC34  }
.Ltmp4:
0x21: {  	_ = 	snop;
	(pc) =	sbr.rel @p0 .LBB2_6-.Ltmp4, $1  }
0x22: {  	_ =	sdelay $0x3  }
0x23: {  	s26 =	sshll.u32 s25, $0x3  }
0x24: {  	s26 =	sand.u32 $0x7FE0, s26  }
0x25: {  	s26 =	sor.u32 s9, s26  }
0x26: {  	s29 =	simm.s32 $0x0;
	s28 =	sadd.s32 s2, s26  }
0x27: {  	[tilespmem:s29], [sflag:$0x3] =	stream.linear.gather [hbm4b:s28+s29], $0x20, $0x38;
	[tilespmem:$0x9400] =	vst v63  }
0x28: {  	_ =	swait.ge [sflag:s13], $0x20  }
0x29: {  	[sflag:s13] =	ssyncset.done $0x0  }
0x2a: {  	s28 =	sadd.s32 s3, s26;
	[sflag:s13] =	ssyncadd.s32 $0xFFFFFFE0  }
0x2b: {  	[tilespmem:s14], [sflag:$0x3] =	stream.linear.gather [hbm4b:s28+s29], $0x20, $0x38;
	[tilespmem:$0x9400] =	vst v63  }
0x2c: {  	_ =	swait.ge [sflag:s13], $0x20  }
0x2d: {  	[sflag:s13] =	ssyncset.done $0x0  }
0x2e: {  	s26 =	sadd.s32 s4, s26;
	[sflag:s13] =	ssyncadd.s32 $0xFFFFFFE0  }
0x2f: {  	[tilespmem:s15], [sflag:$0x3] =	stream.linear.gather [hbm4b:s26+s29], $0x20, $0x38;
	[tilespmem:$0x9400] =	vst v63  }
0x30: {  	_ =	swait.ge [sflag:s13], $0x20  }
0x31: {  	[sflag:s13] =	ssyncset.done $0x0  }
0x32: {  	[sflag:s13] =	ssyncadd.s32 $0xFFFFFFE0  }
0x33: {  	v0 =	vld [tilespmem:$0x0]  }
0x34: {  	v21 =	vld [tilespmem:$0x1FFE0]  }
0x35: {  	v1 =	vld [tilespmem:$0x80]  }
0x36: {  	v2 =	vld [tilespmem:$0x100];
	_ =	sdelay $0x1  }
0x37: {  	v0 =	vadd.f32 v0, v0;
	_ =	sdelay $0x1  }
0x38: {  	v1 =	vadd.f32 v1, v1;
	v0 =	vmul.f32 v0, v21  }
0x39: {  	v2 =	vadd.f32 v2, v2  }
0x3a: {  	v1 =	vmul.f32 v1, v21;
	v0 =	vadd.f32 $-1.000000000e+00, v0  }
0x3b: {  	v2 =	vmul.f32 v2, v21  }
0x3c: {  	v1 =	vadd.f32 $-1.000000000e+00, v1;
	v0 =	vadd.f32 $1.000000000e+00, v0  }
0x3d: {  	v26 =	vld [tilespmem:$0x1FFF0];
	v2 =	vadd.f32 $-1.000000000e+00, v2  }
0x3e: {  	v1 =	vadd.f32 $1.000000000e+00, v1;
	v0 =	vmul.f32 $4.800000000e+01, v0  }
0x3f: {  	v16 =	vld [tilespmem:$0x110];
	v2 =	vadd.f32 $1.000000000e+00, v2  }
0x40: {  	v1 =	vmul.f32 $4.800000000e+01, v1;
	v0 =	vadd.f32 $-1.000000000e+00, v0  }
0x41: {  	v2 =	vmul.f32 $4.800000000e+01, v2  }
0x42: {  	v1 =	vadd.f32 $-1.000000000e+00, v1;
	v0 =	vmul.f32 v0, v26  }
0x43: {  	v2 =	vadd.f32 $-1.000000000e+00, v2  }
0x44: {  	v16 =	vadd.f32 v16, v16;
	v1 =	vmul.f32 v1, v26;
	v3 =	vadd.f32 $1.000000000e+00, v0  }
0x45: {  	v2 =	vmul.f32 v2, v26  }
0x46: {  	v16 =	vmul.f32 v16, v21;
	v6 =	vadd.f32 $1.000000000e+00, v1;
	v3 =	vtrunc.f32 v3  }
0x47: {  	v9 =	vadd.f32 $1.000000000e+00, v2;
	v3 =	vcvt.f32.s32 v3  }
0x48: {  	v16 =	vadd.f32 $-1.000000000e+00, v16;
	v6 =	vtrunc.f32 v6  }
0x49: {  	v9 =	vtrunc.f32 v9;
	v6 =	vcvt.f32.s32 v6;
	v4 =	vadd.s32 $0xFFFFFFFF, v3  }
0x4a: {  	v9 =	vcvt.f32.s32 v9;
	v5 =	vcvt.s32.f32 v4  }
0x4b: {  	v16 =	vadd.f32 $1.000000000e+00, v16;
	vm1 =	vlt.u32 v3, $0x30;
	vm7 =	vgt.s32 v3, $0x0  }
0x4c: {  	v11 =	vadd.s32 $0xFFFFFFFF, v9;
	vm10 =	vlt.u32 v6, $0x30;
	v7 =	vadd.f32 $1.000000000e+00, v5  }
0x4d: {  	vm11 =	vgt.s32 v6, $0x0;
	vm14 =	vlt.u32 v9, $0x30;
	vm15 =	vgt.s32 v9, $0x0  }
0x4e: {  	v5 =	vsub.f32 v0, v5;
	v0 =	vsub.f32 v7, v0;
	v7 =	vadd.s32 $0xFFFFFFFF, v6  }
0x4f: {  	vm0 =	vlt.u32 v4, $0x30;
	vm2 =	vgt.s32 v4, $0x0;
	v8 =	vcvt.s32.f32 v7  }
0x50: {  	v3 =	vnsel vm7, $0x0, v3;
	v12 =	vcvt.s32.f32 v11;
	vm12 =	vgt.s32 v11, $0x0  }
0x51: {  	vm13 =	vlt.u32 v11, $0x30;
	v9 =	vnsel vm15, $0x0, v9;
	v10 =	vadd.f32 $1.000000000e+00, v8  }
0x52: {  	v4 =	vnsel vm2, $0x0, v4;
	v3 =	vmin.u32 v3, $0x2F;
	v14 =	vnsel vm12, $0x0, v11  }
0x53: {  	v9 =	vmin.u32 v9, $0x2F;
	v8 =	vsub.f32 v1, v8;
	v1 =	vsub.f32 v10, v1;
	v10 =	vld [tilespmem:$0x10]  }
0x54: {  	v4 =	vmin.u32 v4, $0x2F;
	v13 =	vadd.f32 $1.000000000e+00, v12;
	v14 =	vmin.u32 v14, $0x2F  }
0x55: {  	v9 =	vmul.u32 $0x30, v9;
	v11 =	vmul.u32 $0x30, v14;
	v14 =	vld [tilespmem:$0x90];
	v5 =	vnsel vm1, $0x0, v5  }
0x56: {  	v6 =	vnsel vm11, $0x0, v6;
	v13 =	vsub.f32 v13, v2;
	v2 =	vsub.f32 v2, v12  }
0x57: {  	vm8 =	vlt.u32 v7, $0x30;
	vm9 =	vgt.s32 v7, $0x0;
	v6 =	vmin.u32 v6, $0x2F  }
0x58: {  	v0 =	vnsel vm0, $0x0, v0;
	v7 =	vnsel vm9, $0x0, v7;
	v10 =	vadd.f32 v10, v10  }
0x59: {  	v12 =	vnsel vm13, $0x0, v13;
	v2 =	vnsel vm14, $0x0, v2;
	v7 =	vmin.u32 v7, $0x2F  }
0x5a: {  	v13 =	vadd.s32 v7, v11;
	v14 =	vadd.f32 v14, v14;
	v10 =	vmul.f32 v10, v21  }
0x5b: {  	v11 =	vadd.s32 v6, v11;
	v7 =	vadd.s32 v7, v9;
	v6 =	vadd.s32 v6, v9  }
0x5c: {  	v9 =	vmul.f32 $4.800000000e+01, v16;
	v8 =	vnsel vm10, $0x0, v8;
	v10 =	vadd.f32 $-1.000000000e+00, v10  }
0x5d: {  	v13 =	vmul.u32 $0x30, v13;
	v11 =	vmul.u32 $0x30, v11;
	v7 =	vmul.u32 $0x30, v7  }
0x5e: {  	v6 =	vmul.u32 $0x30, v6;
	v14 =	vmul.f32 v14, v21;
	v10 =	vadd.f32 $1.000000000e+00, v10  }
0x5f: {  	v9 =	vadd.f32 $-1.000000000e+00, v9;
	v1 =	vnsel vm8, $0x0, v1;
	v17 =	vadd.s32 v4, v13  }
0x60: {  	v13 =	vadd.s32 v3, v13;
	v20 =	vadd.s32 v4, v11;
	v10 =	vmul.f32 $4.800000000e+01, v10  }
0x61: {  	v15 =	vmul.f32 v12, v1;
	v12 =	vmul.f32 v12, v8;
	v14 =	vadd.f32 $-1.000000000e+00, v14  }
0x62: {  	v1 =	vmul.f32 v1, v2;
	v2 =	vmul.f32 v2, v8;
	v10 =	vadd.f32 $-1.000000000e+00, v10  }
0x63: {  	v9 =	vmul.f32 v9, v26;
	v18 =	vmul.f32 v15, v0;
	v14 =	vadd.f32 $1.000000000e+00, v14  }
0x64: {  	v11 =	vadd.s32 v3, v11;
	v15 =	vmul.f32 v15, v5;
	v10 =	vmul.f32 v10, v26  }
0x65: {  	v22 =	vadd.s32 v4, v7;
	v19 =	vmul.f32 v12, v0;
	v14 =	vmul.f32 $4.800000000e+01, v14  }
0x66: {  	[tilespmem:$0x180] =	vst v17;
	v12 =	vmul.f32 v12, v5;
	v17 =	vadd.f32 $1.000000000e+00, v9;
	v21 =	vadd.f32 $1.000000000e+00, v10  }
0x67: {  	v23 =	vmul.f32 v1, v0;
	v1 =	vmul.f32 v1, v5;
	v14 =	vadd.f32 $-1.000000000e+00, v14  }
0x68: {  	v7 =	vadd.s32 v3, v7;
	[tilespmem:$0x1A0] =	vst v13;
	v13 =	vtrunc.f32 v17;
	v21 =	vtrunc.f32 v21  }
0x69: {  	v4 =	vadd.s32 v4, v6;
	v14 =	vmul.f32 v14, v26;
	v21 =	vcvt.f32.s32 v21  }
0x6a: {  	v3 =	vadd.s32 v3, v6;
	v0 =	vmul.f32 v2, v0;
	v13 =	vcvt.f32.s32 v13  }
0x6b: {  	v2 =	vmul.f32 v2, v5;
	v24 =	vadd.f32 $1.000000000e+00, v14;
	v16 =	vadd.s32 $0xFFFFFFFF, v21  }
0x6c: {  	[tilespmem:$0x2C0] =	vst v19;
	v19 =	vadd.s32 $0xFFFFFFFF, v13;
	vm14 =	vgt.s32 v13, $0x0;
	v8 =	vcvt.s32.f32 v16  }
0x6d: {  	vm15 =	vlt.u32 v13, $0x30;
	vm8 =	vgt.s32 v19, $0x0;
	v5 =	vtrunc.f32 v24  }
0x6e: {  	vm12 =	vlt.u32 v19, $0x30;
	v5 =	vcvt.f32.s32 v5;
	v25 =	vadd.f32 $1.000000000e+00, v8  }
0x6f: {  	[tilespmem:$0x360] =	vst v2;
	v2 =	vnsel vm14, $0x0, v13;
	vm7 =	vgt.s32 v21, $0x0;
	vm6 =	vgt.s32 v16, $0x0  }
0x70: {  	v8 =	vsub.f32 v10, v8;
	v6 =	vsub.f32 v25, v10;
	v10 =	vadd.s32 $0xFFFFFFFF, v5  }
0x71: {  	[tilespmem:$0x2A0] =	vst v15;
	vm4 =	vlt.u32 v16, $0x30;
	v16 =	vnsel vm6, $0x0, v16;
	v15 =	vcvt.s32.f32 v10  }
0x72: {  	[tilespmem:$0x1E0] =	vst v11;
	v2 =	vmin.u32 v2, $0x2F;
	v17 =	vnsel vm7, $0x0, v21;
	v11 =	vmin.u32 v16, $0x2F  }
0x73: {  	[tilespmem:$0x280] =	vst v18;
	v16 =	vmin.u32 v17, $0x2F;
	v17 =	vcvt.s32.f32 v19;
	v18 =	vadd.f32 $1.000000000e+00, v15  }
0x74: {  	[tilespmem:$0x2E0] =	vst v12;
	v2 =	vmul.u32 $0x30, v2;
	vm13 =	vgt.s32 v5, $0x0;
	v12 =	vsub.f32 v14, v15  }
0x75: {  	[tilespmem:$0x1C0] =	vst v20;
	v15 =	vadd.f32 $1.000000000e+00, v17;
	v14 =	vsub.f32 v18, v14;
	v18 =	vnsel vm8, $0x0, v19  }
0x76: {  	[tilespmem:$0x200] =	vst v22;
	vm9 =	vgt.s32 v10, $0x0;
	vm10 =	vlt.u32 v10, $0x30;
	v18 =	vmin.u32 v18, $0x2F  }
0x77: {  	[tilespmem:$0x220] =	vst v7;
	v10 =	vnsel vm9, $0x0, v10;
	v7 =	vsub.f32 v15, v9;
	v15 =	vmul.u32 $0x30, v18  }
0x78: {  	[tilespmem:$0x340] =	vst v0;
	vm11 =	vlt.u32 v5, $0x30;
	v0 =	vnsel vm13, $0x0, v5;
	v10 =	vmin.u32 v10, $0x2F  }
0x79: {  	[tilespmem:$0x240] =	vst v4;
	vm5 =	vlt.u32 v21, $0x30;
	v4 =	vnsel vm12, $0x0, v7;
	v7 =	vadd.s32 v10, v15  }
0x7a: {  	[tilespmem:$0x320] =	vst v1;
	v8 =	vnsel vm5, $0x0, v8;
	v1 =	vnsel vm10, $0x0, v14;
	v5 =	vmul.u32 $0x30, v7  }
0x7b: {  	[tilespmem:$0x260] =	vst v3;
	v6 =	vnsel vm4, $0x0, v6;
	v3 =	vnsel vm11, $0x0, v12;
	v7 =	vmul.f32 v4, v1  }
0x7c: {  	[tilespmem:$0x300] =	vst v23;
	v9 =	vsub.f32 v9, v17;
	v4 =	vmul.f32 v4, v3;
	v12 =	vadd.s32 v11, v5  }
0x7d: {  	v14 =	vmul.f32 v7, v6;
	v5 =	vadd.s32 v16, v5;
	v7 =	vmul.f32 v7, v8;
	[tilespmem:$0x190] =	vst v12  }
0x7e: {  	v0 =	vmin.u32 v0, $0x2F;
	v9 =	vnsel vm15, $0x0, v9;
	v10 =	vadd.s32 v10, v2;
	[tilespmem:$0x1B0] =	vst v5  }
0x7f: {  	v12 =	vadd.s32 v0, v15;
	v0 =	vadd.s32 v0, v2;
	[tilespmem:$0x2B0] =	vst v7;
	v7 =	vmul.f32 v4, v6  }
0x80: {  	v2 =	vmul.f32 v9, v3;
	[tilespmem:$0x290] =	vst v14;
	v12 =	vmul.u32 $0x30, v12;
	v4 =	vmul.f32 v4, v8  }
0x81: {  	[tilespmem:$0x2D0] =	vst v7  }
0x82: {  	v3 =	vmul.f32 v2, v6;
	v5 =	vadd.s32 v11, v12;
	[tilespmem:$0x2F0] =	vst v4  }
0x83: {  	v1 =	vmul.f32 v1, v9;
	v7 =	vmul.u32 $0x30, v10;
	[tilespmem:$0x1D0] =	vst v5  }
0x84: {  	v5 =	vadd.s32 v16, v12;
	[tilespmem:$0x350] =	vst v3  }
0x85: {  	[tilespmem:$0x1F0] =	vst v5;
	v4 =	vadd.s32 v11, v7;
	v5 =	vmul.f32 v1, v6  }
0x86: {  	[tilespmem:$0x210] =	vst v4  }
0x87: {  	v0 =	vmul.u32 $0x30, v0;
	v1 =	vmul.f32 v1, v8;
	v4 =	vadd.s32 v16, v7;
	[tilespmem:$0x310] =	vst v5  }
0x88: {  	[tilespmem:$0x230] =	vst v4  }
0x89: {  	[tilespmem:$0x330] =	vst v1;
	v1 =	vadd.s32 v11, v0  }
0x8a: {  	v0 =	vadd.s32 v16, v0;
	[tilespmem:$0x250] =	vst v1;
	v1 =	vmul.f32 v2, v8  }
0x8b: {  	[tilespmem:$0x270] =	vst v0  }
0x8c: {  	[tilespmem:$0x370] =	vst v1  }
0x8d: {  	[tilespmem:s17], [sflag:$0x1] =	stream.indirect.gather [hbm4b:s1+s14], $0x80, s16, s14, $0xb8;
	[tilespmem:$0x9400] =	vst v63  }
0x8e: {  	_ = 	snop  }
0x8f: {  	[tilespmem:s19], [sflag:$0x1] =	stream.indirect.gather [hbm4b:s1+s14], $0x80, s18, s14, $0xb8;
	[tilespmem:$0x9400] =	vst v63  }
0x90: {  	_ =	swait.ge [sflag:s20], $0x4000  }
0x91: {  	[sflag:s20] =	ssyncset.done $0x0  }
0x92: {  	[sflag:s20] =	ssyncadd.s32 $0xFFFFC000  }
0x93: {  	_ =	swait.ge [sflag:s20], $0x4000  }
0x94: {  	[sflag:s20] =	ssyncset.done $0x0  }
0x95: {  	s26 =	simm.s32 $0x0;
	[sflag:s20] =	ssyncadd.s32 $0xFFFFC000  }
0x96: {  	v0 =	vld [tilespmem:s26+$0x400]  }
0x97: {  	v44 =	vld [tilespmem:s26+$0x410]  }
0x98: {  	v25 =	vld [tilespmem:s26+$0x420]  }
0x99: {  	v26 =	vld [tilespmem:s26+$0x430]  }
0x9a: {  	v9 =	vld [tilespmem:s26+$0x440]  }
0x9b: {  	v27 =	vld [tilespmem:s26+$0x450]  }
0x9c: {  	v2 =	vld [tilespmem:s26+$0x460]  }
0x9d: {  	v29 =	vld [tilespmem:s26+$0x470]  }
0x9e: {  	v8 =	vld [tilespmem:s26+$0x5430]  }
0x9f: {  	v14 =	vld [tilespmem:s26+$0x1400]  }
0xa0: {  	v30 =	vld [tilespmem:s26+$0x1410]  }
0xa1: {  	v15 =	vld [tilespmem:s26+$0x1420]  }
0xa2: {  	v31 =	vld [tilespmem:s26+$0x1430]  }
0xa3: {  	v32 =	vld [tilespmem:s26+$0x1440]  }
0xa4: {  	v33 =	vld [tilespmem:s26+$0x1450]  }
0xa5: {  	v35 =	vld [tilespmem:s26+$0x1460]  }
0xa6: {  	v3 =	vld [tilespmem:s26+$0x1470]  }
0xa7: {  	v1 =	vld [tilespmem:s26+$0x7460]  }
0xa8: {  	v5 =	vld [tilespmem:s26+$0x6420]  }
0xa9: {  	v6 =	vld [tilespmem:s26+$0x6400]  }
0xaa: {  	v7 =	vld [tilespmem:s26+$0x6440]  }
0xab: {  	v10 =	vld [tilespmem:s26+$0x6460]  }
0xac: {  	v12 =	vld [tilespmem:s26+$0x6470]  }
0xad: {  	v13 =	vld [tilespmem:s26+$0x7410]  }
0xae: {  	v11 =	vld [tilespmem:s26+$0x7470]  }
0xaf: {  	v16 =	vld [tilespmem:s26+$0x6410]  }
0xb0: {  	v17 =	vld [tilespmem:s26+$0x6450]  }
0xb1: {  	v19 =	vld [tilespmem:s26+$0x5410]  }
0xb2: {  	v18 =	vld [tilespmem:s26+$0x5400]  }
0xb3: {  	v20 =	vld [tilespmem:s26+$0x3400]  }
0xb4: {  	v21 =	vld [tilespmem:s26+$0x7450]  }
0xb5: {  	v23 =	vld [tilespmem:s26+$0x4410]  }
0xb6: {  	v24 =	vld [tilespmem:s26+$0x6430]  }
0xb7: {  	v22 =	vld [tilespmem:s26+$0x3440]  }
0xb8: {  	v28 =	vld [tilespmem:s26+$0x3410]  }
0xb9: {  	v4 =	vld [tilespmem:s26+$0x4430]  }
0xba: {  	v41 =	vld [tilespmem:s26+$0x3450]  }
0xbb: {  	[tilespmem:$0x1FFA0] =	vst v1;
	v1 =	vld [tilespmem:s26+$0x7420]  }
0xbc: {  	v40 =	vld [tilespmem:s26+$0x4440]  }
0xbd: {  	v49 =	vld [tilespmem:s26+$0x2450]  }
0xbe: {  	v52 =	vld [tilespmem:s26+$0x5460]  }
0xbf: {  	v54 =	vld [tilespmem:s26+$0x4400]  }
0xc0: {  	[tilespmem:$0x1FFB0] =	vst v1;
	v1 =	vld [tilespmem:s26+$0x7400]  }
0xc1: {  	s28 =	simm.s32 $0x300;
	v56 =	vld [tilespmem:s26+$0x4460]  }
0xc2: {  	v48 =	vld.msk [tilespmem:s28+$0xFFFFFF80 ss:$0x0], $0xffff  }
0xc3: {  	v39 =	vld [tilespmem:s26+$0x3460]  }
0xc4: {  	v53 =	vld.msk [tilespmem:s28+$0xFFFFFFA0 ss:$0x0], $0xffff  }
0xc5: {  	[tilespmem:$0x1FFC0] =	vst v1;
	v1 =	vld [tilespmem:s26+$0x5440]  }
0xc6: {  	v38 =	vld [tilespmem:s26+$0x2400]  }
0xc7: {  	v34 =	vld.msk [tilespmem:s28+$0xFFFFFFE0 ss:$0x0], $0xffff  }
0xc8: {  	v45 =	vld [tilespmem:s26+$0x3420]  }
0xc9: {  	v43 =	vld.msk [tilespmem:s28+$0x0 ss:$0x0], $0xffff  }
0xca: {  	v0 =	vmul.f32 v0, v48;
	[tilespmem:$0x1FFD0] =	vst v1;
	v1 =	vld.msk [tilespmem:s28+$0xFFFFFFC0 ss:$0x0], $0xffff  }
0xcb: {  	v42 =	vld [tilespmem:s26+$0x2460];
	v29 =	vmul.f32 v29, v48;
	v57 =	vmul.f32 v25, v48  }
0xcc: {  	v62 =	vld [tilespmem:s26+$0x5420];
	v58 =	vmul.f32 v27, v48;
	v51 =	vmul.f32 v35, v53  }
0xcd: {  	v59 =	vmul.f32 v31, v53;
	v25 =	vld [tilespmem:s26+$0x4420];
	v46 =	vmul.f32 v33, v53  }
0xce: {  	v61 =	vmul.f32 v44, v48;
	v33 =	vmul.f32 v54, v43;
	v54 =	vld [tilespmem:s26+$0x4470]  }
0xcf: {  	v35 =	vmul.f32 v45, v34;
	v31 =	vmul.f32 v38, v1;
	v38 =	vld.msk [tilespmem:s28+$0x20 ss:$0x0], $0xffff  }
0xd0: {  	v63 =	vld [tilespmem:s26+$0x2410];
	v27 =	vmul.f32 v39, v34;
	v37 =	vmul.f32 v26, v48  }
0xd1: {  	v60 =	vld [tilespmem:s26+$0x2470];
	v44 =	vmul.f32 v32, v53;
	v45 =	vmul.f32 v30, v53  }
0xd2: {  	v30 =	vmul.f32 v56, v43;
	v39 =	vadd.f32 $0.0e+00, v0;
	v0 =	vld [tilespmem:s26+$0x2440];
	v47 =	vadd.f32 $0.0e+00, v29  }
0xd3: {  	v36 =	vld [tilespmem:s26+$0x3470];
	v29 =	vmul.f32 v40, v43;
	v56 =	vadd.f32 $0.0e+00, v58;
	v25 =	vmul.f32 v25, v43  }
0xd4: {  	v40 =	vadd.f32 $0.0e+00, v61;
	v54 =	vmul.f32 v54, v43;
	v26 =	vmul.f32 v62, v38;
	v62 =	vld [tilespmem:$0x1FFD0]  }
0xd5: {  	v50 =	vld [tilespmem:s26+$0x2420];
	v56 =	vadd.f32 v46, v56;
	v55 =	vmul.f32 v42, v1;
	v49 =	vmul.f32 v49, v1  }
0xd6: {  	v46 =	vld [tilespmem:s26+$0x2430];
	v42 =	vadd.f32 $0.0e+00, v57;
	v57 =	vmul.f32 v63, v1;
	v63 =	vmul.f32 v41, v34  }
0xd7: {  	v61 =	vld [tilespmem:s26+$0x4450];
	v32 =	vmul.f32 v52, v38;
	v52 =	vmul.f32 v0, v1;
	v0 =	vadd.f32 $0.0e+00, v37  }
0xd8: {  	v41 =	vld [tilespmem:s26+$0x5470];
	v58 =	vmul.f32 v60, v1;
	v56 =	vadd.f32 v49, v56;
	v49 =	vmul.f32 v36, v34  }
0xd9: {  	v60 =	vld [tilespmem:s26+$0x3430];
	v37 =	vmul.f32 v62, v38;
	v62 =	vadd.f32 v59, v0;
	v0 =	vmul.f32 v2, v48  }
0xda: {  	v36 =	vmul.f32 v4, v43;
	v59 =	vadd.f32 v63, v56;
	v56 =	vmul.f32 v50, v1;
	v50 =	vld.msk [tilespmem:s28+$0x40 ss:$0x0], $0xffff  }
0xdb: {  	s31 =	simm.s32 $0x200;
	v1 =	vmul.f32 v46, v1;
	v46 =	vld [tilespmem:s26+$0x5450];
	v63 =	vadd.f32 $0.0e+00, v0;
	v0 =	vmul.f32 v3, v53  }
.LBB2_4:
0xdc: {  	v2 =	vmul.f32 v14, v53;
	v15 =	vmul.f32 v15, v53;
	v53 =	vld.msk [tilespmem:s28+$0x60 ss:$0x0], $0xffff  }
0xdd: {  	s30 =	sshra.s32 s31, $0x2;
	v3 =	vld [tilespmem:$0x1FFC0]  }
0xde: {  	v14 =	vadd.f32 v45, v40;
	v45 =	vld [tilespmem:s30+$0x400]  }
0xdf: {  	v40 =	vld [tilespmem:s30+$0x410]  }
0xe0: {  	v0 =	vadd.f32 v0, v47;
	v47 =	vld [tilespmem:s30+$0x420]  }
0xe1: {  	v48 =	vmul.f32 v9, v48;
	v8 =	vmul.f32 v8, v38;
	v1 =	vadd.f32 v1, v62;
	v62 =	vld [tilespmem:s30+$0x450]  }
0xe2: {  	v51 =	vadd.f32 v51, v63;
	v63 =	vld [tilespmem:s30+$0x470];
	v2 =	vadd.f32 v2, v39;
	v9 =	vmul.f32 v60, v34  }
0xe3: {  	v14 =	vadd.f32 v57, v14;
	v0 =	vadd.f32 v58, v0;
	v60 =	vmul.f32 v41, v38;
	v41 =	vld [tilespmem:s30+$0x430]  }
0xe4: {  	v57 =	vmul.f32 v61, v43;
	v2 =	vadd.f32 v31, v2;
	v31 =	vld [tilespmem:s30+$0x1460];
	v1 =	vadd.f32 v9, v1  }
0xe5: {  	v61 =	vadd.f32 v55, v51;
	v28 =	vmul.f32 v28, v34;
	v0 =	vadd.f32 v49, v0;
	v49 =	vld [tilespmem:s30+$0x1410]  }
0xe6: {  	v46 =	vmul.f32 v46, v38;
	v57 =	vadd.f32 v57, v59;
	v9 =	vld [tilespmem:s30+$0x440];
	v1 =	vadd.f32 v36, v1  }
0xe7: {  	v24 =	vmul.f32 v24, v50;
	v23 =	vmul.f32 v23, v43;
	v28 =	vadd.f32 v28, v14;
	v14 =	vld [tilespmem:s30+$0x1400]  }
0xe8: {  	v20 =	vmul.f32 v20, v34;
	v46 =	vadd.f32 v46, v57;
	v36 =	vld [tilespmem:s30+$0x460];
	v1 =	vadd.f32 v8, v1  }
0xe9: {  	v17 =	vmul.f32 v17, v50;
	v23 =	vadd.f32 v23, v28;
	v28 =	vadd.f32 v15, v42;
	v15 =	vld [tilespmem:s30+$0x1420]  }
0xea: {  	v19 =	vmul.f32 v19, v38;
	v57 =	vld [tilespmem:s30+$0x1430];
	v1 =	vadd.f32 v24, v1;
	v24 =	vadd.f32 $0.0e+00, v48  }
0xeb: {  	v21 =	vmul.f32 v21, v53;
	v2 =	vadd.f32 v20, v2;
	v8 =	vld [tilespmem:s30+$0x5430];
	v17 =	vadd.f32 v17, v46  }
0xec: {  	v16 =	vmul.f32 v16, v50;
	v19 =	vadd.f32 v19, v23;
	v46 =	vld [tilespmem:s30+$0x1470];
	v24 =	vadd.f32 v44, v24  }
0xed: {  	v20 =	vadd.f32 v27, v61;
	v17 =	vadd.f32 v21, v17;
	v44 =	vld [tilespmem:s30+$0x1440]  }
0xee: {  	v13 =	vmul.f32 v13, v53;
	v16 =	vadd.f32 v16, v19;
	v24 =	vadd.f32 v52, v24;
	v52 =	vld [tilespmem:s30+$0x1450]  }
0xef: {  	[tilespmem:s26+$0x8450] =	vst v17;
	v17 =	vmul.f32 v5, v50;
	v5 =	vadd.f32 v30, v20;
	v20 =	vmul.f32 v3, v53;
	v3 =	vld [tilespmem:$0x1FFB0];
	_ =	sdelay $0x1  }
0xf0: {  	v13 =	vadd.f32 v13, v16  }
0xf1: {  	v23 =	vadd.f32 v56, v28  }
0xf2: {  	[tilespmem:s26+$0x8410] =	vst v13  }
0xf3: {  	v19 =	vadd.f32 v35, v23;
	v23 =	vmul.f32 v3, v53;
	v3 =	vld [tilespmem:s30+$0x7420];
	_ =	sdelay $0x4  }
0xf4: {  	[tilespmem:$0x1FFB0] =	vst v3;
	v3 =	vld [tilespmem:s30+$0x7400]  }
0xf5: {  	v22 =	vmul.f32 v22, v34;
	_ =	sdelay $0x1  }
0xf6: {  	v0 =	vadd.f32 v54, v0;
	v16 =	vadd.f32 v22, v24;
	v22 =	vld [tilespmem:s26+$0x7430]  }
0xf7: {  	v18 =	vmul.f32 v18, v38;
	v2 =	vadd.f32 v33, v2;
	v21 =	vmul.f32 v6, v50;
	v6 =	vld [tilespmem:s26+$0x7440]  }
0xf8: {  	v12 =	vmul.f32 v12, v50;
	v0 =	vadd.f32 v60, v0;
	v16 =	vadd.f32 v29, v16;
	[tilespmem:$0x1FFC0] =	vst v3;
	v3 =	vld [tilespmem:$0x1FFA0]  }
0xf9: {  	v10 =	vmul.f32 v10, v50;
	v2 =	vadd.f32 v18, v2;
	v19 =	vadd.f32 v25, v19  }
0xfa: {  	v7 =	vmul.f32 v7, v50;
	v13 =	vld [tilespmem:s30+$0x7460];
	v18 =	vadd.f32 v32, v5;
	v16 =	vadd.f32 v37, v16  }
0xfb: {  	v0 =	vadd.f32 v12, v0;
	v19 =	vadd.f32 v26, v19;
	v5 =	vld [tilespmem:s30+$0x6420];
	v12 =	vmul.f32 v22, v53  }
0xfc: {  	v18 =	vadd.f32 v10, v18;
	v10 =	vld [tilespmem:s30+$0x6460];
	v4 =	vadd.f32 v7, v16;
	v16 =	vmul.f32 v6, v53  }
0xfd: {  	v2 =	vadd.f32 v21, v2;
	v6 =	vld [tilespmem:s30+$0x6400];
	v1 =	vadd.f32 v12, v1;
	v24 =	vmul.f32 v3, v53  }
0xfe: {  	v7 =	vld [tilespmem:s30+$0x6440];
	v21 =	vadd.f32 v16, v4;
	v16 =	vadd.f32 v17, v19  }
0xff: {  	v11 =	vmul.f32 v11, v53;
	v12 =	vld [tilespmem:s30+$0x6470];
	v17 =	vadd.f32 v24, v18  }
0x100: {  	v3 =	vmov v13;
	v13 =	vld [tilespmem:s30+$0x7410];
	[tilespmem:s26+$0x8430] =	vst v1;
	v18 =	vadd.f32 v23, v16  }
0x101: {  	v0 =	vadd.f32 v11, v0;
	v11 =	vld [tilespmem:s30+$0x7470];
	[tilespmem:s26+$0x8460] =	vst v17  }
0x102: {  	v16 =	vld [tilespmem:s30+$0x6410];
	[tilespmem:s26+$0x8420] =	vst v18  }
0x103: {  	v2 =	vadd.f32 v20, v2;
	v17 =	vld [tilespmem:s30+$0x6450];
	[tilespmem:s26+$0x8440] =	vst v21  }
0x104: {  	v19 =	vld [tilespmem:s30+$0x5410];
	[tilespmem:s26+$0x8470] =	vst v0  }
0x105: {  	v18 =	vld [tilespmem:s30+$0x5400];
	[tilespmem:s26+$0x8400] =	vst v2;
	s26 =	smov.u32 s30  }
0x106: {  	v20 =	vld [tilespmem:s26+$0x3400]  }
0x107: {  	v21 =	vld [tilespmem:s26+$0x7450]  }
0x108: {  	v23 =	vld [tilespmem:s26+$0x4410]  }
0x109: {  	v24 =	vld [tilespmem:s26+$0x6430]  }
0x10a: {  	v22 =	vld [tilespmem:s26+$0x3440]  }
0x10b: {  	v28 =	vld [tilespmem:s26+$0x3410]  }
0x10c: {  	v0 =	vld [tilespmem:s26+$0x5440]  }
0x10d: {  	v1 =	vld [tilespmem:s26+$0x4430]  }
0x10e: {  	v2 =	vld [tilespmem:s26+$0x3450]  }
0x10f: {  	v26 =	vld [tilespmem:s26+$0x4440]  }
0x110: {  	v32 =	vld [tilespmem:s26+$0x2450]  }
0x111: {  	v37 =	vld [tilespmem:s26+$0x5460]  }
0x112: {  	v33 =	vld [tilespmem:s26+$0x4400]  }
0x113: {  	s28 =	sadd.s32 $0x1, s28;
	v30 =	vld [tilespmem:s26+$0x4460]  }
0x114: {  	v48 =	vld.msk [tilespmem:s28+$0xFFFFFF80 ss:$0x0], $0xffff  }
0x115: {  	v25 =	vld [tilespmem:s26+$0x3460]  }
0x116: {  	v53 =	vld.msk [tilespmem:s28+$0xFFFFFFA0 ss:$0x0], $0xffff  }
0x117: {  	[tilespmem:$0x1FFA0] =	vst v3;
	v3 =	vld.msk [tilespmem:s28+$0xFFFFFFC0 ss:$0x0], $0xffff  }
0x118: {  	v29 =	vld [tilespmem:s26+$0x2400]  }
0x119: {  	v27 =	vld [tilespmem:s26+$0x2460]  }
0x11a: {  	v34 =	vld.msk [tilespmem:s28+$0xFFFFFFE0 ss:$0x0], $0xffff;
	v58 =	vmul.f32 v45, v48;
	v59 =	vmul.f32 v63, v48  }
0x11b: {  	v43 =	vld.msk [tilespmem:s28+$0x0 ss:$0x0], $0xffff;
	v60 =	vmul.f32 v47, v48;
	v61 =	vmul.f32 v62, v48  }
0x11c: {  	v38 =	vld.msk [tilespmem:s28+$0x20 ss:$0x0], $0xffff;
	v51 =	vmul.f32 v31, v53;
	v56 =	vmul.f32 v57, v53  }
0x11d: {  	v54 =	vld [tilespmem:s26+$0x2440];
	v52 =	vmul.f32 v52, v53;
	v31 =	vmul.f32 v29, v3  }
0x11e: {  	v4 =	vld [tilespmem:s26+$0x2430];
	v29 =	vmul.f32 v40, v48;
	v55 =	vmul.f32 v27, v3  }
0x11f: {  	v62 =	vld [tilespmem:s26+$0x3420];
	v27 =	vmul.f32 v25, v34;
	v41 =	vmul.f32 v41, v48  }
0x120: {  	v63 =	vld [tilespmem:s26+$0x4420];
	v44 =	vmul.f32 v44, v53;
	v45 =	vmul.f32 v49, v53  }
0x121: {  	v57 =	vld [tilespmem:s26+$0x5420];
	v30 =	vmul.f32 v30, v43;
	v33 =	vmul.f32 v33, v43;
	v39 =	vadd.f32 $0.0e+00, v58  }
0x122: {  	v49 =	vld [tilespmem:s26+$0x3470];
	v2 =	vmul.f32 v2, v34;
	v47 =	vadd.f32 $0.0e+00, v59;
	v42 =	vadd.f32 $0.0e+00, v60  }
0x123: {  	v50 =	vadd.f32 $0.0e+00, v61;
	v58 =	vld [tilespmem:s26+$0x2410];
	v40 =	vadd.f32 $0.0e+00, v29;
	v29 =	vmul.f32 v26, v43  }
0x124: {  	v59 =	vld [tilespmem:s26+$0x2470];
	v60 =	vadd.f32 $0.0e+00, v41;
	v61 =	vmul.f32 v32, v3;
	v32 =	vmul.f32 v37, v38  }
0x125: {  	v37 =	vmul.f32 v0, v38;
	v0 =	vmul.f32 v36, v48;
	v41 =	vadd.f32 v52, v50;
	v50 =	vld [tilespmem:s26+$0x2420]  }
0x126: {  	p0 =	sne.s32 s31, $0x3E00;
	v36 =	vmul.f32 v1, v43;
	v25 =	vmul.f32 v63, v43;
	v63 =	vld [tilespmem:s26+$0x4470]  }
.Ltmp5:
0x127: {  	v1 =	vmul.f32 v4, v3;
	v35 =	vmul.f32 v62, v34;
	v62 =	vadd.f32 v56, v60;
	v60 =	vld [tilespmem:s26+$0x3430];
	(pc) =	sbr.rel @p0 .LBB2_4-.Ltmp5, $4  }
0x128: {  	v52 =	vmul.f32 v54, v3;
	v26 =	vmul.f32 v57, v38;
	v54 =	vadd.f32 v61, v41;
	v41 =	vld [tilespmem:s26+$0x5470]  }
0x129: {  	s29 =	smov.u32 s31;
	v49 =	vmul.f32 v49, v34;
	v61 =	vld [tilespmem:s26+$0x4450];
	v57 =	vmul.f32 v58, v3  }
0x12a: {  	s29 =	sadd.s32 $0x200, s31;
	v58 =	vmul.f32 v59, v3;
	v59 =	vadd.f32 v2, v54;
	v56 =	vmul.f32 v50, v3;
	v50 =	vld.msk [tilespmem:s28+$0x40 ss:$0x0], $0xffff  }
0x12b: {  	s31 =	smov.u32 s29;
	v54 =	vmul.f32 v63, v43;
	v63 =	vadd.f32 $0.0e+00, v0;
	v0 =	vmul.f32 v46, v53;
	v46 =	vld [tilespmem:s26+$0x5450]  }
0x12c: {  	v2 =	vadd.f32 v45, v40;
	v3 =	vmul.f32 v60, v34;
	v4 =	vmul.f32 v14, v53  }
0x12d: {  	v1 =	vadd.f32 v1, v62;
	v53 =	vmul.f32 v15, v53;
	v60 =	vmul.f32 v9, v48  }
0x12e: {  	v8 =	vmul.f32 v8, v38;
	v28 =	vmul.f32 v28, v34;
	v0 =	vadd.f32 v0, v47  }
0x12f: {  	v23 =	vmul.f32 v23, v43;
	v2 =	vadd.f32 v57, v2;
	v1 =	vadd.f32 v3, v1  }
0x130: {  	v57 =	vmul.f32 v61, v43;
	v61 =	vadd.f32 v51, v63;
	v3 =	vadd.f32 $0.0e+00, v60  }
0x131: {  	v18 =	vmul.f32 v18, v38;
	v4 =	vadd.f32 v4, v39;
	v14 =	vadd.f32 v53, v42  }
0x132: {  	v41 =	vmul.f32 v41, v38;
	v0 =	vadd.f32 v58, v0;
	v15 =	vadd.f32 v57, v59  }
0x133: {  	v47 =	vmul.f32 v22, v34;
	v1 =	vadd.f32 v36, v1;
	v9 =	vadd.f32 v55, v61  }
0x134: {  	v43 =	vmul.f32 v19, v38;
	v2 =	vadd.f32 v28, v2;
	v3 =	vadd.f32 v44, v3  }
0x135: {  	v62 =	vmul.f32 v46, v38;
	v14 =	vadd.f32 v56, v14;
	v4 =	vadd.f32 v31, v4  }
0x136: {  	v51 =	vmul.f32 v20, v34;
	v0 =	vadd.f32 v49, v0;
	v1 =	vadd.f32 v8, v1  }
0x137: {  	v63 =	vmul.f32 v24, v50;
	v15 =	vadd.f32 v62, v15;
	v2 =	vadd.f32 v23, v2  }
0x138: {  	v17 =	vmul.f32 v17, v50;
	v3 =	vadd.f32 v52, v3;
	v14 =	vadd.f32 v35, v14  }
0x139: {  	v53 =	vmul.f32 v12, v50;
	v36 =	vld.msk [tilespmem:s28+$0x60 ss:$0x0], $0xffff;
	v9 =	vadd.f32 v27, v9;
	v4 =	vadd.f32 v51, v4  }
0x13a: {  	v10 =	vmul.f32 v10, v50;
	v55 =	vld [tilespmem:s26+$0x7430];
	v0 =	vadd.f32 v54, v0;
	v1 =	vadd.f32 v63, v1  }
0x13b: {  	v7 =	vmul.f32 v7, v50;
	v2 =	vadd.f32 v43, v2;
	v15 =	vadd.f32 v17, v15  }
0x13c: {  	v46 =	vmul.f32 v16, v50;
	v3 =	vadd.f32 v47, v3;
	v9 =	vadd.f32 v30, v9  }
0x13d: {  	v6 =	vmul.f32 v6, v50;
	v56 =	vadd.f32 v25, v14;
	v4 =	vadd.f32 v33, v4  }
0x13e: {  	v57 =	vld [tilespmem:$0x1FFA0];
	v45 =	vmul.f32 v21, v36;
	v0 =	vadd.f32 v41, v0;
	v2 =	vadd.f32 v46, v2  }
0x13f: {  	v58 =	vld [tilespmem:$0x1FFB0];
	v12 =	vmul.f32 v55, v36;
	v3 =	vadd.f32 v29, v3;
	v9 =	vadd.f32 v32, v9  }
0x140: {  	v63 =	vld [tilespmem:$0x1FFC0];
	v48 =	vmul.f32 v13, v36;
	v13 =	vadd.f32 v26, v56;
	v4 =	vadd.f32 v18, v4  }
0x141: {  	v5 =	vmul.f32 v5, v50;
	v52 =	vld [tilespmem:s26+$0x7440];
	v49 =	vadd.f32 v45, v15;
	v1 =	vadd.f32 v12, v1  }
0x142: {  	v62 =	vmul.f32 v11, v36;
	v0 =	vadd.f32 v53, v0;
	v2 =	vadd.f32 v48, v2  }
0x143: {  	v14 =	vmul.f32 v57, v36;
	v3 =	vadd.f32 v37, v3;
	v9 =	vadd.f32 v10, v9;
	[tilespmem:s26+$0x8450] =	vst v49  }
0x144: {  	v10 =	vmul.f32 v58, v36;
	v5 =	vadd.f32 v5, v13;
	[tilespmem:s26+$0x8430] =	vst v1;
	v0 =	vadd.f32 v62, v0  }
0x145: {  	v4 =	vadd.f32 v6, v4;
	v1 =	vmul.f32 v63, v36;
	[tilespmem:s26+$0x8410] =	vst v2;
	v61 =	vadd.f32 v14, v9  }
0x146: {  	v60 =	vmul.f32 v52, v36;
	v59 =	vadd.f32 v7, v3;
	v5 =	vadd.f32 v10, v5;
	[tilespmem:s26+$0x8470] =	vst v0  }
0x147: {  	v1 =	vadd.f32 v1, v4;
	[tilespmem:s26+$0x8460] =	vst v61  }
0x148: {  	v2 =	vadd.f32 v60, v59;
	[tilespmem:s26+$0x8420] =	vst v5  }
0x149: {  	s25 =	sshll.u32 s25, $0x9;
	[tilespmem:s26+$0x8400] =	vst v1  }
.Ltmp6:
0x14a: {  	s25 =	sadd.s32 s5, s25;
	[tilespmem:s26+$0x8440] =	vst v2;
	(pc) =	sbr.rel .LBB2_6-.Ltmp6, $4  }
0x14b: {  	[hbm4b:s25+s6] =	stream.linear.scatter [tilespmem:s21], [sflag:$0x2], $0x1000, $0x38;
	[tilespmem:$0x9400] =	vst v63  }
0x14c: {  	_ =	swait.ge [sflag:s22], $0x1000  }
0x14d: {  	[sflag:s22] =	ssyncset.done $0x0  }
0x14e: {  	[sflag:s22] =	ssyncadd.s32 $0xFFFFF000  }
.LBB2_7:
.Ltmp7:
0x14f: {  	(pc) =	sbr.rel .LBB2_8-.Ltmp7, $2  }
0x150: {  	_ =	sdelay $0x2  }
0x151: {  	s24 =	simm.s32 $0x0  }
.LBB2_12:
0x152: {  	s24 =	sadd.s32 $0x1, s24  }
0x153: {  	p0 =	sne.s32 s24, $0x62  }
.Ltmp8:
0x154: {  	_ = 	snop;
	(pc) =	sbr.rel @!p0 .LBB2_13-.Ltmp8, $1  }
0x155: {  	_ =	sdelay $0x3  }
.LBB2_8:
0x156: {  	s25 =	sshll.u32 s24, $0x5  }
0x157: {  	s25 =	sor.u32 s8, s25  }
0x158: {  	p0 =	sgt.u32 s25, $0xC34  }
.Ltmp9:
0x159: {  	_ = 	snop;
	(pc) =	sbr.rel @p0 .LBB2_12-.Ltmp9, $1  }
0x15a: {  	_ =	sdelay $0x3  }
0x15b: {  	s26 =	sshll.u32 s25, $0x3  }
0x15c: {  	s26 =	sand.u32 $0x7FE0, s26  }
0x15d: {  	s26 =	sor.u32 s12, s26  }
0x15e: {  	s29 =	simm.s32 $0x0;
	s28 =	sadd.s32 s2, s26  }
0x15f: {  	[tilespmem:s29], [sflag:$0x3] =	stream.linear.gather [hbm4b:s28+s29], $0x20, $0x38;
	[tilespmem:$0x9400] =	vst v63  }
0x160: {  	_ =	swait.ge [sflag:s13], $0x20  }
0x161: {  	[sflag:s13] =	ssyncset.done $0x0  }
0x162: {  	s28 =	sadd.s32 s3, s26;
	[sflag:s13] =	ssyncadd.s32 $0xFFFFFFE0  }
0x163: {  	[tilespmem:s14], [sflag:$0x3] =	stream.linear.gather [hbm4b:s28+s29], $0x20, $0x38;
	[tilespmem:$0x9400] =	vst v63  }
0x164: {  	_ =	swait.ge [sflag:s13], $0x20  }
0x165: {  	[sflag:s13] =	ssyncset.done $0x0  }
0x166: {  	s26 =	sadd.s32 s4, s26;
	[sflag:s13] =	ssyncadd.s32 $0xFFFFFFE0  }
0x167: {  	[tilespmem:s15], [sflag:$0x3] =	stream.linear.gather [hbm4b:s26+s29], $0x20, $0x38;
	[tilespmem:$0x9400] =	vst v63  }
0x168: {  	_ =	swait.ge [sflag:s13], $0x20  }
0x169: {  	[sflag:s13] =	ssyncset.done $0x0  }
0x16a: {  	[sflag:s13] =	ssyncadd.s32 $0xFFFFFFE0  }
0x16b: {  	v0 =	vld [tilespmem:$0x0];
	_ =	sdelay $0x1  }
0x16c: {  	v21 =	vld [tilespmem:$0x1FFE0];
	_ =	sdelay $0x2  }
0x16d: {  	v1 =	vld [tilespmem:$0x80];
	v0 =	vadd.f32 v0, v0;
	_ =	sdelay $0x1  }
0x16e: {  	v0 =	vmul.f32 v0, v21;
	_ =	sdelay $0x1  }
0x16f: {  	v0 =	vadd.f32 $-1.000000000e+00, v0  }
0x170: {  	v1 =	vadd.f32 v1, v1  }
0x171: {  	v2 =	vld [tilespmem:$0x100];
	v0 =	vadd.f32 $1.000000000e+00, v0  }
0x172: {  	v26 =	vld [tilespmem:$0x1FFF0];
	v1 =	vmul.f32 v1, v21  }
0x173: {  	v0 =	vmul.f32 $4.800000000e+01, v0  }
0x174: {  	v1 =	vadd.f32 $-1.000000000e+00, v1  }
0x175: {  	v11 =	vld [tilespmem:$0x10];
	v0 =	vadd.f32 $-1.000000000e+00, v0  }
0x176: {  	v16 =	vld [tilespmem:$0x110];
	v2 =	vadd.f32 v2, v2;
	v1 =	vadd.f32 $1.000000000e+00, v1  }
0x177: {  	v0 =	vmul.f32 v0, v26  }
0x178: {  	v2 =	vmul.f32 v2, v21;
	v1 =	vmul.f32 $4.800000000e+01, v1  }
0x179: {  	v3 =	vadd.f32 $1.000000000e+00, v0  }
0x17a: {  	v2 =	vadd.f32 $-1.000000000e+00, v2;
	v1 =	vadd.f32 $-1.000000000e+00, v1  }
0x17b: {  	v11 =	vadd.f32 v11, v11;
	v16 =	vadd.f32 v16, v16;
	v3 =	vtrunc.f32 v3  }
0x17c: {  	v2 =	vadd.f32 $1.000000000e+00, v2;
	v1 =	vmul.f32 v1, v26;
	v3 =	vcvt.f32.s32 v3  }
0x17d: {  	v11 =	vmul.f32 v11, v21;
	v16 =	vmul.f32 v16, v21  }
0x17e: {  	v2 =	vmul.f32 $4.800000000e+01, v2;
	v5 =	vadd.f32 $1.000000000e+00, v1;
	v4 =	vadd.s32 $0xFFFFFFFF, v3  }
0x17f: {  	v11 =	vadd.f32 $-1.000000000e+00, v11;
	v6 =	vcvt.s32.f32 v4  }
0x180: {  	v16 =	vadd.f32 $-1.000000000e+00, v16;
	v2 =	vadd.f32 $-1.000000000e+00, v2;
	v5 =	vtrunc.f32 v5  }
0x181: {  	v5 =	vcvt.f32.s32 v5;
	v7 =	vadd.f32 $1.000000000e+00, v6  }
0x182: {  	v11 =	vadd.f32 $1.000000000e+00, v11;
	v16 =	vadd.f32 $1.000000000e+00, v16;
	v2 =	vmul.f32 v2, v26  }
0x183: {  	v6 =	vsub.f32 v0, v6;
	v0 =	vsub.f32 v7, v0;
	v7 =	vadd.s32 $0xFFFFFFFF, v5  }
0x184: {  	v8 =	vcvt.s32.f32 v7  }
0x185: {  	v11 =	vmul.f32 $4.800000000e+01, v11;
	v16 =	vmul.f32 $4.800000000e+01, v16;
	v9 =	vadd.f32 $1.000000000e+00, v2  }
0x186: {  	v10 =	vadd.f32 $1.000000000e+00, v8  }
0x187: {  	v11 =	vadd.f32 $-1.000000000e+00, v11;
	v16 =	vadd.f32 $-1.000000000e+00, v16;
	v9 =	vtrunc.f32 v9  }
0x188: {  	v9 =	vcvt.f32.s32 v9;
	v10 =	vsub.f32 v10, v1  }
0x189: {  	v11 =	vmul.f32 v11, v26;
	v16 =	vmul.f32 v16, v26;
	vm8 =	vlt.u32 v7, $0x30  }
0x18a: {  	v1 =	vsub.f32 v1, v8;
	v8 =	vnsel vm8, $0x0, v10;
	v10 =	vadd.s32 $0xFFFFFFFF, v9  }
0x18b: {  	vm1 =	vlt.u32 v3, $0x30;
	vm7 =	vgt.s32 v3, $0x0;
	v12 =	vcvt.s32.f32 v10  }
0x18c: {  	vm10 =	vlt.u32 v5, $0x30;
	vm11 =	vgt.s32 v5, $0x0;
	vm0 =	vlt.u32 v4, $0x30  }
0x18d: {  	vm6 =	vgt.s32 v4, $0x0;
	vm12 =	vgt.s32 v10, $0x0;
	v13 =	vadd.f32 $1.000000000e+00, v12  }
0x18e: {  	v3 =	vnsel vm7, $0x0, v3;
	v4 =	vnsel vm6, $0x0, v4;
	v14 =	vnsel vm12, $0x0, v10  }
0x18f: {  	v12 =	vsub.f32 v2, v12;
	v2 =	vsub.f32 v13, v2;
	v13 =	vmin.u32 v14, $0x2F;
	v14 =	vld [tilespmem:$0x90]  }
0x190: {  	vm14 =	vlt.u32 v9, $0x30;
	v3 =	vmin.u32 v3, $0x2F;
	v4 =	vmin.u32 v4, $0x2F  }
0x191: {  	vm15 =	vgt.s32 v9, $0x0;
	v3 =	vor.u32 $0x1B000, v3;
	v4 =	vor.u32 $0x1B000, v4  }
0x192: {  	v6 =	vnsel vm1, $0x0, v6;
	v5 =	vnsel vm11, $0x0, v5;
	vm9 =	vgt.s32 v7, $0x0  }
0x193: {  	v5 =	vmin.u32 v5, $0x2F;
	v0 =	vnsel vm0, $0x0, v0;
	v7 =	vnsel vm9, $0x0, v7  }
0x194: {  	v7 =	vmin.u32 v7, $0x2F;
	v9 =	vnsel vm15, $0x0, v9;
	v14 =	vadd.f32 v14, v14  }
0x195: {  	vm13 =	vlt.u32 v10, $0x30;
	v9 =	vmin.u32 v9, $0x2F;
	v10 =	vmul.u32 $0x30, v13  }
0x196: {  	v1 =	vnsel vm10, $0x0, v1;
	v9 =	vmul.u32 $0x30, v9;
	v14 =	vmul.f32 v14, v21  }
0x197: {  	v12 =	vnsel vm14, $0x0, v12;
	v2 =	vnsel vm13, $0x0, v2;
	v13 =	vadd.s32 v7, v10  }
0x198: {  	v15 =	vmul.f32 v2, v8;
	v10 =	vadd.s32 v5, v10;
	v14 =	vadd.f32 $-1.000000000e+00, v14  }
0x199: {  	v2 =	vmul.f32 v2, v1;
	v7 =	vadd.s32 v7, v9;
	v8 =	vmul.f32 v8, v12  }
0x19a: {  	v5 =	vadd.s32 v5, v9;
	v1 =	vmul.f32 v12, v1;
	v14 =	vadd.f32 $1.000000000e+00, v14  }
0x19b: {  	v13 =	vmul.u32 $0x30, v13;
	v18 =	vmul.f32 v15, v0;
	v15 =	vmul.f32 v15, v6  }
0x19c: {  	v10 =	vmul.u32 $0x30, v10;
	v20 =	vmul.f32 v2, v0;
	v14 =	vmul.f32 $4.800000000e+01, v14  }
0x19d: {  	v2 =	vmul.f32 v2, v6;
	v23 =	vmul.f32 v8, v0;
	v21 =	vadd.f32 $1.000000000e+00, v11  }
0x19e: {  	v8 =	vmul.f32 v8, v6;
	v0 =	vmul.f32 v1, v0;
	v14 =	vadd.f32 $-1.000000000e+00, v14  }
0x19f: {  	v7 =	vmul.u32 $0x30, v7;
	v1 =	vmul.f32 v1, v6;
	v21 =	vtrunc.f32 v21  }
0x1a0: {  	v5 =	vmul.u32 $0x30, v5;
	v9 =	vcvt.f32.s32 v21;
	v14 =	vmul.f32 v14, v26  }
0x1a1: {  	v17 =	vadd.s32 v13, v4;
	v13 =	vadd.s32 v13, v3;
	v19 =	vadd.s32 v10, v4  }
0x1a2: {  	v10 =	vadd.s32 v10, v3;
	v12 =	vadd.s32 $0xFFFFFFFF, v9;
	v21 =	vadd.f32 $1.000000000e+00, v14  }
0x1a3: {  	v22 =	vadd.s32 v7, v4;
	[tilespmem:$0x180] =	vst v17;
	v17 =	vadd.f32 $1.000000000e+00, v16;
	v24 =	vcvt.s32.f32 v12  }
0x1a4: {  	v7 =	vadd.s32 v7, v3;
	v4 =	vadd.s32 v5, v4;
	v21 =	vtrunc.f32 v21  }
0x1a5: {  	[tilespmem:$0x1A0] =	vst v13;
	v13 =	vtrunc.f32 v17;
	v25 =	vadd.f32 $1.000000000e+00, v24;
	v21 =	vcvt.f32.s32 v21  }
0x1a6: {  	v3 =	vadd.s32 v5, v3;
	v13 =	vcvt.f32.s32 v13;
	vm5 =	vlt.u32 v9, $0x30  }
0x1a7: {  	v5 =	vsub.f32 v11, v24;
	v6 =	vsub.f32 v25, v11;
	v11 =	vadd.s32 $0xFFFFFFFF, v21  }
0x1a8: {  	[tilespmem:$0x280] =	vst v18;
	vm7 =	vgt.s32 v9, $0x0;
	v17 =	vadd.s32 $0xFFFFFFFF, v13;
	v18 =	vcvt.s32.f32 v11  }
0x1a9: {  	[tilespmem:$0x2A0] =	vst v15;
	vm14 =	vgt.s32 v13, $0x0;
	vm4 =	vlt.u32 v12, $0x30;
	vm6 =	vgt.s32 v12, $0x0  }
0x1aa: {  	[tilespmem:$0x1E0] =	vst v10;
	v9 =	vnsel vm7, $0x0, v9;
	v10 =	vcvt.s32.f32 v17;
	v15 =	vadd.f32 $1.000000000e+00, v18  }
0x1ab: {  	[tilespmem:$0x1C0] =	vst v19;
	vm9 =	vgt.s32 v17, $0x0;
	vm13 =	vlt.u32 v17, $0x30;
	v12 =	vnsel vm6, $0x0, v12  }
0x1ac: {  	[tilespmem:$0x2C0] =	vst v20;
	v9 =	vmin.u32 v9, $0x2F;
	v12 =	vmin.u32 v12, $0x2F;
	v15 =	vsub.f32 v15, v14  }
0x1ad: {  	[tilespmem:$0x2E0] =	vst v2;
	v9 =	vor.u32 $0x1B000, v9;
	vm8 =	vlt.u32 v11, $0x30;
	v2 =	vsub.f32 v14, v18  }
0x1ae: {  	[tilespmem:$0x200] =	vst v22;
	v18 =	vnsel vm9, $0x0, v17;
	v14 =	vnsel vm8, $0x0, v15;
	v15 =	vadd.f32 $1.000000000e+00, v10  }
0x1af: {  	[tilespmem:$0x300] =	vst v23;
	v12 =	vor.u32 $0x1B000, v12;
	vm11 =	vgt.s32 v11, $0x0;
	v18 =	vmin.u32 v18, $0x2F  }
0x1b0: {  	[tilespmem:$0x220] =	vst v7;
	v7 =	vnsel vm11, $0x0, v11;
	v11 =	vsub.f32 v15, v16;
	v15 =	vmul.u32 $0x30, v18  }
0x1b1: {  	[tilespmem:$0x320] =	vst v8;
	v5 =	vnsel vm5, $0x0, v5;
	v6 =	vnsel vm4, $0x0, v6;
	v7 =	vmin.u32 v7, $0x2F  }
0x1b2: {  	[tilespmem:$0x240] =	vst v4;
	vm12 =	vgt.s32 v21, $0x0;
	v8 =	vnsel vm13, $0x0, v11;
	v11 =	vadd.s32 v7, v15  }
0x1b3: {  	[tilespmem:$0x340] =	vst v0;
	vm10 =	vlt.u32 v21, $0x30;
	v4 =	vnsel vm12, $0x0, v21;
	v0 =	vmul.u32 $0x30, v11  }
0x1b4: {  	[tilespmem:$0x260] =	vst v3;
	v3 =	vmin.u32 v4, $0x2F;
	v4 =	vnsel vm14, $0x0, v13;
	v11 =	vmul.f32 v8, v14  }
0x1b5: {  	[tilespmem:$0x360] =	vst v1;
	v4 =	vmin.u32 v4, $0x2F;
	v2 =	vnsel vm10, $0x0, v2;
	v1 =	vadd.s32 v0, v12  }
0x1b6: {  	v17 =	vmul.f32 v11, v6;
	v0 =	vadd.s32 v0, v9;
	[tilespmem:$0x190] =	vst v1;
	v1 =	vadd.s32 v3, v15  }
0x1b7: {  	v8 =	vmul.f32 v8, v2;
	v11 =	vmul.f32 v11, v5;
	[tilespmem:$0x1B0] =	vst v0;
	v1 =	vmul.u32 $0x30, v1  }
0x1b8: {  	v10 =	vsub.f32 v16, v10;
	v0 =	vmul.u32 $0x30, v4;
	[tilespmem:$0x290] =	vst v17  }
0x1b9: {  	vm15 =	vlt.u32 v13, $0x30;
	[tilespmem:$0x2B0] =	vst v11;
	v11 =	vmul.f32 v8, v6;
	v4 =	vadd.s32 v1, v12  }
0x1ba: {  	v10 =	vnsel vm15, $0x0, v10;
	v1 =	vadd.s32 v1, v9;
	[tilespmem:$0x1D0] =	vst v4;
	v4 =	vadd.s32 v7, v0  }
0x1bb: {  	[tilespmem:$0x2D0] =	vst v11;
	v7 =	vmul.f32 v8, v5;
	v8 =	vmul.f32 v14, v10;
	v4 =	vmul.u32 $0x30, v4  }
0x1bc: {  	[tilespmem:$0x1F0] =	vst v1  }
0x1bd: {  	[tilespmem:$0x2F0] =	vst v7;
	v7 =	vmul.f32 v8, v6;
	v1 =	vadd.s32 v4, v12  }
0x1be: {  	v0 =	vadd.s32 v3, v0;
	v3 =	vmul.f32 v8, v5;
	[tilespmem:$0x210] =	vst v1  }
0x1bf: {  	v2 =	vmul.f32 v10, v2;
	v0 =	vmul.u32 $0x30, v0;
	[tilespmem:$0x310] =	vst v7  }
0x1c0: {  	v1 =	vadd.s32 v4, v9;
	[tilespmem:$0x330] =	vst v3  }
0x1c1: {  	v3 =	vmul.f32 v2, v6;
	[tilespmem:$0x230] =	vst v1;
	v1 =	vadd.s32 v0, v12  }
0x1c2: {  	[tilespmem:$0x250] =	vst v1  }
0x1c3: {  	v0 =	vadd.s32 v0, v9;
	[tilespmem:$0x350] =	vst v3;
	v1 =	vmul.f32 v2, v5  }
0x1c4: {  	[tilespmem:$0x270] =	vst v0  }
0x1c5: {  	[tilespmem:$0x370] =	vst v1  }
0x1c6: {  	[tilespmem:s17], [sflag:$0x1] =	stream.indirect.gather [hbm4b:s1+s14], $0x80, s16, s14, $0xb8;
	[tilespmem:$0x9400] =	vst v63  }
0x1c7: {  	_ = 	snop  }
0x1c8: {  	[tilespmem:s19], [sflag:$0x1] =	stream.indirect.gather [hbm4b:s1+s14], $0x80, s18, s14, $0xb8;
	[tilespmem:$0x9400] =	vst v63  }
0x1c9: {  	_ =	swait.ge [sflag:s20], $0x4000  }
0x1ca: {  	[sflag:s20] =	ssyncset.done $0x0  }
0x1cb: {  	[sflag:s20] =	ssyncadd.s32 $0xFFFFC000  }
0x1cc: {  	_ =	swait.ge [sflag:s20], $0x4000  }
0x1cd: {  	[sflag:s20] =	ssyncset.done $0x0  }
0x1ce: {  	s26 =	simm.s32 $0x0;
	[sflag:s20] =	ssyncadd.s32 $0xFFFFC000  }
0x1cf: {  	v0 =	vld [tilespmem:s26+$0x400]  }
0x1d0: {  	v44 =	vld [tilespmem:s26+$0x410]  }
0x1d1: {  	v25 =	vld [tilespmem:s26+$0x420]  }
0x1d2: {  	v26 =	vld [tilespmem:s26+$0x430]  }
0x1d3: {  	v9 =	vld [tilespmem:s26+$0x440]  }
0x1d4: {  	v27 =	vld [tilespmem:s26+$0x450]  }
0x1d5: {  	v2 =	vld [tilespmem:s26+$0x460]  }
0x1d6: {  	v29 =	vld [tilespmem:s26+$0x470]  }
0x1d7: {  	v8 =	vld [tilespmem:s26+$0x5430]  }
0x1d8: {  	v14 =	vld [tilespmem:s26+$0x1400]  }
0x1d9: {  	v30 =	vld [tilespmem:s26+$0x1410]  }
0x1da: {  	v15 =	vld [tilespmem:s26+$0x1420]  }
0x1db: {  	v31 =	vld [tilespmem:s26+$0x1430]  }
0x1dc: {  	v32 =	vld [tilespmem:s26+$0x1440]  }
0x1dd: {  	v33 =	vld [tilespmem:s26+$0x1450]  }
0x1de: {  	v35 =	vld [tilespmem:s26+$0x1460]  }
0x1df: {  	v3 =	vld [tilespmem:s26+$0x1470]  }
0x1e0: {  	v1 =	vld [tilespmem:s26+$0x7460]  }
0x1e1: {  	v5 =	vld [tilespmem:s26+$0x6420]  }
0x1e2: {  	v6 =	vld [tilespmem:s26+$0x6400]  }
0x1e3: {  	v7 =	vld [tilespmem:s26+$0x6440]  }
0x1e4: {  	v10 =	vld [tilespmem:s26+$0x6460]  }
0x1e5: {  	v12 =	vld [tilespmem:s26+$0x6470]  }
0x1e6: {  	v13 =	vld [tilespmem:s26+$0x7410]  }
0x1e7: {  	v11 =	vld [tilespmem:s26+$0x7470]  }
0x1e8: {  	v16 =	vld [tilespmem:s26+$0x6410]  }
0x1e9: {  	v17 =	vld [tilespmem:s26+$0x6450]  }
0x1ea: {  	v19 =	vld [tilespmem:s26+$0x5410]  }
0x1eb: {  	v18 =	vld [tilespmem:s26+$0x5400]  }
0x1ec: {  	v20 =	vld [tilespmem:s26+$0x3400]  }
0x1ed: {  	v21 =	vld [tilespmem:s26+$0x7450]  }
0x1ee: {  	v23 =	vld [tilespmem:s26+$0x4410]  }
0x1ef: {  	v24 =	vld [tilespmem:s26+$0x6430]  }
0x1f0: {  	v22 =	vld [tilespmem:s26+$0x3440]  }
0x1f1: {  	v28 =	vld [tilespmem:s26+$0x3410]  }
0x1f2: {  	v4 =	vld [tilespmem:s26+$0x4430]  }
0x1f3: {  	v41 =	vld [tilespmem:s26+$0x3450]  }
0x1f4: {  	[tilespmem:$0x1FF60] =	vst v1;
	v1 =	vld [tilespmem:s26+$0x7420]  }
0x1f5: {  	v40 =	vld [tilespmem:s26+$0x4440]  }
0x1f6: {  	v49 =	vld [tilespmem:s26+$0x2450]  }
0x1f7: {  	v52 =	vld [tilespmem:s26+$0x5460]  }
0x1f8: {  	v54 =	vld [tilespmem:s26+$0x4400]  }
0x1f9: {  	[tilespmem:$0x1FF70] =	vst v1;
	v1 =	vld [tilespmem:s26+$0x7400]  }
0x1fa: {  	s28 =	simm.s32 $0x300;
	v56 =	vld [tilespmem:s26+$0x4460]  }
0x1fb: {  	v48 =	vld.msk [tilespmem:s28+$0xFFFFFF80 ss:$0x0], $0xffff  }
0x1fc: {  	v39 =	vld [tilespmem:s26+$0x3460]  }
0x1fd: {  	v53 =	vld.msk [tilespmem:s28+$0xFFFFFFA0 ss:$0x0], $0xffff  }
0x1fe: {  	[tilespmem:$0x1FF80] =	vst v1;
	v1 =	vld [tilespmem:s26+$0x5440]  }
0x1ff: {  	v38 =	vld [tilespmem:s26+$0x2400]  }
0x200: {  	v34 =	vld.msk [tilespmem:s28+$0xFFFFFFE0 ss:$0x0], $0xffff  }
0x201: {  	v45 =	vld [tilespmem:s26+$0x3420]  }
0x202: {  	v43 =	vld.msk [tilespmem:s28+$0x0 ss:$0x0], $0xffff  }
0x203: {  	v0 =	vmul.f32 v0, v48;
	[tilespmem:$0x1FF90] =	vst v1;
	v1 =	vld.msk [tilespmem:s28+$0xFFFFFFC0 ss:$0x0], $0xffff  }
0x204: {  	v42 =	vld [tilespmem:s26+$0x2460];
	v29 =	vmul.f32 v29, v48;
	v57 =	vmul.f32 v25, v48  }
0x205: {  	v62 =	vld [tilespmem:s26+$0x5420];
	v58 =	vmul.f32 v27, v48;
	v51 =	vmul.f32 v35, v53  }
0x206: {  	v59 =	vmul.f32 v31, v53;
	v25 =	vld [tilespmem:s26+$0x4420];
	v46 =	vmul.f32 v33, v53  }
0x207: {  	v61 =	vmul.f32 v44, v48;
	v33 =	vmul.f32 v54, v43;
	v54 =	vld [tilespmem:s26+$0x4470]  }
0x208: {  	v35 =	vmul.f32 v45, v34;
	v31 =	vmul.f32 v38, v1;
	v38 =	vld.msk [tilespmem:s28+$0x20 ss:$0x0], $0xffff  }
0x209: {  	v63 =	vld [tilespmem:s26+$0x2410];
	v27 =	vmul.f32 v39, v34;
	v37 =	vmul.f32 v26, v48  }
0x20a: {  	v60 =	vld [tilespmem:s26+$0x2470];
	v44 =	vmul.f32 v32, v53;
	v45 =	vmul.f32 v30, v53  }
0x20b: {  	v30 =	vmul.f32 v56, v43;
	v39 =	vadd.f32 $0.0e+00, v0;
	v0 =	vld [tilespmem:s26+$0x2440];
	v47 =	vadd.f32 $0.0e+00, v29  }
0x20c: {  	v36 =	vld [tilespmem:s26+$0x3470];
	v29 =	vmul.f32 v40, v43;
	v56 =	vadd.f32 $0.0e+00, v58;
	v25 =	vmul.f32 v25, v43  }
0x20d: {  	v40 =	vadd.f32 $0.0e+00, v61;
	v54 =	vmul.f32 v54, v43;
	v26 =	vmul.f32 v62, v38;
	v62 =	vld [tilespmem:$0x1FF90]  }
0x20e: {  	v50 =	vld [tilespmem:s26+$0x2420];
	v56 =	vadd.f32 v46, v56;
	v55 =	vmul.f32 v42, v1;
	v49 =	vmul.f32 v49, v1  }
0x20f: {  	v46 =	vld [tilespmem:s26+$0x2430];
	v42 =	vadd.f32 $0.0e+00, v57;
	v57 =	vmul.f32 v63, v1;
	v63 =	vmul.f32 v41, v34  }
0x210: {  	v61 =	vld [tilespmem:s26+$0x4450];
	v32 =	vmul.f32 v52, v38;
	v52 =	vmul.f32 v0, v1;
	v0 =	vadd.f32 $0.0e+00, v37  }
0x211: {  	v41 =	vld [tilespmem:s26+$0x5470];
	v58 =	vmul.f32 v60, v1;
	v56 =	vadd.f32 v49, v56;
	v49 =	vmul.f32 v36, v34  }
0x212: {  	v60 =	vld [tilespmem:s26+$0x3430];
	v37 =	vmul.f32 v62, v38;
	v62 =	vadd.f32 v59, v0;
	v0 =	vmul.f32 v2, v48  }
0x213: {  	v36 =	vmul.f32 v4, v43;
	v59 =	vadd.f32 v63, v56;
	v56 =	vmul.f32 v50, v1;
	v50 =	vld.msk [tilespmem:s28+$0x40 ss:$0x0], $0xffff  }
0x214: {  	s31 =	simm.s32 $0x200;
	v1 =	vmul.f32 v46, v1;
	v46 =	vld [tilespmem:s26+$0x5450];
	v63 =	vadd.f32 $0.0e+00, v0;
	v0 =	vmul.f32 v3, v53  }
.LBB2_10:
0x215: {  	v2 =	vmul.f32 v14, v53;
	v15 =	vmul.f32 v15, v53;
	v53 =	vld.msk [tilespmem:s28+$0x60 ss:$0x0], $0xffff  }
0x216: {  	s30 =	sshra.s32 s31, $0x2;
	v3 =	vld [tilespmem:$0x1FF80]  }
0x217: {  	v14 =	vadd.f32 v45, v40;
	v45 =	vld [tilespmem:s30+$0x400]  }
0x218: {  	v40 =	vld [tilespmem:s30+$0x410]  }
0x219: {  	v0 =	vadd.f32 v0, v47;
	v47 =	vld [tilespmem:s30+$0x420]  }
0x21a: {  	v48 =	vmul.f32 v9, v48;
	v8 =	vmul.f32 v8, v38;
	v1 =	vadd.f32 v1, v62;
	v62 =	vld [tilespmem:s30+$0x450]  }
0x21b: {  	v51 =	vadd.f32 v51, v63;
	v63 =	vld [tilespmem:s30+$0x470];
	v2 =	vadd.f32 v2, v39;
	v9 =	vmul.f32 v60, v34  }
0x21c: {  	v14 =	vadd.f32 v57, v14;
	v0 =	vadd.f32 v58, v0;
	v60 =	vmul.f32 v41, v38;
	v41 =	vld [tilespmem:s30+$0x430]  }
0x21d: {  	v57 =	vmul.f32 v61, v43;
	v2 =	vadd.f32 v31, v2;
	v31 =	vld [tilespmem:s30+$0x1460];
	v1 =	vadd.f32 v9, v1  }
0x21e: {  	v61 =	vadd.f32 v55, v51;
	v28 =	vmul.f32 v28, v34;
	v0 =	vadd.f32 v49, v0;
	v49 =	vld [tilespmem:s30+$0x1410]  }
0x21f: {  	v46 =	vmul.f32 v46, v38;
	v57 =	vadd.f32 v57, v59;
	v9 =	vld [tilespmem:s30+$0x440];
	v1 =	vadd.f32 v36, v1  }
0x220: {  	v24 =	vmul.f32 v24, v50;
	v23 =	vmul.f32 v23, v43;
	v28 =	vadd.f32 v28, v14;
	v14 =	vld [tilespmem:s30+$0x1400]  }
0x221: {  	v20 =	vmul.f32 v20, v34;
	v46 =	vadd.f32 v46, v57;
	v36 =	vld [tilespmem:s30+$0x460];
	v1 =	vadd.f32 v8, v1  }
0x222: {  	v17 =	vmul.f32 v17, v50;
	v23 =	vadd.f32 v23, v28;
	v28 =	vadd.f32 v15, v42;
	v15 =	vld [tilespmem:s30+$0x1420]  }
0x223: {  	v19 =	vmul.f32 v19, v38;
	v57 =	vld [tilespmem:s30+$0x1430];
	v1 =	vadd.f32 v24, v1;
	v24 =	vadd.f32 $0.0e+00, v48  }
0x224: {  	v21 =	vmul.f32 v21, v53;
	v2 =	vadd.f32 v20, v2;
	v8 =	vld [tilespmem:s30+$0x5430];
	v17 =	vadd.f32 v17, v46  }
0x225: {  	v16 =	vmul.f32 v16, v50;
	v19 =	vadd.f32 v19, v23;
	v46 =	vld [tilespmem:s30+$0x1470];
	v24 =	vadd.f32 v44, v24  }
0x226: {  	v20 =	vadd.f32 v27, v61;
	v17 =	vadd.f32 v21, v17;
	v44 =	vld [tilespmem:s30+$0x1440]  }
0x227: {  	v13 =	vmul.f32 v13, v53;
	v16 =	vadd.f32 v16, v19;
	v24 =	vadd.f32 v52, v24;
	v52 =	vld [tilespmem:s30+$0x1450]  }
0x228: {  	[tilespmem:s26+$0x8450] =	vst v17;
	v17 =	vmul.f32 v5, v50;
	v5 =	vadd.f32 v30, v20;
	v20 =	vmul.f32 v3, v53;
	v3 =	vld [tilespmem:$0x1FF70];
	_ =	sdelay $0x1  }
0x229: {  	v13 =	vadd.f32 v13, v16  }
0x22a: {  	v23 =	vadd.f32 v56, v28  }
0x22b: {  	[tilespmem:s26+$0x8410] =	vst v13  }
0x22c: {  	v19 =	vadd.f32 v35, v23;
	v23 =	vmul.f32 v3, v53;
	v3 =	vld [tilespmem:s30+$0x7420];
	_ =	sdelay $0x4  }
0x22d: {  	[tilespmem:$0x1FF70] =	vst v3;
	v3 =	vld [tilespmem:s30+$0x7400]  }
0x22e: {  	v22 =	vmul.f32 v22, v34;
	_ =	sdelay $0x1  }
0x22f: {  	v0 =	vadd.f32 v54, v0;
	v16 =	vadd.f32 v22, v24;
	v22 =	vld [tilespmem:s26+$0x7430]  }
0x230: {  	v18 =	vmul.f32 v18, v38;
	v2 =	vadd.f32 v33, v2;
	v21 =	vmul.f32 v6, v50;
	v6 =	vld [tilespmem:s26+$0x7440]  }
0x231: {  	v12 =	vmul.f32 v12, v50;
	v0 =	vadd.f32 v60, v0;
	v16 =	vadd.f32 v29, v16;
	[tilespmem:$0x1FF80] =	vst v3;
	v3 =	vld [tilespmem:$0x1FF60]  }
0x232: {  	v10 =	vmul.f32 v10, v50;
	v2 =	vadd.f32 v18, v2;
	v19 =	vadd.f32 v25, v19  }
0x233: {  	v7 =	vmul.f32 v7, v50;
	v13 =	vld [tilespmem:s30+$0x7460];
	v18 =	vadd.f32 v32, v5;
	v16 =	vadd.f32 v37, v16  }
0x234: {  	v0 =	vadd.f32 v12, v0;
	v19 =	vadd.f32 v26, v19;
	v5 =	vld [tilespmem:s30+$0x6420];
	v12 =	vmul.f32 v22, v53  }
0x235: {  	v18 =	vadd.f32 v10, v18;
	v10 =	vld [tilespmem:s30+$0x6460];
	v4 =	vadd.f32 v7, v16;
	v16 =	vmul.f32 v6, v53  }
0x236: {  	v2 =	vadd.f32 v21, v2;
	v6 =	vld [tilespmem:s30+$0x6400];
	v1 =	vadd.f32 v12, v1;
	v24 =	vmul.f32 v3, v53  }
0x237: {  	v7 =	vld [tilespmem:s30+$0x6440];
	v21 =	vadd.f32 v16, v4;
	v16 =	vadd.f32 v17, v19  }
0x238: {  	v11 =	vmul.f32 v11, v53;
	v12 =	vld [tilespmem:s30+$0x6470];
	v17 =	vadd.f32 v24, v18  }
0x239: {  	v3 =	vmov v13;
	v13 =	vld [tilespmem:s30+$0x7410];
	[tilespmem:s26+$0x8430] =	vst v1;
	v18 =	vadd.f32 v23, v16  }
0x23a: {  	v0 =	vadd.f32 v11, v0;
	v11 =	vld [tilespmem:s30+$0x7470];
	[tilespmem:s26+$0x8460] =	vst v17  }
0x23b: {  	v16 =	vld [tilespmem:s30+$0x6410];
	[tilespmem:s26+$0x8420] =	vst v18  }
0x23c: {  	v2 =	vadd.f32 v20, v2;
	v17 =	vld [tilespmem:s30+$0x6450];
	[tilespmem:s26+$0x8440] =	vst v21  }
0x23d: {  	v19 =	vld [tilespmem:s30+$0x5410];
	[tilespmem:s26+$0x8470] =	vst v0  }
0x23e: {  	v18 =	vld [tilespmem:s30+$0x5400];
	[tilespmem:s26+$0x8400] =	vst v2;
	s26 =	smov.u32 s30  }
0x23f: {  	v20 =	vld [tilespmem:s26+$0x3400]  }
0x240: {  	v21 =	vld [tilespmem:s26+$0x7450]  }
0x241: {  	v23 =	vld [tilespmem:s26+$0x4410]  }
0x242: {  	v24 =	vld [tilespmem:s26+$0x6430]  }
0x243: {  	v22 =	vld [tilespmem:s26+$0x3440]  }
0x244: {  	v28 =	vld [tilespmem:s26+$0x3410]  }
0x245: {  	v0 =	vld [tilespmem:s26+$0x5440]  }
0x246: {  	v1 =	vld [tilespmem:s26+$0x4430]  }
0x247: {  	v2 =	vld [tilespmem:s26+$0x3450]  }
0x248: {  	v26 =	vld [tilespmem:s26+$0x4440]  }
0x249: {  	v32 =	vld [tilespmem:s26+$0x2450]  }
0x24a: {  	v37 =	vld [tilespmem:s26+$0x5460]  }
0x24b: {  	v33 =	vld [tilespmem:s26+$0x4400]  }
0x24c: {  	s28 =	sadd.s32 $0x1, s28;
	v30 =	vld [tilespmem:s26+$0x4460]  }
0x24d: {  	v48 =	vld.msk [tilespmem:s28+$0xFFFFFF80 ss:$0x0], $0xffff  }
0x24e: {  	v25 =	vld [tilespmem:s26+$0x3460]  }
0x24f: {  	v53 =	vld.msk [tilespmem:s28+$0xFFFFFFA0 ss:$0x0], $0xffff  }
0x250: {  	[tilespmem:$0x1FF60] =	vst v3;
	v3 =	vld.msk [tilespmem:s28+$0xFFFFFFC0 ss:$0x0], $0xffff  }
0x251: {  	v29 =	vld [tilespmem:s26+$0x2400]  }
0x252: {  	v27 =	vld [tilespmem:s26+$0x2460]  }
0x253: {  	v34 =	vld.msk [tilespmem:s28+$0xFFFFFFE0 ss:$0x0], $0xffff;
	v58 =	vmul.f32 v45, v48;
	v59 =	vmul.f32 v63, v48  }
0x254: {  	v43 =	vld.msk [tilespmem:s28+$0x0 ss:$0x0], $0xffff;
	v60 =	vmul.f32 v47, v48;
	v61 =	vmul.f32 v62, v48  }
0x255: {  	v38 =	vld.msk [tilespmem:s28+$0x20 ss:$0x0], $0xffff;
	v51 =	vmul.f32 v31, v53;
	v56 =	vmul.f32 v57, v53  }
0x256: {  	v54 =	vld [tilespmem:s26+$0x2440];
	v52 =	vmul.f32 v52, v53;
	v31 =	vmul.f32 v29, v3  }
0x257: {  	v4 =	vld [tilespmem:s26+$0x2430];
	v29 =	vmul.f32 v40, v48;
	v55 =	vmul.f32 v27, v3  }
0x258: {  	v62 =	vld [tilespmem:s26+$0x3420];
	v27 =	vmul.f32 v25, v34;
	v41 =	vmul.f32 v41, v48  }
0x259: {  	v63 =	vld [tilespmem:s26+$0x4420];
	v44 =	vmul.f32 v44, v53;
	v45 =	vmul.f32 v49, v53  }
0x25a: {  	v57 =	vld [tilespmem:s26+$0x5420];
	v30 =	vmul.f32 v30, v43;
	v33 =	vmul.f32 v33, v43;
	v39 =	vadd.f32 $0.0e+00, v58  }
0x25b: {  	v49 =	vld [tilespmem:s26+$0x3470];
	v2 =	vmul.f32 v2, v34;
	v47 =	vadd.f32 $0.0e+00, v59;
	v42 =	vadd.f32 $0.0e+00, v60  }
0x25c: {  	v50 =	vadd.f32 $0.0e+00, v61;
	v58 =	vld [tilespmem:s26+$0x2410];
	v40 =	vadd.f32 $0.0e+00, v29;
	v29 =	vmul.f32 v26, v43  }
0x25d: {  	v59 =	vld [tilespmem:s26+$0x2470];
	v60 =	vadd.f32 $0.0e+00, v41;
	v61 =	vmul.f32 v32, v3;
	v32 =	vmul.f32 v37, v38  }
0x25e: {  	v37 =	vmul.f32 v0, v38;
	v0 =	vmul.f32 v36, v48;
	v41 =	vadd.f32 v52, v50;
	v50 =	vld [tilespmem:s26+$0x2420]  }
0x25f: {  	p0 =	sne.s32 s31, $0x3E00;
	v36 =	vmul.f32 v1, v43;
	v25 =	vmul.f32 v63, v43;
	v63 =	vld [tilespmem:s26+$0x4470]  }
.Ltmp10:
0x260: {  	v1 =	vmul.f32 v4, v3;
	v35 =	vmul.f32 v62, v34;
	v62 =	vadd.f32 v56, v60;
	v60 =	vld [tilespmem:s26+$0x3430];
	(pc) =	sbr.rel @p0 .LBB2_10-.Ltmp10, $4  }
0x261: {  	v52 =	vmul.f32 v54, v3;
	v26 =	vmul.f32 v57, v38;
	v54 =	vadd.f32 v61, v41;
	v41 =	vld [tilespmem:s26+$0x5470]  }
0x262: {  	s29 =	smov.u32 s31;
	v49 =	vmul.f32 v49, v34;
	v61 =	vld [tilespmem:s26+$0x4450];
	v57 =	vmul.f32 v58, v3  }
0x263: {  	s29 =	sadd.s32 $0x200, s31;
	v58 =	vmul.f32 v59, v3;
	v59 =	vadd.f32 v2, v54;
	v56 =	vmul.f32 v50, v3;
	v50 =	vld.msk [tilespmem:s28+$0x40 ss:$0x0], $0xffff  }
0x264: {  	s31 =	smov.u32 s29;
	v54 =	vmul.f32 v63, v43;
	v63 =	vadd.f32 $0.0e+00, v0;
	v0 =	vmul.f32 v46, v53;
	v46 =	vld [tilespmem:s26+$0x5450]  }
0x265: {  	v2 =	vadd.f32 v45, v40;
	v3 =	vmul.f32 v60, v34;
	v4 =	vmul.f32 v14, v53  }
0x266: {  	v1 =	vadd.f32 v1, v62;
	v53 =	vmul.f32 v15, v53;
	v60 =	vmul.f32 v9, v48  }
0x267: {  	v8 =	vmul.f32 v8, v38;
	v28 =	vmul.f32 v28, v34;
	v0 =	vadd.f32 v0, v47  }
0x268: {  	v23 =	vmul.f32 v23, v43;
	v2 =	vadd.f32 v57, v2;
	v1 =	vadd.f32 v3, v1  }
0x269: {  	v57 =	vmul.f32 v61, v43;
	v61 =	vadd.f32 v51, v63;
	v3 =	vadd.f32 $0.0e+00, v60  }
0x26a: {  	v18 =	vmul.f32 v18, v38;
	v4 =	vadd.f32 v4, v39;
	v14 =	vadd.f32 v53, v42  }
0x26b: {  	v41 =	vmul.f32 v41, v38;
	v0 =	vadd.f32 v58, v0;
	v15 =	vadd.f32 v57, v59  }
0x26c: {  	v47 =	vmul.f32 v22, v34;
	v1 =	vadd.f32 v36, v1;
	v9 =	vadd.f32 v55, v61  }
0x26d: {  	v43 =	vmul.f32 v19, v38;
	v2 =	vadd.f32 v28, v2;
	v3 =	vadd.f32 v44, v3  }
0x26e: {  	v62 =	vmul.f32 v46, v38;
	v14 =	vadd.f32 v56, v14;
	v4 =	vadd.f32 v31, v4  }
0x26f: {  	v51 =	vmul.f32 v20, v34;
	v0 =	vadd.f32 v49, v0;
	v1 =	vadd.f32 v8, v1  }
0x270: {  	v63 =	vmul.f32 v24, v50;
	v15 =	vadd.f32 v62, v15;
	v2 =	vadd.f32 v23, v2  }
0x271: {  	v17 =	vmul.f32 v17, v50;
	v3 =	vadd.f32 v52, v3;
	v14 =	vadd.f32 v35, v14  }
0x272: {  	v53 =	vmul.f32 v12, v50;
	v36 =	vld.msk [tilespmem:s28+$0x60 ss:$0x0], $0xffff;
	v9 =	vadd.f32 v27, v9;
	v4 =	vadd.f32 v51, v4  }
0x273: {  	v10 =	vmul.f32 v10, v50;
	v55 =	vld [tilespmem:s26+$0x7430];
	v0 =	vadd.f32 v54, v0;
	v1 =	vadd.f32 v63, v1  }
0x274: {  	v7 =	vmul.f32 v7, v50;
	v2 =	vadd.f32 v43, v2;
	v15 =	vadd.f32 v17, v15  }
0x275: {  	v46 =	vmul.f32 v16, v50;
	v3 =	vadd.f32 v47, v3;
	v9 =	vadd.f32 v30, v9  }
0x276: {  	v6 =	vmul.f32 v6, v50;
	v56 =	vadd.f32 v25, v14;
	v4 =	vadd.f32 v33, v4  }
0x277: {  	v57 =	vld [tilespmem:$0x1FF60];
	v45 =	vmul.f32 v21, v36;
	v0 =	vadd.f32 v41, v0;
	v2 =	vadd.f32 v46, v2  }
0x278: {  	v58 =	vld [tilespmem:$0x1FF70];
	v12 =	vmul.f32 v55, v36;
	v3 =	vadd.f32 v29, v3;
	v9 =	vadd.f32 v32, v9  }
0x279: {  	v63 =	vld [tilespmem:$0x1FF80];
	v48 =	vmul.f32 v13, v36;
	v13 =	vadd.f32 v26, v56;
	v4 =	vadd.f32 v18, v4  }
0x27a: {  	v5 =	vmul.f32 v5, v50;
	v52 =	vld [tilespmem:s26+$0x7440];
	v49 =	vadd.f32 v45, v15;
	v1 =	vadd.f32 v12, v1  }
0x27b: {  	v62 =	vmul.f32 v11, v36;
	v0 =	vadd.f32 v53, v0;
	v2 =	vadd.f32 v48, v2  }
0x27c: {  	v14 =	vmul.f32 v57, v36;
	v3 =	vadd.f32 v37, v3;
	v9 =	vadd.f32 v10, v9;
	[tilespmem:s26+$0x8450] =	vst v49  }
0x27d: {  	v10 =	vmul.f32 v58, v36;
	v5 =	vadd.f32 v5, v13;
	[tilespmem:s26+$0x8430] =	vst v1;
	v0 =	vadd.f32 v62, v0  }
0x27e: {  	v4 =	vadd.f32 v6, v4;
	v1 =	vmul.f32 v63, v36;
	[tilespmem:s26+$0x8410] =	vst v2;
	v61 =	vadd.f32 v14, v9  }
0x27f: {  	v60 =	vmul.f32 v52, v36;
	v59 =	vadd.f32 v7, v3;
	v5 =	vadd.f32 v10, v5;
	[tilespmem:s26+$0x8470] =	vst v0  }
0x280: {  	v1 =	vadd.f32 v1, v4;
	[tilespmem:s26+$0x8460] =	vst v61  }
0x281: {  	v2 =	vadd.f32 v60, v59;
	[tilespmem:s26+$0x8420] =	vst v5  }
0x282: {  	s25 =	sshll.u32 s25, $0x9;
	[tilespmem:s26+$0x8400] =	vst v1  }
.Ltmp11:
0x283: {  	s25 =	sadd.s32 s25, s10;
	[tilespmem:s26+$0x8440] =	vst v2;
	(pc) =	sbr.rel .LBB2_12-.Ltmp11, $4  }
0x284: {  	[hbm4b:s25+s6] =	stream.linear.scatter [tilespmem:s21], [sflag:$0x2], $0x1000, $0x38;
	[tilespmem:$0x9400] =	vst v63  }
0x285: {  	_ =	swait.ge [sflag:s22], $0x1000  }
0x286: {  	[sflag:s22] =	ssyncset.done $0x0  }
0x287: {  	[sflag:s22] =	ssyncadd.s32 $0xFFFFF000  }
.LBB2_14:
0x288: {  	_ =	sfence.sel $0x180000  }
0x289: {  	[bflag:$0x0] =	sbarrier.arrive $0xFFFF  }
0x28a: {  	p0 =	sne.s32 s7, $0x0;
	_ =	strace $0x90000047  }
0x28b: {  	s0 =	sadd.s32 @!p0 $0x100000, s0;
	[bflag:$0x2] =	sbarrier.arrive $0xFFFF  }
0x28c: {  	[sflag:s0] =	ssyncadd.tile.s32 @!p0 $0x1;
	_ =	shalt  }
.Lfunc_end2:
_tile_overlayer_lowered:
.L_overlay_start_2:
0x28d: {  	(tag) =	ssettag $0x2  }
0x28e: {  	s0 =	rddreg [dreg:$0x0];
	s2 =	stileid.u32  }
0x28f: {  	s1 =	rddreg [dreg:$0x1];
	p0 =	sne.s32 s2, $0x0  }
0x290: {  	s3 =	rddreg [dreg:$0x2];
	[bflag:$0x3] =	sbarrier.arrive $0xFFFF;
	s2 =	simm.s32 @!p0 $0x1C02  }
0x291: {  	[timem:s3], [sflag:s2] =	dma.local @!p0 [hbm:s0], s1  }
0x292: {  	s0 =	simm.s32 @!p0 $0x2  }
0x293: {  	_ =	swait.ge @!p0 [sflag:s0], s1  }
0x294: {  	s1 =	ssub.s32 @!p0 $0x0, s1;
	[sflag:s0] =	ssyncset.done @!p0 $0x0  }
0x295: {  	[sflag:s0] =	ssyncadd.s32 @!p0 s1  }
0x296: {  	[bflag:$0x3] =	sbarrier.arrive $0xFFFF  }
0x297: {  	_ =	shalt  }

</sc_bundles>
